<compile_context>
chip_gen: v7x
topology: tpu7x:2x2x1
jax: 0.10.2.dev20260603
libtpu: 0.0.44.dev20260713+nightly
codegen_flags: <defaults>
</compile_context>

<pallas_src>
import functools

import jax
import jax.numpy as jnp
from jax import lax
from jax.experimental import pallas as pl
from jax.experimental.pallas import tpu as pltpu
from jax.experimental.pallas import tpu_sc as plsc

N, D, C, H, E = 2048, 768, 32, 1536, 8
MT = 256
T = 24
P = MT * T
NW = 32
TOK = N // NW
L = 16
WL = 128



def _plan_body(z_ref, rw_ref, rb_ref, probs_ref, zp_ref, dA_ref, dB_ref,
               wA_ref, wB_ref, te_ref, tv_ref):
    zf = z_ref[0]
    rlo = zf[:, :D // 2].astype(jnp.bfloat16).astype(jnp.float32)
    rhi = zf[:, D // 2:].astype(jnp.bfloat16).astype(jnp.float32)
    ulo = lax.bitcast_convert_type(rlo, jnp.uint32) >> 16
    uhi = (lax.bitcast_convert_type(rhi, jnp.uint32)
           & jnp.uint32(0xFFFF0000))
    zp_ref[...] = lax.bitcast_convert_type(ulo | uhi, jnp.float32)
    logits = jnp.dot(zf, rw_ref[...],
                     preferred_element_type=jnp.float32) + rb_ref[...]
    m = jnp.max(logits, axis=-1, keepdims=True)
    ex = jnp.exp(logits - m)
    probs = ex / jnp.sum(ex, axis=-1, keepdims=True)
    probs_ref[...] = probs

    idx = lax.broadcasted_iota(jnp.int32, (N, E), 1)
    m1 = jnp.max(probs, axis=-1, keepdims=True)
    i1 = jnp.min(jnp.where(probs == m1, idx, E), axis=-1, keepdims=True)
    ohA = (idx == i1)
    pm = jnp.where(ohA, -1.0, probs)
    m2 = jnp.max(pm, axis=-1, keepdims=True)
    i2 = jnp.min(jnp.where(pm == m2, idx, E), axis=-1, keepdims=True)
    ohB = (idx == i2)
    s = m1 + m2 + 1e-9
    wA_ref[...] = jnp.broadcast_to(m1 / s, (N, WL))
    wB_ref[...] = jnp.broadcast_to(m2 / s, (N, WL))

    ohAf = ohA.astype(jnp.float32)
    ohBf = ohB.astype(jnp.float32)
    bs = 128
    li = (lax.broadcasted_iota(jnp.int32, (bs, bs), 0)
          > lax.broadcasted_iota(jnp.int32, (bs, bs), 1)).astype(jnp.float32)
    carry = jnp.zeros((1, E), jnp.float32)
    parts = {0: [], 1: []}
    for half, oh in ((0, ohAf), (1, ohBf)):
        for blk in range(N // bs):
            xb = oh[blk * bs:(blk + 1) * bs]
            excl = jnp.dot(li, xb, preferred_element_type=jnp.float32) + carry
            parts[half].append(jnp.sum(excl * xb, axis=1, keepdims=True))
            carry = carry + jnp.sum(xb, axis=0, keepdims=True)
    rankA = jnp.concatenate(parts[0], axis=0)
    rankB = jnp.concatenate(parts[1], axis=0)
    counts = carry.astype(jnp.int32)
    padded = ((counts + (MT - 1)) // MT) * MT
    ut8 = (lax.broadcasted_iota(jnp.int32, (E, E), 0)
           <= lax.broadcasted_iota(jnp.int32, (E, E), 1)).astype(jnp.float32)
    offs_incl = jnp.dot(padded.astype(jnp.float32), ut8,
                        preferred_element_type=jnp.float32).astype(jnp.int32)
    offs_excl = offs_incl - padded
    offs_excl_f = offs_excl.astype(jnp.float32)
    dA_ref[...] = (jnp.sum(ohAf * offs_excl_f, axis=1, keepdims=True)
                   + rankA).astype(jnp.int32)
    dB_ref[...] = (jnp.sum(ohBf * offs_excl_f, axis=1, keepdims=True)
                   + rankB).astype(jnp.int32)

    jv = lax.broadcasted_iota(jnp.int32, (1, T), 1)
    ot = offs_excl // MT
    acc = jnp.full((1, T), -1, jnp.int32)
    for e in range(E):
        acc = acc + (jv >= ot[0:1, e:e + 1]).astype(jnp.int32)
    te_ref[...] = acc
    tv_ref[...] = (jv < offs_incl[0:1, E - 1:E] // MT).astype(jnp.int32)


def _run_plan(z3, router_W, router_b):
    return pl.pallas_call(
        _plan_body,
        out_shape=(
            jax.ShapeDtypeStruct((N, E), jnp.float32),
            jax.ShapeDtypeStruct((N, D // 2), jnp.float32),
            jax.ShapeDtypeStruct((N, 1), jnp.int32),
            jax.ShapeDtypeStruct((N, 1), jnp.int32),
            jax.ShapeDtypeStruct((N, WL), jnp.float32),
            jax.ShapeDtypeStruct((N, WL), jnp.float32),
            jax.ShapeDtypeStruct((1, T), jnp.int32),
            jax.ShapeDtypeStruct((1, T), jnp.int32),
        ),
    )(z3, router_W, router_b.reshape(1, E))



@functools.cache
def _make_sc_dispatch():
    mesh = plsc.VectorSubcoreMesh(core_axis_name="c", subcore_axis_name="s")

    @functools.partial(
        pl.kernel,
        out_type=(
            jax.ShapeDtypeStruct((P, D // 2), jnp.float32),
            jax.ShapeDtypeStruct((P, WL), jnp.float32),
        ),
        mesh=mesh,
        scratch_types=[
            pltpu.VMEM((TOK, D // 2), jnp.float32),
            pltpu.VMEM((TOK, WL), jnp.float32),
            pltpu.VMEM((TOK, WL), jnp.float32),
            pltpu.VMEM((TOK,), jnp.int32),
            pltpu.VMEM((TOK,), jnp.int32),
            pltpu.SemaphoreType.DMA,
        ],
    )
    def _sc_dispatch_k(z_hbm, dA_hbm, dB_hbm, wA_hbm, wB_hbm, xs_hbm, sw_hbm,
                       rows_v, wA_v, wB_v, idxA_v, idxB_v, sem):
        wid = lax.axis_index("s") * 2 + lax.axis_index("c")
        base = wid * TOK
        pltpu.sync_copy(z_hbm.at[pl.ds(base, TOK)], rows_v)
        pltpu.sync_copy(dA_hbm.at[pl.ds(base, TOK)], idxA_v)
        pltpu.sync_copy(dB_hbm.at[pl.ds(base, TOK)], idxB_v)
        pltpu.sync_copy(wA_hbm.at[pl.ds(base, TOK)], wA_v)
        pltpu.sync_copy(wB_hbm.at[pl.ds(base, TOK)], wB_v)
        c1 = pltpu.async_copy(rows_v, xs_hbm.at[idxA_v], sem)
        c2 = pltpu.async_copy(rows_v, xs_hbm.at[idxB_v], sem)
        c3 = pltpu.async_copy(wA_v, sw_hbm.at[idxA_v], sem)
        c4 = pltpu.async_copy(wB_v, sw_hbm.at[idxB_v], sem)
        c1.wait()
        c2.wait()
        c3.wait()
        c4.wait()

    return _sc_dispatch_k


def _sc_dispatch(z2, dA1, dB1, wA, wB):
    return _make_sc_dispatch()(z2, dA1, dB1, wA, wB)



def _grn_body(te_ref, tv_ref, x_ref, sw_ref, cc_ref, W2_ref, b2_ref, W3_ref,
              W1_ref, b1_ref, W4_ref, b4_ref, W5_ref, b5_ref, g_ref, bn_ref,
              y_ref):
    j = pl.program_id(0)

    @pl.when(tv_ref[0, j] == 1)
    def _():
        u = lax.bitcast_convert_type(x_ref[...], jnp.uint32)
        xlo = lax.bitcast_convert_type(u << 16, jnp.float32)
        xhi = lax.bitcast_convert_type(u & jnp.uint32(0xFFFF0000),
                                       jnp.float32)
        x = jnp.concatenate([xlo, xhi], axis=1)
        cvec = jnp.dot(cc_ref[...], W3_ref[0],
                       preferred_element_type=jnp.float32) + b2_ref[0]
        h = jnp.dot(x, W2_ref[0], preferred_element_type=jnp.float32) + cvec
        h = jnp.where(h > 0, h, jnp.exp(jnp.minimum(h, 0.0)) - 1.0)
        h2 = jnp.dot(h, W1_ref[0],
                     preferred_element_type=jnp.float32) + b1_ref[0]
        a = jnp.dot(h2, W4_ref[0],
                    preferred_element_type=jnp.float32) + b4_ref[0]
        b = jnp.dot(h2, W5_ref[0],
                    preferred_element_type=jnp.float32) + b5_ref[0]
        glu = a * (1.0 / (1.0 + jnp.exp(-b)))
        r = x + glu
        mu = jnp.mean(r, axis=-1, keepdims=True)
        var = jnp.mean(r * r, axis=-1, keepdims=True) - mu * mu
        y = (r - mu) * lax.rsqrt(var + 1e-5) * g_ref[0] + bn_ref[0]
        y_ref[...] = y * sw_ref[:, 0:1]


def _run_grn(te, tv, xs, sw, c_c, W2, b2, W3, W1, b1, W4, b4, W5, b5,
             ln_g, ln_b):
    ee = lambda j, te_r, tv_r: (te_r[0, j], 0, 0)
    grid_spec = pltpu.PrefetchScalarGridSpec(
        num_scalar_prefetch=2,
        grid=(T,),
        in_specs=[
            pl.BlockSpec((MT, D // 2),
                         lambda j, te_r, tv_r: (jnp.where(tv_r[0, j] == 1, j, T - 1), 0)),
            pl.BlockSpec((MT, WL),
                         lambda j, te_r, tv_r: (jnp.where(tv_r[0, j] == 1, j, T - 1), 0)),
            pl.BlockSpec((1, C), lambda j, te_r, tv_r: (0, 0)),
            pl.BlockSpec((1, D, H), ee),
            pl.BlockSpec((1, 1, H), ee),
            pl.BlockSpec((1, C, H), ee),
            pl.BlockSpec((1, H, D), ee),
            pl.BlockSpec((1, 1, D), ee),
            pl.BlockSpec((1, D, D), ee),
            pl.BlockSpec((1, 1, D), ee),
            pl.BlockSpec((1, D, D), ee),
            pl.BlockSpec((1, 1, D), ee),
            pl.BlockSpec((1, 1, D), ee),
            pl.BlockSpec((1, 1, D), ee),
        ],
        out_specs=pl.BlockSpec(
            (MT, D), lambda j, te_r, tv_r: (jnp.where(tv_r[0, j] == 1, j, T - 1), 0)),
    )
    return pl.pallas_call(
        _grn_body,
        grid_spec=grid_spec,
        out_shape=jax.ShapeDtypeStruct((P, D), jnp.float32),
    )(te, tv, xs, sw, c_c, W2, b2.reshape(E, 1, H), W3, W1,
      b1.reshape(E, 1, D),
      W4, b4.reshape(E, 1, D), W5, b5.reshape(E, 1, D),
      ln_g.reshape(E, 1, D), ln_b.reshape(E, 1, D))



@functools.cache
def _make_sc_combine():
    mesh = plsc.VectorSubcoreMesh(core_axis_name="c", subcore_axis_name="s")

    @functools.partial(
        pl.kernel,
        out_type=jax.ShapeDtypeStruct((N, D), jnp.float32),
        mesh=mesh,
        scratch_types=[
            pltpu.VMEM((TOK, D), jnp.float32),
            pltpu.VMEM((TOK, D), jnp.float32),
            pltpu.VMEM((TOK,), jnp.int32),
            pltpu.VMEM((TOK,), jnp.int32),
            pltpu.SemaphoreType.DMA,
        ],
    )
    def _sc_combine_k(y_hbm, dA_hbm, dB_hbm, out_hbm,
                      bufA, bufB, idxA, idxB, sem):
        wid = lax.axis_index("s") * 2 + lax.axis_index("c")
        base = wid * TOK
        pltpu.sync_copy(dA_hbm.at[pl.ds(base, TOK)], idxA)
        pltpu.sync_copy(dB_hbm.at[pl.ds(base, TOK)], idxB)
        c1 = pltpu.async_copy(y_hbm.at[idxA], bufA, sem)
        c2 = pltpu.async_copy(y_hbm.at[idxB], bufB, sem)
        c1.wait()
        c2.wait()

        def row(r, carry):
            for k in range(D // L):
                sl = pl.ds(k * L, L)
                bufA[r, sl] = bufA[r, sl] + bufB[r, sl]
            return carry

        lax.fori_loop(0, TOK, row, 0)
        pltpu.sync_copy(bufA, out_hbm.at[pl.ds(base, TOK)])

    return _sc_combine_k


def _sc_combine(ys, dA1, dB1):
    return _make_sc_combine()(ys, dA1, dB1)



def kernel(z, c_c, router_W, router_b, W2, b2, W3, W1, b1, W4, b4, W5, b5,
           ln_g, ln_b):
    probs, zp, dA, dB, wA, wB, te, tv = _run_plan(z, router_W, router_b)
    dA1 = dA.reshape(N)
    dB1 = dB.reshape(N)
    xs, sw = _sc_dispatch(zp, dA1, dB1, wA, wB)
    ys = _run_grn(te, tv, xs, sw, c_c, W2, b2, W3, W1,
                  b1, W4, b4, W5, b5, ln_g, ln_b)
    out = _sc_combine(ys, dA1, dB1)
    return out.reshape(1, N, D), probs.reshape(1, N, E)

# --- scband reference (transcript-rebuilt; emitter-appended) ---
"""Pipeline reference for scband-tier2-mo-e-24206435680284 (READ-ONLY COPY).

The authoritative reference and input builder live on the scoring server;
editing this copy changes nothing except your own understanding.
"""

import jax, jax.numpy as jnp
import numpy as np

B, N, D = 1, 2048, 768
C = 32
H = 1536
E = 8
K = 2


def _p(key, shape, scale=0.02):
    return scale * jax.random.normal(key, shape, dtype=jnp.float32)


def setup_inputs(seed: int = 0) -> dict:
    key = jax.random.key(seed)
    ks = jax.random.split(key, 10)
    return {
        "z": jax.random.normal(ks[0], (B, N, D), dtype=jnp.float32),
        "c_c": jax.random.normal(ks[1], (B, C), dtype=jnp.float32),
        "router_W": _p(ks[2], (D, E)),
        "router_b": jnp.zeros((E,), jnp.float32),
        "W2": _p(ks[3], (E, D, H)),
        "b2": jnp.zeros((E, H), jnp.float32),
        "W3": _p(ks[4], (E, C, H)),
        "W1": _p(ks[5], (E, H, D)),
        "b1": jnp.zeros((E, D), jnp.float32),
        "W4": _p(ks[6], (E, D, D)),
        "b4": jnp.zeros((E, D), jnp.float32),
        "W5": _p(ks[7], (E, D, D)),
        "b5": jnp.zeros((E, D), jnp.float32),
        "ln_g": jnp.ones((E, D), jnp.float32),
        "ln_b": jnp.zeros((E, D), jnp.float32),
    }


def _layer_norm(x, g, b, eps=1e-5):
    mu = jnp.mean(x, axis=-1, keepdims=True)
    var = jnp.var(x, axis=-1, keepdims=True)
    return (x - mu) / jnp.sqrt(var + eps) * g + b


def _grn(z, c, W2, b2, W3, W1, b1, W4, b4, W5, b5, g, bn):
    # TFT-style Gated Residual Network conditioned on context c
    h = jax.nn.elu(z @ W2 + c @ W3 + b2)
    h = h @ W1 + b1
    # dropout is identity at inference
    glu = (h @ W4 + b4) * jax.nn.sigmoid(h @ W5 + b5)
    return _layer_norm(z + glu, g, bn)


def reference(z, c_c, router_W, router_b, W2, b2, W3, W1, b1, W4, b4, W5, b5, ln_g, ln_b):
    Bz, Nz, Dz = z.shape
    # router dropout is identity at inference
    router_logits = z @ router_W + router_b
    router_probs = jax.nn.softmax(router_logits, axis=-1)
    top_w, top_i = jax.lax.top_k(router_probs, K)
    top_w = top_w / (jnp.sum(top_w, axis=-1, keepdims=True) + 1e-9)
    c_exp = jnp.broadcast_to(c_c[:, None, :], (Bz, Nz, c_c.shape[-1]))
    out = jnp.zeros_like(z)
    for i in range(E):
        eo = _grn(z, c_exp, W2[i], b2[i], W3[i], W1[i], b1[i], W4[i], b4[i], W5[i], b5[i], ln_g[i], ln_b[i])
        w = jnp.sum((top_i == i).astype(z.dtype) * top_w, axis=-1)
        out = out + w[..., None] * eo
    return (out, router_probs)

if __name__ == "__main__":
    import jax
    _d = setup_inputs()
    print(jax.jit(kernel)(*tuple(_d.values())))

</pallas_src>

<mosaic_0001>
#map = affine_map<(d0, d1) -> (0, 0)>
#map1 = affine_map<(d0, d1) -> (0)>
module attributes {stable_mosaic.version = 14 : i64} {
  func.func @_sc_combine_k(%arg0: i32, %arg1: i32, %arg2: memref<6144x768xf32, #tpu.memory_space<hbm>>, %arg3: memref<2048xi32, #tpu.memory_space<hbm>>, %arg4: memref<2048xi32, #tpu.memory_space<hbm>>, %arg5: memref<2048x768xf32, #tpu.memory_space<hbm>>, %arg6: memref<64x768xf32, #tpu.memory_space<vmem>>, %arg7: memref<64x768xf32, #tpu.memory_space<vmem>>, %arg8: memref<64xi32, #tpu.memory_space<vmem>>, %arg9: memref<64xi32, #tpu.memory_space<vmem>>, %arg10: memref<!tpu.dma_semaphore, #tpu.memory_space<semaphore_mem>>) attributes {dimension_semantics = [#tpu.dimension_semantics<core_parallel>, #tpu.dimension_semantics<subcore_parallel>], iteration_bounds = array<i64: 2, 16>, scalar_prefetch = 0 : i64, scratch_operands = 5 : i64, tpu.core_type = #tpu.core_type<sc_vector_subcore>, window_params = [{transform_indices = #map}, {transform_indices = #map1}, {transform_indices = #map1}, {transform_indices = #map}]} {
    %mul3A = arith.constant 2 : i32
    %mul3A_0 = arith.muli %arg1, %mul3A : i32
    %add3A = arith.addi %mul3A_0, %arg0 : i32
    %mul3A_1 = arith.constant 64 : i32
    %mul3A_2 = arith.muli %add3A, %mul3A_1 : i32
    "tpu.region"() ({
      %run_scoped3A = tpu.sem_alloc : memref<!tpu.dma_semaphore, #tpu.memory_space<semaphore_mem>>
      %dma_start3A_18 = tpu.memref_slice %arg3[%mul3A_2] : memref<2048xi32, #tpu.memory_space<hbm>> -> memref<64xi32, #tpu.memory_space<hbm>>
      %dma_start3A_19 = tpu.memref_slice %arg3[%mul3A_2] : memref<2048xi32, #tpu.memory_space<hbm>> -> memref<64xi32, #tpu.memory_space<hbm>>
      tpu.enqueue_dma source(%dma_start3A_19 : memref<64xi32, #tpu.memory_space<hbm>>) target(%arg8 : memref<64xi32, #tpu.memory_space<vmem>>) target_semaphore(%run_scoped3A : memref<!tpu.dma_semaphore, #tpu.memory_space<semaphore_mem>>)
      %dma_wait3A_20 = tpu.memref_slice %arg3[%mul3A_2] : memref<2048xi32, #tpu.memory_space<hbm>> -> memref<64xi32, #tpu.memory_space<hbm>>
      %dma_wait3A_21 = tpu.memref_slice %arg3[%mul3A_2] : memref<2048xi32, #tpu.memory_space<hbm>> -> memref<64xi32, #tpu.memory_space<hbm>>
      tpu.wait_dma2 semaphore(%run_scoped3A : memref<!tpu.dma_semaphore, #tpu.memory_space<semaphore_mem>>) src(%dma_wait3A_21 : memref<64xi32, #tpu.memory_space<hbm>>) dst(%arg8 : memref<64xi32, #tpu.memory_space<vmem>>)
      tpu.yield
    }) : () -> ()
    "tpu.region"() ({
      %run_scoped3A = tpu.sem_alloc : memref<!tpu.dma_semaphore, #tpu.memory_space<semaphore_mem>>
      %dma_start3A_18 = tpu.memref_slice %arg4[%mul3A_2] : memref<2048xi32, #tpu.memory_space<hbm>> -> memref<64xi32, #tpu.memory_space<hbm>>
      %dma_start3A_19 = tpu.memref_slice %arg4[%mul3A_2] : memref<2048xi32, #tpu.memory_space<hbm>> -> memref<64xi32, #tpu.memory_space<hbm>>
      tpu.enqueue_dma source(%dma_start3A_19 : memref<64xi32, #tpu.memory_space<hbm>>) target(%arg9 : memref<64xi32, #tpu.memory_space<vmem>>) target_semaphore(%run_scoped3A : memref<!tpu.dma_semaphore, #tpu.memory_space<semaphore_mem>>)
      %dma_wait3A_20 = tpu.memref_slice %arg4[%mul3A_2] : memref<2048xi32, #tpu.memory_space<hbm>> -> memref<64xi32, #tpu.memory_space<hbm>>
      %dma_wait3A_21 = tpu.memref_slice %arg4[%mul3A_2] : memref<2048xi32, #tpu.memory_space<hbm>> -> memref<64xi32, #tpu.memory_space<hbm>>
      tpu.wait_dma2 semaphore(%run_scoped3A : memref<!tpu.dma_semaphore, #tpu.memory_space<semaphore_mem>>) src(%dma_wait3A_21 : memref<64xi32, #tpu.memory_space<hbm>>) dst(%arg9 : memref<64xi32, #tpu.memory_space<vmem>>)
      tpu.yield
    }) : () -> ()
    %dma_start3A = arith.constant 0 : i32
    %dma_start3A_3 = arith.constant 0 : i32
    %dma_start3A_4 = tpu.memref_slice %arg2[%dma_start3A, %dma_start3A_3] : memref<6144x768xf32, #tpu.memory_space<hbm>> -> memref<6144x768xf32, #tpu.memory_space<hbm>>
    tpu.enqueue_indirect_dma source(%dma_start3A_4 : memref<6144x768xf32, #tpu.memory_space<hbm>>) target(%arg6 : memref<64x768xf32, #tpu.memory_space<vmem>>) offsets(%arg8 : memref<64xi32, #tpu.memory_space<vmem>>) semaphore(%arg10 : memref<!tpu.dma_semaphore, #tpu.memory_space<semaphore_mem>>)
    %dma_start3A_5 = arith.constant 0 : i32
    %dma_start3A_6 = arith.constant 0 : i32
    %dma_start3A_7 = tpu.memref_slice %arg2[%dma_start3A_5, %dma_start3A_6] : memref<6144x768xf32, #tpu.memory_space<hbm>> -> memref<6144x768xf32, #tpu.memory_space<hbm>>
    tpu.enqueue_indirect_dma source(%dma_start3A_7 : memref<6144x768xf32, #tpu.memory_space<hbm>>) target(%arg7 : memref<64x768xf32, #tpu.memory_space<vmem>>) offsets(%arg9 : memref<64xi32, #tpu.memory_space<vmem>>) semaphore(%arg10 : memref<!tpu.dma_semaphore, #tpu.memory_space<semaphore_mem>>)
    %dma_wait3A = arith.constant 0 : i32
    %dma_wait3A_8 = arith.constant 0 : i32
    %dma_wait3A_9 = tpu.memref_slice %arg2[%dma_wait3A, %dma_wait3A_8] : memref<6144x768xf32, #tpu.memory_space<hbm>> -> memref<6144x768xf32, #tpu.memory_space<hbm>>
    tpu.wait_indirect_dma semaphore(%arg10 : memref<!tpu.dma_semaphore, #tpu.memory_space<semaphore_mem>>) src(%dma_wait3A_9 : memref<6144x768xf32, #tpu.memory_space<hbm>>) dst(%arg6 : memref<64x768xf32, #tpu.memory_space<vmem>>)
    %dma_wait3A_10 = arith.constant 0 : i32
    %dma_wait3A_11 = arith.constant 0 : i32
    %dma_wait3A_12 = tpu.memref_slice %arg2[%dma_wait3A_10, %dma_wait3A_11] : memref<6144x768xf32, #tpu.memory_space<hbm>> -> memref<6144x768xf32, #tpu.memory_space<hbm>>
    tpu.wait_indirect_dma semaphore(%arg10 : memref<!tpu.dma_semaphore, #tpu.memory_space<semaphore_mem>>) src(%dma_wait3A_12 : memref<6144x768xf32, #tpu.memory_space<hbm>>) dst(%arg7 : memref<64x768xf32, #tpu.memory_space<vmem>>)
    %scan3A = arith.constant 0 : i32
    %scan3A_13 = arith.constant 0 : i32
    %scan3A_14 = arith.constant 64 : i32
    %scan3A_15 = arith.addi %scan3A_13, %scan3A_14 : i32
    %scan3A_16 = arith.constant 1 : i32
    scf.for %scan3A_18 = %scan3A_13 to %scan3A_15 step %scan3A_16  : i32 {
      %get3A = arith.index_cast %scan3A_18 : i32 to index
      %get3A_19 = arith.constant 0 : index
      %get3A_20 = tpu.vector_load %arg6[%get3A, %get3A_19] {strides = array<i32>} : memref<64x768xf32, #tpu.memory_space<vmem>>, vector<1x16xf32>,
      %get3A_21 = vector.shape_cast %get3A_20 : vector<1x16xf32> to vector<16xf32>
      %get3A_22 = arith.index_cast %scan3A_18 : i32 to index
      %get3A_23 = arith.constant 0 : index
      %get3A_24 = tpu.vector_load %arg7[%get3A_22, %get3A_23] {strides = array<i32>} : memref<64x768xf32, #tpu.memory_space<vmem>>, vector<1x16xf32>,
      %get3A_25 = vector.shape_cast %get3A_24 : vector<1x16xf32> to vector<16xf32>
      %add3A_26 = arith.addf %get3A_21, %get3A_25 : vector<16xf32>
      %swap3A = arith.index_cast %scan3A_18 : i32 to index
      %swap3A_27 = arith.constant 0 : index
      %swap3A_28 = tpu.vector_load %arg6[%swap3A, %swap3A_27] {strides = array<i32>} : memref<64x768xf32, #tpu.memory_space<vmem>>, vector<1x16xf32>,
      %swap3A_29 = vector.shape_cast %swap3A_28 : vector<1x16xf32> to vector<16xf32>
      %swap3A_30 = vector.shape_cast %add3A_26 : vector<16xf32> to vector<1x16xf32>
      tpu.vector_store %arg6[%swap3A, %swap3A_27], %swap3A_30 {strides = array<i32>} : memref<64x768xf32, #tpu.memory_space<vmem>>, vector<1x16xf32>,
      %get3A_31 = arith.index_cast %scan3A_18 : i32 to index
      %get3A_32 = arith.constant 16 : index
      %get3A_33 = tpu.vector_load %arg6[%get3A_31, %get3A_32] {strides = array<i32>} : memref<64x768xf32, #tpu.memory_space<vmem>>, vector<1x16xf32>,
      %get3A_34 = vector.shape_cast %get3A_33 : vector<1x16xf32> to vector<16xf32>
      %get3A_35 = arith.index_cast %scan3A_18 : i32 to index
      %get3A_36 = arith.constant 16 : index
      %get3A_37 = tpu.vector_load %arg7[%get3A_35, %get3A_36] {strides = array<i32>} : memref<64x768xf32, #tpu.memory_space<vmem>>, vector<1x16xf32>,
      %get3A_38 = vector.shape_cast %get3A_37 : vector<1x16xf32> to vector<16xf32>
      %add3A_39 = arith.addf %get3A_34, %get3A_38 : vector<16xf32>
      %swap3A_40 = arith.index_cast %scan3A_18 : i32 to index
      %swap3A_41 = arith.constant 16 : index
      %swap3A_42 = tpu.vector_load %arg6[%swap3A_40, %swap3A_41] {strides = array<i32>} : memref<64x768xf32, #tpu.memory_space<vmem>>, vector<1x16xf32>,
      %swap3A_43 = vector.shape_cast %swap3A_42 : vector<1x16xf32> to vector<16xf32>
      %swap3A_44 = vector.shape_cast %add3A_39 : vector<16xf32> to vector<1x16xf32>
      tpu.vector_store %arg6[%swap3A_40, %swap3A_41], %swap3A_44 {strides = array<i32>} : memref<64x768xf32, #tpu.memory_space<vmem>>, vector<1x16xf32>,
      %get3A_45 = arith.index_cast %scan3A_18 : i32 to index
      %get3A_46 = arith.constant 32 : index
      %get3A_47 = tpu.vector_load %arg6[%get3A_45, %get3A_46] {strides = array<i32>} : memref<64x768xf32, #tpu.memory_space<vmem>>, vector<1x16xf32>,
      %get3A_48 = vector.shape_cast %get3A_47 : vector<1x16xf32> to vector<16xf32>
      %get3A_49 = arith.index_cast %scan3A_18 : i32 to index
      %get3A_50 = arith.constant 32 : index
      %get3A_51 = tpu.vector_load %arg7[%get3A_49, %get3A_50] {strides = array<i32>} : memref<64x768xf32, #tpu.memory_space<vmem>>, vector<1x16xf32>,
      %get3A_52 = vector.shape_cast %get3A_51 : vector<1x16xf32> to vector<16xf32>
      %add3A_53 = arith.addf %get3A_48, %get3A_52 : vector<16xf32>
      %swap3A_54 = arith.index_cast %scan3A_18 : i32 to index
      %swap3A_55 = arith.constant 32 : index
      %swap3A_56 = tpu.vector_load %arg6[%swap3A_54, %swap3A_55] {strides = array<i32>} : memref<64x768xf32, #tpu.memory_space<vmem>>, vector<1x16xf32>,
      %swap3A_57 = vector.shape_cast %swap3A_56 : vector<1x16xf32> to vector<16xf32>
      %swap3A_58 = vector.shape_cast %add3A_53 : vector<16xf32> to vector<1x16xf32>
      tpu.vector_store %arg6[%swap3A_54, %swap3A_55], %swap3A_58 {strides = array<i32>} : memref<64x768xf32, #tpu.memory_space<vmem>>, vector<1x16xf32>,
      %get3A_59 = arith.index_cast %scan3A_18 : i32 to index
      %get3A_60 = arith.constant 48 : index
      %get3A_61 = tpu.vector_load %arg6[%get3A_59, %get3A_60] {strides = array<i32>} : memref<64x768xf32, #tpu.memory_space<vmem>>, vector<1x16xf32>,
      %get3A_62 = vector.shape_cast %get3A_61 : vector<1x16xf32> to vector<16xf32>
      %get3A_63 = arith.index_cast %scan3A_18 : i32 to index
      %get3A_64 = arith.constant 48 : index
      %get3A_65 = tpu.vector_load %arg7[%get3A_63, %get3A_64] {strides = array<i32>} : memref<64x768xf32, #tpu.memory_space<vmem>>, vector<1x16xf32>,
      %get3A_66 = vector.shape_cast %get3A_65 : vector<1x16xf32> to vector<16xf32>
      %add3A_67 = arith.addf %get3A_62, %get3A_66 : vector<16xf32>
      %swap3A_68 = arith.index_cast %scan3A_18 : i32 to index
      %swap3A_69 = arith.constant 48 : index
      %swap3A_70 = tpu.vector_load %arg6[%swap3A_68, %swap3A_69] {strides = array<i32>} : memref<64x768xf32, #tpu.memory_space<vmem>>, vector<1x16xf32>,
      %swap3A_71 = vector.shape_cast %swap3A_70 : vector<1x16xf32> to vector<16xf32>
      %swap3A_72 = vector.shape_cast %add3A_67 : vector<16xf32> to vector<1x16xf32>
      tpu.vector_store %arg6[%swap3A_68, %swap3A_69], %swap3A_72 {strides = array<i32>} : memref<64x768xf32, #tpu.memory_space<vmem>>, vector<1x16xf32>,
      %get3A_73 = arith.index_cast %scan3A_18 : i32 to index
      %get3A_74 = arith.constant 64 : index
      %get3A_75 = tpu.vector_load %arg6[%get3A_73, %get3A_74] {strides = array<i32>} : memref<64x768xf32, #tpu.memory_space<vmem>>, vector<1x16xf32>,
      %get3A_76 = vector.shape_cast %get3A_75 : vector<1x16xf32> to vector<16xf32>
      %get3A_77 = arith.index_cast %scan3A_18 : i32 to index
      %get3A_78 = arith.constant 64 : index
      %get3A_79 = tpu.vector_load %arg7[%get3A_77, %get3A_78] {strides = array<i32>} : memref<64x768xf32, #tpu.memory_space<vmem>>, vector<1x16xf32>,
      %get3A_80 = vector.shape_cast %get3A_79 : vector<1x16xf32> to vector<16xf32>
      %add3A_81 = arith.addf %get3A_76, %get3A_80 : vector<16xf32>
      %swap3A_82 = arith.index_cast %scan3A_18 : i32 to index
      %swap3A_83 = arith.constant 64 : index
      %swap3A_84 = tpu.vector_load %arg6[%swap3A_82, %swap3A_83] {strides = array<i32>} : memref<64x768xf32, #tpu.memory_space<vmem>>, vector<1x16xf32>,
      %swap3A_85 = vector.shape_cast %swap3A_84 : vector<1x16xf32> to vector<16xf32>
      %swap3A_86 = vector.shape_cast %add3A_81 : vector<16xf32> to vector<1x16xf32>
      tpu.vector_store %arg6[%swap3A_82, %swap3A_83], %swap3A_86 {strides = array<i32>} : memref<64x768xf32, #tpu.memory_space<vmem>>, vector<1x16xf32>,
      %get3A_87 = arith.index_cast %scan3A_18 : i32 to index
      %get3A_88 = arith.constant 80 : index
      %get3A_89 = tpu.vector_load %arg6[%get3A_87, %get3A_88] {strides = array<i32>} : memref<64x768xf32, #tpu.memory_space<vmem>>, vector<1x16xf32>,
      %get3A_90 = vector.shape_cast %get3A_89 : vector<1x16xf32> to vector<16xf32>
      %get3A_91 = arith.index_cast %scan3A_18 : i32 to index
      %get3A_92 = arith.constant 80 : index
      %get3A_93 = tpu.vector_load %arg7[%get3A_91, %get3A_92] {strides = array<i32>} : memref<64x768xf32, #tpu.memory_space<vmem>>, vector<1x16xf32>,
      %get3A_94 = vector.shape_cast %get3A_93 : vector<1x16xf32> to vector<16xf32>
      %add3A_95 = arith.addf %get3A_90, %get3A_94 : vector<16xf32>
      %swap3A_96 = arith.index_cast %scan3A_18 : i32 to index
      %swap3A_97 = arith.constant 80 : index
      %swap3A_98 = tpu.vector_load %arg6[%swap3A_96, %swap3A_97] {strides = array<i32>} : memref<64x768xf32, #tpu.memory_space<vmem>>, vector<1x16xf32>,
      %swap3A_99 = vector.shape_cast %swap3A_98 : vector<1x16xf32> to vector<16xf32>
      %swap3A_100 = vector.shape_cast %add3A_95 : vector<16xf32> to vector<1x16xf32>
      tpu.vector_store %arg6[%swap3A_96, %swap3A_97], %swap3A_100 {strides = array<i32>} : memref<64x768xf32, #tpu.memory_space<vmem>>, vector<1x16xf32>,
      %get3A_101 = arith.index_cast %scan3A_18 : i32 to index
      %get3A_102 = arith.constant 96 : index
      %get3A_103 = tpu.vector_load %arg6[%get3A_101, %get3A_102] {strides = array<i32>} : memref<64x768xf32, #tpu.memory_space<vmem>>, vector<1x16xf32>,
      %get3A_104 = vector.shape_cast %get3A_103 : vector<1x16xf32> to vector<16xf32>
      %get3A_105 = arith.index_cast %scan3A_18 : i32 to index
      %get3A_106 = arith.constant 96 : index
      %get3A_107 = tpu.vector_load %arg7[%get3A_105, %get3A_106] {strides = array<i32>} : memref<64x768xf32, #tpu.memory_space<vmem>>, vector<1x16xf32>,
      %get3A_108 = vector.shape_cast %get3A_107 : vector<1x16xf32> to vector<16xf32>
      %add3A_109 = arith.addf %get3A_104, %get3A_108 : vector<16xf32>
      %swap3A_110 = arith.index_cast %scan3A_18 : i32 to index
      %swap3A_111 = arith.constant 96 : index
      %swap3A_112 = tpu.vector_load %arg6[%swap3A_110, %swap3A_111] {strides = array<i32>} : memref<64x768xf32, #tpu.memory_space<vmem>>, vector<1x16xf32>,
      %swap3A_113 = vector.shape_cast %swap3A_112 : vector<1x16xf32> to vector<16xf32>
      %swap3A_114 = vector.shape_cast %add3A_109 : vector<16xf32> to vector<1x16xf32>
      tpu.vector_store %arg6[%swap3A_110, %swap3A_111], %swap3A_114 {strides = array<i32>} : memref<64x768xf32, #tpu.memory_space<vmem>>, vector<1x16xf32>,
      %get3A_115 = arith.index_cast %scan3A_18 : i32 to index
      %get3A_116 = arith.constant 112 : index
      %get3A_117 = tpu.vector_load %arg6[%get3A_115, %get3A_116] {strides = array<i32>} : memref<64x768xf32, #tpu.memory_space<vmem>>, vector<1x16xf32>,
      %get3A_118 = vector.shape_cast %get3A_117 : vector<1x16xf32> to vector<16xf32>
      %get3A_119 = arith.index_cast %scan3A_18 : i32 to index
      %get3A_120 = arith.constant 112 : index
      %get3A_121 = tpu.vector_load %arg7[%get3A_119, %get3A_120] {strides = array<i32>} : memref<64x768xf32, #tpu.memory_space<vmem>>, vector<1x16xf32>,
      %get3A_122 = vector.shape_cast %get3A_121 : vector<1x16xf32> to vector<16xf32>
      %add3A_123 = arith.addf %get3A_118, %get3A_122 : vector<16xf32>
      %swap3A_124 = arith.index_cast %scan3A_18 : i32 to index
      %swap3A_125 = arith.constant 112 : index
      %swap3A_126 = tpu.vector_load %arg6[%swap3A_124, %swap3A_125] {strides = array<i32>} : memref<64x768xf32, #tpu.memory_space<vmem>>, vector<1x16xf32>,
      %swap3A_127 = vector.shape_cast %swap3A_126 : vector<1x16xf32> to vector<16xf32>
      %swap3A_128 = vector.shape_cast %add3A_123 : vector<16xf32> to vector<1x16xf32>
      tpu.vector_store %arg6[%swap3A_124, %swap3A_125], %swap3A_128 {strides = array<i32>} : memref<64x768xf32, #tpu.memory_space<vmem>>, vector<1x16xf32>,
      %get3A_129 = arith.index_cast %scan3A_18 : i32 to index
      %get3A_130 = arith.constant 128 : index
      %get3A_131 = tpu.vector_load %arg6[%get3A_129, %get3A_130] {strides = array<i32>} : memref<64x768xf32, #tpu.memory_space<vmem>>, vector<1x16xf32>,
      %get3A_132 = vector.shape_cast %get3A_131 : vector<1x16xf32> to vector<16xf32>
      %get3A_133 = arith.index_cast %scan3A_18 : i32 to index
      %get3A_134 = arith.constant 128 : index
      %get3A_135 = tpu.vector_load %arg7[%get3A_133, %get3A_134] {strides = array<i32>} : memref<64x768xf32, #tpu.memory_space<vmem>>, vector<1x16xf32>,
      %get3A_136 = vector.shape_cast %get3A_135 : vector<1x16xf32> to vector<16xf32>
      %add3A_137 = arith.addf %get3A_132, %get3A_136 : vector<16xf32>
      %swap3A_138 = arith.index_cast %scan3A_18 : i32 to index
      %swap3A_139 = arith.constant 128 : index
      %swap3A_140 = tpu.vector_load %arg6[%swap3A_138, %swap3A_139] {strides = array<i32>} : memref<64x768xf32, #tpu.memory_space<vmem>>, vector<1x16xf32>,
      %swap3A_141 = vector.shape_cast %swap3A_140 : vector<1x16xf32> to vector<16xf32>
      %swap3A_142 = vector.shape_cast %add3A_137 : vector<16xf32> to vector<1x16xf32>
      tpu.vector_store %arg6[%swap3A_138, %swap3A_139], %swap3A_142 {strides = array<i32>} : memref<64x768xf32, #tpu.memory_space<vmem>>, vector<1x16xf32>,
      %get3A_143 = arith.index_cast %scan3A_18 : i32 to index
      %get3A_144 = arith.constant 144 : index
      %get3A_145 = tpu.vector_load %arg6[%get3A_143, %get3A_144] {strides = array<i32>} : memref<64x768xf32, #tpu.memory_space<vmem>>, vector<1x16xf32>,
      %get3A_146 = vector.shape_cast %get3A_145 : vector<1x16xf32> to vector<16xf32>
      %get3A_147 = arith.index_cast %scan3A_18 : i32 to index
      %get3A_148 = arith.constant 144 : index
      %get3A_149 = tpu.vector_load %arg7[%get3A_147, %get3A_148] {strides = array<i32>} : memref<64x768xf32, #tpu.memory_space<vmem>>, vector<1x16xf32>,
      %get3A_150 = vector.shape_cast %get3A_149 : vector<1x16xf32> to vector<16xf32>
      %add3A_151 = arith.addf %get3A_146, %get3A_150 : vector<16xf32>
      %swap3A_152 = arith.index_cast %scan3A_18 : i32 to index
      %swap3A_153 = arith.constant 144 : index
      %swap3A_154 = tpu.vector_load %arg6[%swap3A_152, %swap3A_153] {strides = array<i32>} : memref<64x768xf32, #tpu.memory_space<vmem>>, vector<1x16xf32>,
      %swap3A_155 = vector.shape_cast %swap3A_154 : vector<1x16xf32> to vector<16xf32>
      %swap3A_156 = vector.shape_cast %add3A_151 : vector<16xf32> to vector<1x16xf32>
      tpu.vector_store %arg6[%swap3A_152, %swap3A_153], %swap3A_156 {strides = array<i32>} : memref<64x768xf32, #tpu.memory_space<vmem>>, vector<1x16xf32>,
      %get3A_157 = arith.index_cast %scan3A_18 : i32 to index
      %get3A_158 = arith.constant 160 : index
      %get3A_159 = tpu.vector_load %arg6[%get3A_157, %get3A_158] {strides = array<i32>} : memref<64x768xf32, #tpu.memory_space<vmem>>, vector<1x16xf32>,
      %get3A_160 = vector.shape_cast %get3A_159 : vector<1x16xf32> to vector<16xf32>
      %get3A_161 = arith.index_cast %scan3A_18 : i32 to index
      %get3A_162 = arith.constant 160 : index
      %get3A_163 = tpu.vector_load %arg7[%get3A_161, %get3A_162] {strides = array<i32>} : memref<64x768xf32, #tpu.memory_space<vmem>>, vector<1x16xf32>,
      %get3A_164 = vector.shape_cast %get3A_163 : vector<1x16xf32> to vector<16xf32>
      %add3A_165 = arith.addf %get3A_160, %get3A_164 : vector<16xf32>
      %swap3A_166 = arith.index_cast %scan3A_18 : i32 to index
      %swap3A_167 = arith.constant 160 : index
      %swap3A_168 = tpu.vector_load %arg6[%swap3A_166, %swap3A_167] {strides = array<i32>} : memref<64x768xf32, #tpu.memory_space<vmem>>, vector<1x16xf32>,
      %swap3A_169 = vector.shape_cast %swap3A_168 : vector<1x16xf32> to vector<16xf32>
      %swap3A_170 = vector.shape_cast %add3A_165 : vector<16xf32> to vector<1x16xf32>
      tpu.vector_store %arg6[%swap3A_166, %swap3A_167], %swap3A_170 {strides = array<i32>} : memref<64x768xf32, #tpu.memory_space<vmem>>, vector<1x16xf32>,
      %get3A_171 = arith.index_cast %scan3A_18 : i32 to index
      %get3A_172 = arith.constant 176 : index
      %get3A_173 = tpu.vector_load %arg6[%get3A_171, %get3A_172] {strides = array<i32>} : memref<64x768xf32, #tpu.memory_space<vmem>>, vector<1x16xf32>,
      %get3A_174 = vector.shape_cast %get3A_173 : vector<1x16xf32> to vector<16xf32>
      %get3A_175 = arith.index_cast %scan3A_18 : i32 to index
      %get3A_176 = arith.constant 176 : index
      %get3A_177 = tpu.vector_load %arg7[%get3A_175, %get3A_176] {strides = array<i32>} : memref<64x768xf32, #tpu.memory_space<vmem>>, vector<1x16xf32>,
      %get3A_178 = vector.shape_cast %get3A_177 : vector<1x16xf32> to vector<16xf32>
      %add3A_179 = arith.addf %get3A_174, %get3A_178 : vector<16xf32>
      %swap3A_180 = arith.index_cast %scan3A_18 : i32 to index
      %swap3A_181 = arith.constant 176 : index
      %swap3A_182 = tpu.vector_load %arg6[%swap3A_180, %swap3A_181] {strides = array<i32>} : memref<64x768xf32, #tpu.memory_space<vmem>>, vector<1x16xf32>,
      %swap3A_183 = vector.shape_cast %swap3A_182 : vector<1x16xf32> to vector<16xf32>
      %swap3A_184 = vector.shape_cast %add3A_179 : vector<16xf32> to vector<1x16xf32>
      tpu.vector_store %arg6[%swap3A_180, %swap3A_181], %swap3A_184 {strides = array<i32>} : memref<64x768xf32, #tpu.memory_space<vmem>>, vector<1x16xf32>,
      %get3A_185 = arith.index_cast %scan3A_18 : i32 to index
      %get3A_186 = arith.constant 192 : index
      %get3A_187 = tpu.vector_load %arg6[%get3A_185, %get3A_186] {strides = array<i32>} : memref<64x768xf32, #tpu.memory_space<vmem>>, vector<1x16xf32>,
      %get3A_188 = vector.shape_cast %get3A_187 : vector<1x16xf32> to vector<16xf32>
      %get3A_189 = arith.index_cast %scan3A_18 : i32 to index
      %get3A_190 = arith.constant 192 : index
      %get3A_191 = tpu.vector_load %arg7[%get3A_189, %get3A_190] {strides = array<i32>} : memref<64x768xf32, #tpu.memory_space<vmem>>, vector<1x16xf32>,
      %get3A_192 = vector.shape_cast %get3A_191 : vector<1x16xf32> to vector<16xf32>
      %add3A_193 = arith.addf %get3A_188, %get3A_192 : vector<16xf32>
      %swap3A_194 = arith.index_cast %scan3A_18 : i32 to index
      %swap3A_195 = arith.constant 192 : index
      %swap3A_196 = tpu.vector_load %arg6[%swap3A_194, %swap3A_195] {strides = array<i32>} : memref<64x768xf32, #tpu.memory_space<vmem>>, vector<1x16xf32>,
      %swap3A_197 = vector.shape_cast %swap3A_196 : vector<1x16xf32> to vector<16xf32>
      %swap3A_198 = vector.shape_cast %add3A_193 : vector<16xf32> to vector<1x16xf32>
      tpu.vector_store %arg6[%swap3A_194, %swap3A_195], %swap3A_198 {strides = array<i32>} : memref<64x768xf32, #tpu.memory_space<vmem>>, vector<1x16xf32>,
      %get3A_199 = arith.index_cast %scan3A_18 : i32 to index
      %get3A_200 = arith.constant 208 : index
      %get3A_201 = tpu.vector_load %arg6[%get3A_199, %get3A_200] {strides = array<i32>} : memref<64x768xf32, #tpu.memory_space<vmem>>, vector<1x16xf32>,
      %get3A_202 = vector.shape_cast %get3A_201 : vector<1x16xf32> to vector<16xf32>
      %get3A_203 = arith.index_cast %scan3A_18 : i32 to index
      %get3A_204 = arith.constant 208 : index
      %get3A_205 = tpu.vector_load %arg7[%get3A_203, %get3A_204] {strides = array<i32>} : memref<64x768xf32, #tpu.memory_space<vmem>>, vector<1x16xf32>,
      %get3A_206 = vector.shape_cast %get3A_205 : vector<1x16xf32> to vector<16xf32>
      %add3A_207 = arith.addf %get3A_202, %get3A_206 : vector<16xf32>
      %swap3A_208 = arith.index_cast %scan3A_18 : i32 to index
      %swap3A_209 = arith.constant 208 : index
      %swap3A_210 = tpu.vector_load %arg6[%swap3A_208, %swap3A_209] {strides = array<i32>} : memref<64x768xf32, #tpu.memory_space<vmem>>, vector<1x16xf32>,
      %swap3A_211 = vector.shape_cast %swap3A_210 : vector<1x16xf32> to vector<16xf32>
      %swap3A_212 = vector.shape_cast %add3A_207 : vector<16xf32> to vector<1x16xf32>
      tpu.vector_store %arg6[%swap3A_208, %swap3A_209], %swap3A_212 {strides = array<i32>} : memref<64x768xf32, #tpu.memory_space<vmem>>, vector<1x16xf32>,
      %get3A_213 = arith.index_cast %scan3A_18 : i32 to index
      %get3A_214 = arith.constant 224 : index
      %get3A_215 = tpu.vector_load %arg6[%get3A_213, %get3A_214] {strides = array<i32>} : memref<64x768xf32, #tpu.memory_space<vmem>>, vector<1x16xf32>,
      %get3A_216 = vector.shape_cast %get3A_215 : vector<1x16xf32> to vector<16xf32>
      %get3A_217 = arith.index_cast %scan3A_18 : i32 to index
      %get3A_218 = arith.constant 224 : index
      %get3A_219 = tpu.vector_load %arg7[%get3A_217, %get3A_218] {strides = array<i32>} : memref<64x768xf32, #tpu.memory_space<vmem>>, vector<1x16xf32>,
      %get3A_220 = vector.shape_cast %get3A_219 : vector<1x16xf32> to vector<16xf32>
      %add3A_221 = arith.addf %get3A_216, %get3A_220 : vector<16xf32>
      %swap3A_222 = arith.index_cast %scan3A_18 : i32 to index
      %swap3A_223 = arith.constant 224 : index
      %swap3A_224 = tpu.vector_load %arg6[%swap3A_222, %swap3A_223] {strides = array<i32>} : memref<64x768xf32, #tpu.memory_space<vmem>>, vector<1x16xf32>,
      %swap3A_225 = vector.shape_cast %swap3A_224 : vector<1x16xf32> to vector<16xf32>
      %swap3A_226 = vector.shape_cast %add3A_221 : vector<16xf32> to vector<1x16xf32>
      tpu.vector_store %arg6[%swap3A_222, %swap3A_223], %swap3A_226 {strides = array<i32>} : memref<64x768xf32, #tpu.memory_space<vmem>>, vector<1x16xf32>,
      %get3A_227 = arith.index_cast %scan3A_18 : i32 to index
      %get3A_228 = arith.constant 240 : index
      %get3A_229 = tpu.vector_load %arg6[%get3A_227, %get3A_228] {strides = array<i32>} : memref<64x768xf32, #tpu.memory_space<vmem>>, vector<1x16xf32>,
      %get3A_230 = vector.shape_cast %get3A_229 : vector<1x16xf32> to vector<16xf32>
      %get3A_231 = arith.index_cast %scan3A_18 : i32 to index
      %get3A_232 = arith.constant 240 : index
      %get3A_233 = tpu.vector_load %arg7[%get3A_231, %get3A_232] {strides = array<i32>} : memref<64x768xf32, #tpu.memory_space<vmem>>, vector<1x16xf32>,
      %get3A_234 = vector.shape_cast %get3A_233 : vector<1x16xf32> to vector<16xf32>
      %add3A_235 = arith.addf %get3A_230, %get3A_234 : vector<16xf32>
      %swap3A_236 = arith.index_cast %scan3A_18 : i32 to index
      %swap3A_237 = arith.constant 240 : index
      %swap3A_238 = tpu.vector_load %arg6[%swap3A_236, %swap3A_237] {strides = array<i32>} : memref<64x768xf32, #tpu.memory_space<vmem>>, vector<1x16xf32>,
      %swap3A_239 = vector.shape_cast %swap3A_238 : vector<1x16xf32> to vector<16xf32>
      %swap3A_240 = vector.shape_cast %add3A_235 : vector<16xf32> to vector<1x16xf32>
      tpu.vector_store %arg6[%swap3A_236, %swap3A_237], %swap3A_240 {strides = array<i32>} : memref<64x768xf32, #tpu.memory_space<vmem>>, vector<1x16xf32>,
      %get3A_241 = arith.index_cast %scan3A_18 : i32 to index
      %get3A_242 = arith.constant 256 : index
      %get3A_243 = tpu.vector_load %arg6[%get3A_241, %get3A_242] {strides = array<i32>} : memref<64x768xf32, #tpu.memory_space<vmem>>, vector<1x16xf32>,
      %get3A_244 = vector.shape_cast %get3A_243 : vector<1x16xf32> to vector<16xf32>
      %get3A_245 = arith.index_cast %scan3A_18 : i32 to index
      %get3A_246 = arith.constant 256 : index
      %get3A_247 = tpu.vector_load %arg7[%get3A_245, %get3A_246] {strides = array<i32>} : memref<64x768xf32, #tpu.memory_space<vmem>>, vector<1x16xf32>,
      %get3A_248 = vector.shape_cast %get3A_247 : vector<1x16xf32> to vector<16xf32>
      %add3A_249 = arith.addf %get3A_244, %get3A_248 : vector<16xf32>
      %swap3A_250 = arith.index_cast %scan3A_18 : i32 to index
      %swap3A_251 = arith.constant 256 : index
      %swap3A_252 = tpu.vector_load %arg6[%swap3A_250, %swap3A_251] {strides = array<i32>} : memref<64x768xf32, #tpu.memory_space<vmem>>, vector<1x16xf32>,
      %swap3A_253 = vector.shape_cast %swap3A_252 : vector<1x16xf32> to vector<16xf32>
      %swap3A_254 = vector.shape_cast %add3A_249 : vector<16xf32> to vector<1x16xf32>
      tpu.vector_store %arg6[%swap3A_250, %swap3A_251], %swap3A_254 {strides = array<i32>} : memref<64x768xf32, #tpu.memory_space<vmem>>, vector<1x16xf32>,
      %get3A_255 = arith.index_cast %scan3A_18 : i32 to index
      %get3A_256 = arith.constant 272 : index
      %get3A_257 = tpu.vector_load %arg6[%get3A_255, %get3A_256] {strides = array<i32>} : memref<64x768xf32, #tpu.memory_space<vmem>>, vector<1x16xf32>,
      %get3A_258 = vector.shape_cast %get3A_257 : vector<1x16xf32> to vector<16xf32>
      %get3A_259 = arith.index_cast %scan3A_18 : i32 to index
      %get3A_260 = arith.constant 272 : index
      %get3A_261 = tpu.vector_load %arg7[%get3A_259, %get3A_260] {strides = array<i32>} : memref<64x768xf32, #tpu.memory_space<vmem>>, vector<1x16xf32>,
      %get3A_262 = vector.shape_cast %get3A_261 : vector<1x16xf32> to vector<16xf32>
      %add3A_263 = arith.addf %get3A_258, %get3A_262 : vector<16xf32>
      %swap3A_264 = arith.index_cast %scan3A_18 : i32 to index
      %swap3A_265 = arith.constant 272 : index
      %swap3A_266 = tpu.vector_load %arg6[%swap3A_264, %swap3A_265] {strides = array<i32>} : memref<64x768xf32, #tpu.memory_space<vmem>>, vector<1x16xf32>,
      %swap3A_267 = vector.shape_cast %swap3A_266 : vector<1x16xf32> to vector<16xf32>
      %swap3A_268 = vector.shape_cast %add3A_263 : vector<16xf32> to vector<1x16xf32>
      tpu.vector_store %arg6[%swap3A_264, %swap3A_265], %swap3A_268 {strides = array<i32>} : memref<64x768xf32, #tpu.memory_space<vmem>>, vector<1x16xf32>,
      %get3A_269 = arith.index_cast %scan3A_18 : i32 to index
      %get3A_270 = arith.constant 288 : index
      %get3A_271 = tpu.vector_load %arg6[%get3A_269, %get3A_270] {strides = array<i32>} : memref<64x768xf32, #tpu.memory_space<vmem>>, vector<1x16xf32>,
      %get3A_272 = vector.shape_cast %get3A_271 : vector<1x16xf32> to vector<16xf32>
      %get3A_273 = arith.index_cast %scan3A_18 : i32 to index
      %get3A_274 = arith.constant 288 : index
      %get3A_275 = tpu.vector_load %arg7[%get3A_273, %get3A_274] {strides = array<i32>} : memref<64x768xf32, #tpu.memory_space<vmem>>, vector<1x16xf32>,
      %get3A_276 = vector.shape_cast %get3A_275 : vector<1x16xf32> to vector<16xf32>
      %add3A_277 = arith.addf %get3A_272, %get3A_276 : vector<16xf32>
      %swap3A_278 = arith.index_cast %scan3A_18 : i32 to index
      %swap3A_279 = arith.constant 288 : index
      %swap3A_280 = tpu.vector_load %arg6[%swap3A_278, %swap3A_279] {strides = array<i32>} : memref<64x768xf32, #tpu.memory_space<vmem>>, vector<1x16xf32>,
      %swap3A_281 = vector.shape_cast %swap3A_280 : vector<1x16xf32> to vector<16xf32>
      %swap3A_282 = vector.shape_cast %add3A_277 : vector<16xf32> to vector<1x16xf32>
      tpu.vector_store %arg6[%swap3A_278, %swap3A_279], %swap3A_282 {strides = array<i32>} : memref<64x768xf32, #tpu.memory_space<vmem>>, vector<1x16xf32>,
      %get3A_283 = arith.index_cast %scan3A_18 : i32 to index
      %get3A_284 = arith.constant 304 : index
      %get3A_285 = tpu.vector_load %arg6[%get3A_283, %get3A_284] {strides = array<i32>} : memref<64x768xf32, #tpu.memory_space<vmem>>, vector<1x16xf32>,
      %get3A_286 = vector.shape_cast %get3A_285 : vector<1x16xf32> to vector<16xf32>
      %get3A_287 = arith.index_cast %scan3A_18 : i32 to index
      %get3A_288 = arith.constant 304 : index
      %get3A_289 = tpu.vector_load %arg7[%get3A_287, %get3A_288] {strides = array<i32>} : memref<64x768xf32, #tpu.memory_space<vmem>>, vector<1x16xf32>,
      %get3A_290 = vector.shape_cast %get3A_289 : vector<1x16xf32> to vector<16xf32>
      %add3A_291 = arith.addf %get3A_286, %get3A_290 : vector<16xf32>
      %swap3A_292 = arith.index_cast %scan3A_18 : i32 to index
      %swap3A_293 = arith.constant 304 : index
      %swap3A_294 = tpu.vector_load %arg6[%swap3A_292, %swap3A_293] {strides = array<i32>} : memref<64x768xf32, #tpu.memory_space<vmem>>, vector<1x16xf32>,
      %swap3A_295 = vector.shape_cast %swap3A_294 : vector<1x16xf32> to vector<16xf32>
      %swap3A_296 = vector.shape_cast %add3A_291 : vector<16xf32> to vector<1x16xf32>
      tpu.vector_store %arg6[%swap3A_292, %swap3A_293], %swap3A_296 {strides = array<i32>} : memref<64x768xf32, #tpu.memory_space<vmem>>, vector<1x16xf32>,
      %get3A_297 = arith.index_cast %scan3A_18 : i32 to index
      %get3A_298 = arith.constant 320 : index
      %get3A_299 = tpu.vector_load %arg6[%get3A_297, %get3A_298] {strides = array<i32>} : memref<64x768xf32, #tpu.memory_space<vmem>>, vector<1x16xf32>,
      %get3A_300 = vector.shape_cast %get3A_299 : vector<1x16xf32> to vector<16xf32>
      %get3A_301 = arith.index_cast %scan3A_18 : i32 to index
      %get3A_302 = arith.constant 320 : index
      %get3A_303 = tpu.vector_load %arg7[%get3A_301, %get3A_302] {strides = array<i32>} : memref<64x768xf32, #tpu.memory_space<vmem>>, vector<1x16xf32>,
      %get3A_304 = vector.shape_cast %get3A_303 : vector<1x16xf32> to vector<16xf32>
      %add3A_305 = arith.addf %get3A_300, %get3A_304 : vector<16xf32>
      %swap3A_306 = arith.index_cast %scan3A_18 : i32 to index
      %swap3A_307 = arith.constant 320 : index
      %swap3A_308 = tpu.vector_load %arg6[%swap3A_306, %swap3A_307] {strides = array<i32>} : memref<64x768xf32, #tpu.memory_space<vmem>>, vector<1x16xf32>,
      %swap3A_309 = vector.shape_cast %swap3A_308 : vector<1x16xf32> to vector<16xf32>
      %swap3A_310 = vector.shape_cast %add3A_305 : vector<16xf32> to vector<1x16xf32>
      tpu.vector_store %arg6[%swap3A_306, %swap3A_307], %swap3A_310 {strides = array<i32>} : memref<64x768xf32, #tpu.memory_space<vmem>>, vector<1x16xf32>,
      %get3A_311 = arith.index_cast %scan3A_18 : i32 to index
      %get3A_312 = arith.constant 336 : index
      %get3A_313 = tpu.vector_load %arg6[%get3A_311, %get3A_312] {strides = array<i32>} : memref<64x768xf32, #tpu.memory_space<vmem>>, vector<1x16xf32>,
      %get3A_314 = vector.shape_cast %get3A_313 : vector<1x16xf32> to vector<16xf32>
      %get3A_315 = arith.index_cast %scan3A_18 : i32 to index
      %get3A_316 = arith.constant 336 : index
      %get3A_317 = tpu.vector_load %arg7[%get3A_315, %get3A_316] {strides = array<i32>} : memref<64x768xf32, #tpu.memory_space<vmem>>, vector<1x16xf32>,
      %get3A_318 = vector.shape_cast %get3A_317 : vector<1x16xf32> to vector<16xf32>
      %add3A_319 = arith.addf %get3A_314, %get3A_318 : vector<16xf32>
      %swap3A_320 = arith.index_cast %scan3A_18 : i32 to index
      %swap3A_321 = arith.constant 336 : index
      %swap3A_322 = tpu.vector_load %arg6[%swap3A_320, %swap3A_321] {strides = array<i32>} : memref<64x768xf32, #tpu.memory_space<vmem>>, vector<1x16xf32>,
      %swap3A_323 = vector.shape_cast %swap3A_322 : vector<1x16xf32> to vector<16xf32>
      %swap3A_324 = vector.shape_cast %add3A_319 : vector<16xf32> to vector<1x16xf32>
      tpu.vector_store %arg6[%swap3A_320, %swap3A_321], %swap3A_324 {strides = array<i32>} : memref<64x768xf32, #tpu.memory_space<vmem>>, vector<1x16xf32>,
      %get3A_325 = arith.index_cast %scan3A_18 : i32 to index
      %get3A_326 = arith.constant 352 : index
      %get3A_327 = tpu.vector_load %arg6[%get3A_325, %get3A_326] {strides = array<i32>} : memref<64x768xf32, #tpu.memory_space<vmem>>, vector<1x16xf32>,
      %get3A_328 = vector.shape_cast %get3A_327 : vector<1x16xf32> to vector<16xf32>
      %get3A_329 = arith.index_cast %scan3A_18 : i32 to index
      %get3A_330 = arith.constant 352 : index
      %get3A_331 = tpu.vector_load %arg7[%get3A_329, %get3A_330] {strides = array<i32>} : memref<64x768xf32, #tpu.memory_space<vmem>>, vector<1x16xf32>,
      %get3A_332 = vector.shape_cast %get3A_331 : vector<1x16xf32> to vector<16xf32>
      %add3A_333 = arith.addf %get3A_328, %get3A_332 : vector<16xf32>
      %swap3A_334 = arith.index_cast %scan3A_18 : i32 to index
      %swap3A_335 = arith.constant 352 : index
      %swap3A_336 = tpu.vector_load %arg6[%swap3A_334, %swap3A_335] {strides = array<i32>} : memref<64x768xf32, #tpu.memory_space<vmem>>, vector<1x16xf32>,
      %swap3A_337 = vector.shape_cast %swap3A_336 : vector<1x16xf32> to vector<16xf32>
      %swap3A_338 = vector.shape_cast %add3A_333 : vector<16xf32> to vector<1x16xf32>
      tpu.vector_store %arg6[%swap3A_334, %swap3A_335], %swap3A_338 {strides = array<i32>} : memref<64x768xf32, #tpu.memory_space<vmem>>, vector<1x16xf32>,
      %get3A_339 = arith.index_cast %scan3A_18 : i32 to index
      %get3A_340 = arith.constant 368 : index
      %get3A_341 = tpu.vector_load %arg6[%get3A_339, %get3A_340] {strides = array<i32>} : memref<64x768xf32, #tpu.memory_space<vmem>>, vector<1x16xf32>,
      %get3A_342 = vector.shape_cast %get3A_341 : vector<1x16xf32> to vector<16xf32>
      %get3A_343 = arith.index_cast %scan3A_18 : i32 to index
      %get3A_344 = arith.constant 368 : index
      %get3A_345 = tpu.vector_load %arg7[%get3A_343, %get3A_344] {strides = array<i32>} : memref<64x768xf32, #tpu.memory_space<vmem>>, vector<1x16xf32>,
      %get3A_346 = vector.shape_cast %get3A_345 : vector<1x16xf32> to vector<16xf32>
      %add3A_347 = arith.addf %get3A_342, %get3A_346 : vector<16xf32>
      %swap3A_348 = arith.index_cast %scan3A_18 : i32 to index
      %swap3A_349 = arith.constant 368 : index
      %swap3A_350 = tpu.vector_load %arg6[%swap3A_348, %swap3A_349] {strides = array<i32>} : memref<64x768xf32, #tpu.memory_space<vmem>>, vector<1x16xf32>,
      %swap3A_351 = vector.shape_cast %swap3A_350 : vector<1x16xf32> to vector<16xf32>
      %swap3A_352 = vector.shape_cast %add3A_347 : vector<16xf32> to vector<1x16xf32>
      tpu.vector_store %arg6[%swap3A_348, %swap3A_349], %swap3A_352 {strides = array<i32>} : memref<64x768xf32, #tpu.memory_space<vmem>>, vector<1x16xf32>,
      %get3A_353 = arith.index_cast %scan3A_18 : i32 to index
      %get3A_354 = arith.constant 384 : index
      %get3A_355 = tpu.vector_load %arg6[%get3A_353, %get3A_354] {strides = array<i32>} : memref<64x768xf32, #tpu.memory_space<vmem>>, vector<1x16xf32>,
      %get3A_356 = vector.shape_cast %get3A_355 : vector<1x16xf32> to vector<16xf32>
      %get3A_357 = arith.index_cast %scan3A_18 : i32 to index
      %get3A_358 = arith.constant 384 : index
      %get3A_359 = tpu.vector_load %arg7[%get3A_357, %get3A_358] {strides = array<i32>} : memref<64x768xf32, #tpu.memory_space<vmem>>, vector<1x16xf32>,
      %get3A_360 = vector.shape_cast %get3A_359 : vector<1x16xf32> to vector<16xf32>
      %add3A_361 = arith.addf %get3A_356, %get3A_360 : vector<16xf32>
      %swap3A_362 = arith.index_cast %scan3A_18 : i32 to index
      %swap3A_363 = arith.constant 384 : index
      %swap3A_364 = tpu.vector_load %arg6[%swap3A_362, %swap3A_363] {strides = array<i32>} : memref<64x768xf32, #tpu.memory_space<vmem>>, vector<1x16xf32>,
      %swap3A_365 = vector.shape_cast %swap3A_364 : vector<1x16xf32> to vector<16xf32>
      %swap3A_366 = vector.shape_cast %add3A_361 : vector<16xf32> to vector<1x16xf32>
      tpu.vector_store %arg6[%swap3A_362, %swap3A_363], %swap3A_366 {strides = array<i32>} : memref<64x768xf32, #tpu.memory_space<vmem>>, vector<1x16xf32>,
      %get3A_367 = arith.index_cast %scan3A_18 : i32 to index
      %get3A_368 = arith.constant 400 : index
      %get3A_369 = tpu.vector_load %arg6[%get3A_367, %get3A_368] {strides = array<i32>} : memref<64x768xf32, #tpu.memory_space<vmem>>, vector<1x16xf32>,
      %get3A_370 = vector.shape_cast %get3A_369 : vector<1x16xf32> to vector<16xf32>
      %get3A_371 = arith.index_cast %scan3A_18 : i32 to index
      %get3A_372 = arith.constant 400 : index
      %get3A_373 = tpu.vector_load %arg7[%get3A_371, %get3A_372] {strides = array<i32>} : memref<64x768xf32, #tpu.memory_space<vmem>>, vector<1x16xf32>,
      %get3A_374 = vector.shape_cast %get3A_373 : vector<1x16xf32> to vector<16xf32>
      %add3A_375 = arith.addf %get3A_370, %get3A_374 : vector<16xf32>
      %swap3A_376 = arith.index_cast %scan3A_18 : i32 to index
      %swap3A_377 = arith.constant 400 : index
      %swap3A_378 = tpu.vector_load %arg6[%swap3A_376, %swap3A_377] {strides = array<i32>} : memref<64x768xf32, #tpu.memory_space<vmem>>, vector<1x16xf32>,
      %swap3A_379 = vector.shape_cast %swap3A_378 : vector<1x16xf32> to vector<16xf32>
      %swap3A_380 = vector.shape_cast %add3A_375 : vector<16xf32> to vector<1x16xf32>
      tpu.vector_store %arg6[%swap3A_376, %swap3A_377], %swap3A_380 {strides = array<i32>} : memref<64x768xf32, #tpu.memory_space<vmem>>, vector<1x16xf32>,
      %get3A_381 = arith.index_cast %scan3A_18 : i32 to index
      %get3A_382 = arith.constant 416 : index
      %get3A_383 = tpu.vector_load %arg6[%get3A_381, %get3A_382] {strides = array<i32>} : memref<64x768xf32, #tpu.memory_space<vmem>>, vector<1x16xf32>,
      %get3A_384 = vector.shape_cast %get3A_383 : vector<1x16xf32> to vector<16xf32>
      %get3A_385 = arith.index_cast %scan3A_18 : i32 to index
      %get3A_386 = arith.constant 416 : index
      %get3A_387 = tpu.vector_load %arg7[%get3A_385, %get3A_386] {strides = array<i32>} : memref<64x768xf32, #tpu.memory_space<vmem>>, vector<1x16xf32>,
      %get3A_388 = vector.shape_cast %get3A_387 : vector<1x16xf32> to vector<16xf32>
      %add3A_389 = arith.addf %get3A_384, %get3A_388 : vector<16xf32>
      %swap3A_390 = arith.index_cast %scan3A_18 : i32 to index
      %swap3A_391 = arith.constant 416 : index
      %swap3A_392 = tpu.vector_load %arg6[%swap3A_390, %swap3A_391] {strides = array<i32>} : memref<64x768xf32, #tpu.memory_space<vmem>>, vector<1x16xf32>,
      %swap3A_393 = vector.shape_cast %swap3A_392 : vector<1x16xf32> to vector<16xf32>
      %swap3A_394 = vector.shape_cast %add3A_389 : vector<16xf32> to vector<1x16xf32>
      tpu.vector_store %arg6[%swap3A_390, %swap3A_391], %swap3A_394 {strides = array<i32>} : memref<64x768xf32, #tpu.memory_space<vmem>>, vector<1x16xf32>,
      %get3A_395 = arith.index_cast %scan3A_18 : i32 to index
      %get3A_396 = arith.constant 432 : index
      %get3A_397 = tpu.vector_load %arg6[%get3A_395, %get3A_396] {strides = array<i32>} : memref<64x768xf32, #tpu.memory_space<vmem>>, vector<1x16xf32>,
      %get3A_398 = vector.shape_cast %get3A_397 : vector<1x16xf32> to vector<16xf32>
      %get3A_399 = arith.index_cast %scan3A_18 : i32 to index
      %get3A_400 = arith.constant 432 : index
      %get3A_401 = tpu.vector_load %arg7[%get3A_399, %get3A_400] {strides = array<i32>} : memref<64x768xf32, #tpu.memory_space<vmem>>, vector<1x16xf32>,
      %get3A_402 = vector.shape_cast %get3A_401 : vector<1x16xf32> to vector<16xf32>
      %add3A_403 = arith.addf %get3A_398, %get3A_402 : vector<16xf32>
      %swap3A_404 = arith.index_cast %scan3A_18 : i32 to index
      %swap3A_405 = arith.constant 432 : index
      %swap3A_406 = tpu.vector_load %arg6[%swap3A_404, %swap3A_405] {strides = array<i32>} : memref<64x768xf32, #tpu.memory_space<vmem>>, vector<1x16xf32>,
      %swap3A_407 = vector.shape_cast %swap3A_406 : vector<1x16xf32> to vector<16xf32>
      %swap3A_408 = vector.shape_cast %add3A_403 : vector<16xf32> to vector<1x16xf32>
      tpu.vector_store %arg6[%swap3A_404, %swap3A_405], %swap3A_408 {strides = array<i32>} : memref<64x768xf32, #tpu.memory_space<vmem>>, vector<1x16xf32>,
      %get3A_409 = arith.index_cast %scan3A_18 : i32 to index
      %get3A_410 = arith.constant 448 : index
      %get3A_411 = tpu.vector_load %arg6[%get3A_409, %get3A_410] {strides = array<i32>} : memref<64x768xf32, #tpu.memory_space<vmem>>, vector<1x16xf32>,
      %get3A_412 = vector.shape_cast %get3A_411 : vector<1x16xf32> to vector<16xf32>
      %get3A_413 = arith.index_cast %scan3A_18 : i32 to index
      %get3A_414 = arith.constant 448 : index
      %get3A_415 = tpu.vector_load %arg7[%get3A_413, %get3A_414] {strides = array<i32>} : memref<64x768xf32, #tpu.memory_space<vmem>>, vector<1x16xf32>,
      %get3A_416 = vector.shape_cast %get3A_415 : vector<1x16xf32> to vector<16xf32>
      %add3A_417 = arith.addf %get3A_412, %get3A_416 : vector<16xf32>
      %swap3A_418 = arith.index_cast %scan3A_18 : i32 to index
      %swap3A_419 = arith.constant 448 : index
      %swap3A_420 = tpu.vector_load %arg6[%swap3A_418, %swap3A_419] {strides = array<i32>} : memref<64x768xf32, #tpu.memory_space<vmem>>, vector<1x16xf32>,
      %swap3A_421 = vector.shape_cast %swap3A_420 : vector<1x16xf32> to vector<16xf32>
      %swap3A_422 = vector.shape_cast %add3A_417 : vector<16xf32> to vector<1x16xf32>
      tpu.vector_store %arg6[%swap3A_418, %swap3A_419], %swap3A_422 {strides = array<i32>} : memref<64x768xf32, #tpu.memory_space<vmem>>, vector<1x16xf32>,
      %get3A_423 = arith.index_cast %scan3A_18 : i32 to index
      %get3A_424 = arith.constant 464 : index
      %get3A_425 = tpu.vector_load %arg6[%get3A_423, %get3A_424] {strides = array<i32>} : memref<64x768xf32, #tpu.memory_space<vmem>>, vector<1x16xf32>,
      %get3A_426 = vector.shape_cast %get3A_425 : vector<1x16xf32> to vector<16xf32>
      %get3A_427 = arith.index_cast %scan3A_18 : i32 to index
      %get3A_428 = arith.constant 464 : index
      %get3A_429 = tpu.vector_load %arg7[%get3A_427, %get3A_428] {strides = array<i32>} : memref<64x768xf32, #tpu.memory_space<vmem>>, vector<1x16xf32>,
      %get3A_430 = vector.shape_cast %get3A_429 : vector<1x16xf32> to vector<16xf32>
      %add3A_431 = arith.addf %get3A_426, %get3A_430 : vector<16xf32>
      %swap3A_432 = arith.index_cast %scan3A_18 : i32 to index
      %swap3A_433 = arith.constant 464 : index
      %swap3A_434 = tpu.vector_load %arg6[%swap3A_432, %swap3A_433] {strides = array<i32>} : memref<64x768xf32, #tpu.memory_space<vmem>>, vector<1x16xf32>,
      %swap3A_435 = vector.shape_cast %swap3A_434 : vector<1x16xf32> to vector<16xf32>
      %swap3A_436 = vector.shape_cast %add3A_431 : vector<16xf32> to vector<1x16xf32>
      tpu.vector_store %arg6[%swap3A_432, %swap3A_433], %swap3A_436 {strides = array<i32>} : memref<64x768xf32, #tpu.memory_space<vmem>>, vector<1x16xf32>,
      %get3A_437 = arith.index_cast %scan3A_18 : i32 to index
      %get3A_438 = arith.constant 480 : index
      %get3A_439 = tpu.vector_load %arg6[%get3A_437, %get3A_438] {strides = array<i32>} : memref<64x768xf32, #tpu.memory_space<vmem>>, vector<1x16xf32>,
      %get3A_440 = vector.shape_cast %get3A_439 : vector<1x16xf32> to vector<16xf32>
      %get3A_441 = arith.index_cast %scan3A_18 : i32 to index
      %get3A_442 = arith.constant 480 : index
      %get3A_443 = tpu.vector_load %arg7[%get3A_441, %get3A_442] {strides = array<i32>} : memref<64x768xf32, #tpu.memory_space<vmem>>, vector<1x16xf32>,
      %get3A_444 = vector.shape_cast %get3A_443 : vector<1x16xf32> to vector<16xf32>
      %add3A_445 = arith.addf %get3A_440, %get3A_444 : vector<16xf32>
      %swap3A_446 = arith.index_cast %scan3A_18 : i32 to index
      %swap3A_447 = arith.constant 480 : index
      %swap3A_448 = tpu.vector_load %arg6[%swap3A_446, %swap3A_447] {strides = array<i32>} : memref<64x768xf32, #tpu.memory_space<vmem>>, vector<1x16xf32>,
      %swap3A_449 = vector.shape_cast %swap3A_448 : vector<1x16xf32> to vector<16xf32>
      %swap3A_450 = vector.shape_cast %add3A_445 : vector<16xf32> to vector<1x16xf32>
      tpu.vector_store %arg6[%swap3A_446, %swap3A_447], %swap3A_450 {strides = array<i32>} : memref<64x768xf32, #tpu.memory_space<vmem>>, vector<1x16xf32>,
      %get3A_451 = arith.index_cast %scan3A_18 : i32 to index
      %get3A_452 = arith.constant 496 : index
      %get3A_453 = tpu.vector_load %arg6[%get3A_451, %get3A_452] {strides = array<i32>} : memref<64x768xf32, #tpu.memory_space<vmem>>, vector<1x16xf32>,
      %get3A_454 = vector.shape_cast %get3A_453 : vector<1x16xf32> to vector<16xf32>
      %get3A_455 = arith.index_cast %scan3A_18 : i32 to index
      %get3A_456 = arith.constant 496 : index
      %get3A_457 = tpu.vector_load %arg7[%get3A_455, %get3A_456] {strides = array<i32>} : memref<64x768xf32, #tpu.memory_space<vmem>>, vector<1x16xf32>,
      %get3A_458 = vector.shape_cast %get3A_457 : vector<1x16xf32> to vector<16xf32>
      %add3A_459 = arith.addf %get3A_454, %get3A_458 : vector<16xf32>
      %swap3A_460 = arith.index_cast %scan3A_18 : i32 to index
      %swap3A_461 = arith.constant 496 : index
      %swap3A_462 = tpu.vector_load %arg6[%swap3A_460, %swap3A_461] {strides = array<i32>} : memref<64x768xf32, #tpu.memory_space<vmem>>, vector<1x16xf32>,
      %swap3A_463 = vector.shape_cast %swap3A_462 : vector<1x16xf32> to vector<16xf32>
      %swap3A_464 = vector.shape_cast %add3A_459 : vector<16xf32> to vector<1x16xf32>
      tpu.vector_store %arg6[%swap3A_460, %swap3A_461], %swap3A_464 {strides = array<i32>} : memref<64x768xf32, #tpu.memory_space<vmem>>, vector<1x16xf32>,
      %get3A_465 = arith.index_cast %scan3A_18 : i32 to index
      %get3A_466 = arith.constant 512 : index
      %get3A_467 = tpu.vector_load %arg6[%get3A_465, %get3A_466] {strides = array<i32>} : memref<64x768xf32, #tpu.memory_space<vmem>>, vector<1x16xf32>,
      %get3A_468 = vector.shape_cast %get3A_467 : vector<1x16xf32> to vector<16xf32>
      %get3A_469 = arith.index_cast %scan3A_18 : i32 to index
      %get3A_470 = arith.constant 512 : index
      %get3A_471 = tpu.vector_load %arg7[%get3A_469, %get3A_470] {strides = array<i32>} : memref<64x768xf32, #tpu.memory_space<vmem>>, vector<1x16xf32>,
      %get3A_472 = vector.shape_cast %get3A_471 : vector<1x16xf32> to vector<16xf32>
      %add3A_473 = arith.addf %get3A_468, %get3A_472 : vector<16xf32>
      %swap3A_474 = arith.index_cast %scan3A_18 : i32 to index
      %swap3A_475 = arith.constant 512 : index
      %swap3A_476 = tpu.vector_load %arg6[%swap3A_474, %swap3A_475] {strides = array<i32>} : memref<64x768xf32, #tpu.memory_space<vmem>>, vector<1x16xf32>,
      %swap3A_477 = vector.shape_cast %swap3A_476 : vector<1x16xf32> to vector<16xf32>
      %swap3A_478 = vector.shape_cast %add3A_473 : vector<16xf32> to vector<1x16xf32>
      tpu.vector_store %arg6[%swap3A_474, %swap3A_475], %swap3A_478 {strides = array<i32>} : memref<64x768xf32, #tpu.memory_space<vmem>>, vector<1x16xf32>,
      %get3A_479 = arith.index_cast %scan3A_18 : i32 to index
      %get3A_480 = arith.constant 528 : index
      %get3A_481 = tpu.vector_load %arg6[%get3A_479, %get3A_480] {strides = array<i32>} : memref<64x768xf32, #tpu.memory_space<vmem>>, vector<1x16xf32>,
      %get3A_482 = vector.shape_cast %get3A_481 : vector<1x16xf32> to vector<16xf32>
      %get3A_483 = arith.index_cast %scan3A_18 : i32 to index
      %get3A_484 = arith.constant 528 : index
      %get3A_485 = tpu.vector_load %arg7[%get3A_483, %get3A_484] {strides = array<i32>} : memref<64x768xf32, #tpu.memory_space<vmem>>, vector<1x16xf32>,
      %get3A_486 = vector.shape_cast %get3A_485 : vector<1x16xf32> to vector<16xf32>
      %add3A_487 = arith.addf %get3A_482, %get3A_486 : vector<16xf32>
      %swap3A_488 = arith.index_cast %scan3A_18 : i32 to index
      %swap3A_489 = arith.constant 528 : index
      %swap3A_490 = tpu.vector_load %arg6[%swap3A_488, %swap3A_489] {strides = array<i32>} : memref<64x768xf32, #tpu.memory_space<vmem>>, vector<1x16xf32>,
      %swap3A_491 = vector.shape_cast %swap3A_490 : vector<1x16xf32> to vector<16xf32>
      %swap3A_492 = vector.shape_cast %add3A_487 : vector<16xf32> to vector<1x16xf32>
      tpu.vector_store %arg6[%swap3A_488, %swap3A_489], %swap3A_492 {strides = array<i32>} : memref<64x768xf32, #tpu.memory_space<vmem>>, vector<1x16xf32>,
      %get3A_493 = arith.index_cast %scan3A_18 : i32 to index
      %get3A_494 = arith.constant 544 : index
      %get3A_495 = tpu.vector_load %arg6[%get3A_493, %get3A_494] {strides = array<i32>} : memref<64x768xf32, #tpu.memory_space<vmem>>, vector<1x16xf32>,
      %get3A_496 = vector.shape_cast %get3A_495 : vector<1x16xf32> to vector<16xf32>
      %get3A_497 = arith.index_cast %scan3A_18 : i32 to index
      %get3A_498 = arith.constant 544 : index
      %get3A_499 = tpu.vector_load %arg7[%get3A_497, %get3A_498] {strides = array<i32>} : memref<64x768xf32, #tpu.memory_space<vmem>>, vector<1x16xf32>,
      %get3A_500 = vector.shape_cast %get3A_499 : vector<1x16xf32> to vector<16xf32>
      %add3A_501 = arith.addf %get3A_496, %get3A_500 : vector<16xf32>
      %swap3A_502 = arith.index_cast %scan3A_18 : i32 to index
      %swap3A_503 = arith.constant 544 : index
      %swap3A_504 = tpu.vector_load %arg6[%swap3A_502, %swap3A_503] {strides = array<i32>} : memref<64x768xf32, #tpu.memory_space<vmem>>, vector<1x16xf32>,
      %swap3A_505 = vector.shape_cast %swap3A_504 : vector<1x16xf32> to vector<16xf32>
      %swap3A_506 = vector.shape_cast %add3A_501 : vector<16xf32> to vector<1x16xf32>
      tpu.vector_store %arg6[%swap3A_502, %swap3A_503], %swap3A_506 {strides = array<i32>} : memref<64x768xf32, #tpu.memory_space<vmem>>, vector<1x16xf32>,
      %get3A_507 = arith.index_cast %scan3A_18 : i32 to index
      %get3A_508 = arith.constant 560 : index
      %get3A_509 = tpu.vector_load %arg6[%get3A_507, %get3A_508] {strides = array<i32>} : memref<64x768xf32, #tpu.memory_space<vmem>>, vector<1x16xf32>,
      %get3A_510 = vector.shape_cast %get3A_509 : vector<1x16xf32> to vector<16xf32>
      %get3A_511 = arith.index_cast %scan3A_18 : i32 to index
      %get3A_512 = arith.constant 560 : index
      %get3A_513 = tpu.vector_load %arg7[%get3A_511, %get3A_512] {strides = array<i32>} : memref<64x768xf32, #tpu.memory_space<vmem>>, vector<1x16xf32>,
      %get3A_514 = vector.shape_cast %get3A_513 : vector<1x16xf32> to vector<16xf32>
      %add3A_515 = arith.addf %get3A_510, %get3A_514 : vector<16xf32>
      %swap3A_516 = arith.index_cast %scan3A_18 : i32 to index
      %swap3A_517 = arith.constant 560 : index
      %swap3A_518 = tpu.vector_load %arg6[%swap3A_516, %swap3A_517] {strides = array<i32>} : memref<64x768xf32, #tpu.memory_space<vmem>>, vector<1x16xf32>,
      %swap3A_519 = vector.shape_cast %swap3A_518 : vector<1x16xf32> to vector<16xf32>
      %swap3A_520 = vector.shape_cast %add3A_515 : vector<16xf32> to vector<1x16xf32>
      tpu.vector_store %arg6[%swap3A_516, %swap3A_517], %swap3A_520 {strides = array<i32>} : memref<64x768xf32, #tpu.memory_space<vmem>>, vector<1x16xf32>,
      %get3A_521 = arith.index_cast %scan3A_18 : i32 to index
      %get3A_522 = arith.constant 576 : index
      %get3A_523 = tpu.vector_load %arg6[%get3A_521, %get3A_522] {strides = array<i32>} : memref<64x768xf32, #tpu.memory_space<vmem>>, vector<1x16xf32>,
      %get3A_524 = vector.shape_cast %get3A_523 : vector<1x16xf32> to vector<16xf32>
      %get3A_525 = arith.index_cast %scan3A_18 : i32 to index
      %get3A_526 = arith.constant 576 : index
      %get3A_527 = tpu.vector_load %arg7[%get3A_525, %get3A_526] {strides = array<i32>} : memref<64x768xf32, #tpu.memory_space<vmem>>, vector<1x16xf32>,
      %get3A_528 = vector.shape_cast %get3A_527 : vector<1x16xf32> to vector<16xf32>
      %add3A_529 = arith.addf %get3A_524, %get3A_528 : vector<16xf32>
      %swap3A_530 = arith.index_cast %scan3A_18 : i32 to index
      %swap3A_531 = arith.constant 576 : index
      %swap3A_532 = tpu.vector_load %arg6[%swap3A_530, %swap3A_531] {strides = array<i32>} : memref<64x768xf32, #tpu.memory_space<vmem>>, vector<1x16xf32>,
      %swap3A_533 = vector.shape_cast %swap3A_532 : vector<1x16xf32> to vector<16xf32>
      %swap3A_534 = vector.shape_cast %add3A_529 : vector<16xf32> to vector<1x16xf32>
      tpu.vector_store %arg6[%swap3A_530, %swap3A_531], %swap3A_534 {strides = array<i32>} : memref<64x768xf32, #tpu.memory_space<vmem>>, vector<1x16xf32>,
      %get3A_535 = arith.index_cast %scan3A_18 : i32 to index
      %get3A_536 = arith.constant 592 : index
      %get3A_537 = tpu.vector_load %arg6[%get3A_535, %get3A_536] {strides = array<i32>} : memref<64x768xf32, #tpu.memory_space<vmem>>, vector<1x16xf32>,
      %get3A_538 = vector.shape_cast %get3A_537 : vector<1x16xf32> to vector<16xf32>
      %get3A_539 = arith.index_cast %scan3A_18 : i32 to index
      %get3A_540 = arith.constant 592 : index
      %get3A_541 = tpu.vector_load %arg7[%get3A_539, %get3A_540] {strides = array<i32>} : memref<64x768xf32, #tpu.memory_space<vmem>>, vector<1x16xf32>,
      %get3A_542 = vector.shape_cast %get3A_541 : vector<1x16xf32> to vector<16xf32>
      %add3A_543 = arith.addf %get3A_538, %get3A_542 : vector<16xf32>
      %swap3A_544 = arith.index_cast %scan3A_18 : i32 to index
      %swap3A_545 = arith.constant 592 : index
      %swap3A_546 = tpu.vector_load %arg6[%swap3A_544, %swap3A_545] {strides = array<i32>} : memref<64x768xf32, #tpu.memory_space<vmem>>, vector<1x16xf32>,
      %swap3A_547 = vector.shape_cast %swap3A_546 : vector<1x16xf32> to vector<16xf32>
      %swap3A_548 = vector.shape_cast %add3A_543 : vector<16xf32> to vector<1x16xf32>
      tpu.vector_store %arg6[%swap3A_544, %swap3A_545], %swap3A_548 {strides = array<i32>} : memref<64x768xf32, #tpu.memory_space<vmem>>, vector<1x16xf32>,
      %get3A_549 = arith.index_cast %scan3A_18 : i32 to index
      %get3A_550 = arith.constant 608 : index
      %get3A_551 = tpu.vector_load %arg6[%get3A_549, %get3A_550] {strides = array<i32>} : memref<64x768xf32, #tpu.memory_space<vmem>>, vector<1x16xf32>,
      %get3A_552 = vector.shape_cast %get3A_551 : vector<1x16xf32> to vector<16xf32>
      %get3A_553 = arith.index_cast %scan3A_18 : i32 to index
      %get3A_554 = arith.constant 608 : index
      %get3A_555 = tpu.vector_load %arg7[%get3A_553, %get3A_554] {strides = array<i32>} : memref<64x768xf32, #tpu.memory_space<vmem>>, vector<1x16xf32>,
      %get3A_556 = vector.shape_cast %get3A_555 : vector<1x16xf32> to vector<16xf32>
      %add3A_557 = arith.addf %get3A_552, %get3A_556 : vector<16xf32>
      %swap3A_558 = arith.index_cast %scan3A_18 : i32 to index
      %swap3A_559 = arith.constant 608 : index
      %swap3A_560 = tpu.vector_load %arg6[%swap3A_558, %swap3A_559] {strides = array<i32>} : memref<64x768xf32, #tpu.memory_space<vmem>>, vector<1x16xf32>,
      %swap3A_561 = vector.shape_cast %swap3A_560 : vector<1x16xf32> to vector<16xf32>
      %swap3A_562 = vector.shape_cast %add3A_557 : vector<16xf32> to vector<1x16xf32>
      tpu.vector_store %arg6[%swap3A_558, %swap3A_559], %swap3A_562 {strides = array<i32>} : memref<64x768xf32, #tpu.memory_space<vmem>>, vector<1x16xf32>,
      %get3A_563 = arith.index_cast %scan3A_18 : i32 to index
      %get3A_564 = arith.constant 624 : index
      %get3A_565 = tpu.vector_load %arg6[%get3A_563, %get3A_564] {strides = array<i32>} : memref<64x768xf32, #tpu.memory_space<vmem>>, vector<1x16xf32>,
      %get3A_566 = vector.shape_cast %get3A_565 : vector<1x16xf32> to vector<16xf32>
      %get3A_567 = arith.index_cast %scan3A_18 : i32 to index
      %get3A_568 = arith.constant 624 : index
      %get3A_569 = tpu.vector_load %arg7[%get3A_567, %get3A_568] {strides = array<i32>} : memref<64x768xf32, #tpu.memory_space<vmem>>, vector<1x16xf32>,
      %get3A_570 = vector.shape_cast %get3A_569 : vector<1x16xf32> to vector<16xf32>
      %add3A_571 = arith.addf %get3A_566, %get3A_570 : vector<16xf32>
      %swap3A_572 = arith.index_cast %scan3A_18 : i32 to index
      %swap3A_573 = arith.constant 624 : index
      %swap3A_574 = tpu.vector_load %arg6[%swap3A_572, %swap3A_573] {strides = array<i32>} : memref<64x768xf32, #tpu.memory_space<vmem>>, vector<1x16xf32>,
      %swap3A_575 = vector.shape_cast %swap3A_574 : vector<1x16xf32> to vector<16xf32>
      %swap3A_576 = vector.shape_cast %add3A_571 : vector<16xf32> to vector<1x16xf32>
      tpu.vector_store %arg6[%swap3A_572, %swap3A_573], %swap3A_576 {strides = array<i32>} : memref<64x768xf32, #tpu.memory_space<vmem>>, vector<1x16xf32>,
      %get3A_577 = arith.index_cast %scan3A_18 : i32 to index
      %get3A_578 = arith.constant 640 : index
      %get3A_579 = tpu.vector_load %arg6[%get3A_577, %get3A_578] {strides = array<i32>} : memref<64x768xf32, #tpu.memory_space<vmem>>, vector<1x16xf32>,
      %get3A_580 = vector.shape_cast %get3A_579 : vector<1x16xf32> to vector<16xf32>
      %get3A_581 = arith.index_cast %scan3A_18 : i32 to index
      %get3A_582 = arith.constant 640 : index
      %get3A_583 = tpu.vector_load %arg7[%get3A_581, %get3A_582] {strides = array<i32>} : memref<64x768xf32, #tpu.memory_space<vmem>>, vector<1x16xf32>,
      %get3A_584 = vector.shape_cast %get3A_583 : vector<1x16xf32> to vector<16xf32>
      %add3A_585 = arith.addf %get3A_580, %get3A_584 : vector<16xf32>
      %swap3A_586 = arith.index_cast %scan3A_18 : i32 to index
      %swap3A_587 = arith.constant 640 : index
      %swap3A_588 = tpu.vector_load %arg6[%swap3A_586, %swap3A_587] {strides = array<i32>} : memref<64x768xf32, #tpu.memory_space<vmem>>, vector<1x16xf32>,
      %swap3A_589 = vector.shape_cast %swap3A_588 : vector<1x16xf32> to vector<16xf32>
      %swap3A_590 = vector.shape_cast %add3A_585 : vector<16xf32> to vector<1x16xf32>
      tpu.vector_store %arg6[%swap3A_586, %swap3A_587], %swap3A_590 {strides = array<i32>} : memref<64x768xf32, #tpu.memory_space<vmem>>, vector<1x16xf32>,
      %get3A_591 = arith.index_cast %scan3A_18 : i32 to index
      %get3A_592 = arith.constant 656 : index
      %get3A_593 = tpu.vector_load %arg6[%get3A_591, %get3A_592] {strides = array<i32>} : memref<64x768xf32, #tpu.memory_space<vmem>>, vector<1x16xf32>,
      %get3A_594 = vector.shape_cast %get3A_593 : vector<1x16xf32> to vector<16xf32>
      %get3A_595 = arith.index_cast %scan3A_18 : i32 to index
      %get3A_596 = arith.constant 656 : index
      %get3A_597 = tpu.vector_load %arg7[%get3A_595, %get3A_596] {strides = array<i32>} : memref<64x768xf32, #tpu.memory_space<vmem>>, vector<1x16xf32>,
      %get3A_598 = vector.shape_cast %get3A_597 : vector<1x16xf32> to vector<16xf32>
      %add3A_599 = arith.addf %get3A_594, %get3A_598 : vector<16xf32>
      %swap3A_600 = arith.index_cast %scan3A_18 : i32 to index
      %swap3A_601 = arith.constant 656 : index
      %swap3A_602 = tpu.vector_load %arg6[%swap3A_600, %swap3A_601] {strides = array<i32>} : memref<64x768xf32, #tpu.memory_space<vmem>>, vector<1x16xf32>,
      %swap3A_603 = vector.shape_cast %swap3A_602 : vector<1x16xf32> to vector<16xf32>
      %swap3A_604 = vector.shape_cast %add3A_599 : vector<16xf32> to vector<1x16xf32>
      tpu.vector_store %arg6[%swap3A_600, %swap3A_601], %swap3A_604 {strides = array<i32>} : memref<64x768xf32, #tpu.memory_space<vmem>>, vector<1x16xf32>,
      %get3A_605 = arith.index_cast %scan3A_18 : i32 to index
      %get3A_606 = arith.constant 672 : index
      %get3A_607 = tpu.vector_load %arg6[%get3A_605, %get3A_606] {strides = array<i32>} : memref<64x768xf32, #tpu.memory_space<vmem>>, vector<1x16xf32>,
      %get3A_608 = vector.shape_cast %get3A_607 : vector<1x16xf32> to vector<16xf32>
      %get3A_609 = arith.index_cast %scan3A_18 : i32 to index
      %get3A_610 = arith.constant 672 : index
      %get3A_611 = tpu.vector_load %arg7[%get3A_609, %get3A_610] {strides = array<i32>} : memref<64x768xf32, #tpu.memory_space<vmem>>, vector<1x16xf32>,
      %get3A_612 = vector.shape_cast %get3A_611 : vector<1x16xf32> to vector<16xf32>
      %add3A_613 = arith.addf %get3A_608, %get3A_612 : vector<16xf32>
      %swap3A_614 = arith.index_cast %scan3A_18 : i32 to index
      %swap3A_615 = arith.constant 672 : index
      %swap3A_616 = tpu.vector_load %arg6[%swap3A_614, %swap3A_615] {strides = array<i32>} : memref<64x768xf32, #tpu.memory_space<vmem>>, vector<1x16xf32>,
      %swap3A_617 = vector.shape_cast %swap3A_616 : vector<1x16xf32> to vector<16xf32>
      %swap3A_618 = vector.shape_cast %add3A_613 : vector<16xf32> to vector<1x16xf32>
      tpu.vector_store %arg6[%swap3A_614, %swap3A_615], %swap3A_618 {strides = array<i32>} : memref<64x768xf32, #tpu.memory_space<vmem>>, vector<1x16xf32>,
      %get3A_619 = arith.index_cast %scan3A_18 : i32 to index
      %get3A_620 = arith.constant 688 : index
      %get3A_621 = tpu.vector_load %arg6[%get3A_619, %get3A_620] {strides = array<i32>} : memref<64x768xf32, #tpu.memory_space<vmem>>, vector<1x16xf32>,
      %get3A_622 = vector.shape_cast %get3A_621 : vector<1x16xf32> to vector<16xf32>
      %get3A_623 = arith.index_cast %scan3A_18 : i32 to index
      %get3A_624 = arith.constant 688 : index
      %get3A_625 = tpu.vector_load %arg7[%get3A_623, %get3A_624] {strides = array<i32>} : memref<64x768xf32, #tpu.memory_space<vmem>>, vector<1x16xf32>,
      %get3A_626 = vector.shape_cast %get3A_625 : vector<1x16xf32> to vector<16xf32>
      %add3A_627 = arith.addf %get3A_622, %get3A_626 : vector<16xf32>
      %swap3A_628 = arith.index_cast %scan3A_18 : i32 to index
      %swap3A_629 = arith.constant 688 : index
      %swap3A_630 = tpu.vector_load %arg6[%swap3A_628, %swap3A_629] {strides = array<i32>} : memref<64x768xf32, #tpu.memory_space<vmem>>, vector<1x16xf32>,
      %swap3A_631 = vector.shape_cast %swap3A_630 : vector<1x16xf32> to vector<16xf32>
      %swap3A_632 = vector.shape_cast %add3A_627 : vector<16xf32> to vector<1x16xf32>
      tpu.vector_store %arg6[%swap3A_628, %swap3A_629], %swap3A_632 {strides = array<i32>} : memref<64x768xf32, #tpu.memory_space<vmem>>, vector<1x16xf32>,
      %get3A_633 = arith.index_cast %scan3A_18 : i32 to index
      %get3A_634 = arith.constant 704 : index
      %get3A_635 = tpu.vector_load %arg6[%get3A_633, %get3A_634] {strides = array<i32>} : memref<64x768xf32, #tpu.memory_space<vmem>>, vector<1x16xf32>,
      %get3A_636 = vector.shape_cast %get3A_635 : vector<1x16xf32> to vector<16xf32>
      %get3A_637 = arith.index_cast %scan3A_18 : i32 to index
      %get3A_638 = arith.constant 704 : index
      %get3A_639 = tpu.vector_load %arg7[%get3A_637, %get3A_638] {strides = array<i32>} : memref<64x768xf32, #tpu.memory_space<vmem>>, vector<1x16xf32>,
      %get3A_640 = vector.shape_cast %get3A_639 : vector<1x16xf32> to vector<16xf32>
      %add3A_641 = arith.addf %get3A_636, %get3A_640 : vector<16xf32>
      %swap3A_642 = arith.index_cast %scan3A_18 : i32 to index
      %swap3A_643 = arith.constant 704 : index
      %swap3A_644 = tpu.vector_load %arg6[%swap3A_642, %swap3A_643] {strides = array<i32>} : memref<64x768xf32, #tpu.memory_space<vmem>>, vector<1x16xf32>,
      %swap3A_645 = vector.shape_cast %swap3A_644 : vector<1x16xf32> to vector<16xf32>
      %swap3A_646 = vector.shape_cast %add3A_641 : vector<16xf32> to vector<1x16xf32>
      tpu.vector_store %arg6[%swap3A_642, %swap3A_643], %swap3A_646 {strides = array<i32>} : memref<64x768xf32, #tpu.memory_space<vmem>>, vector<1x16xf32>,
      %get3A_647 = arith.index_cast %scan3A_18 : i32 to index
      %get3A_648 = arith.constant 720 : index
      %get3A_649 = tpu.vector_load %arg6[%get3A_647, %get3A_648] {strides = array<i32>} : memref<64x768xf32, #tpu.memory_space<vmem>>, vector<1x16xf32>,
      %get3A_650 = vector.shape_cast %get3A_649 : vector<1x16xf32> to vector<16xf32>
      %get3A_651 = arith.index_cast %scan3A_18 : i32 to index
      %get3A_652 = arith.constant 720 : index
      %get3A_653 = tpu.vector_load %arg7[%get3A_651, %get3A_652] {strides = array<i32>} : memref<64x768xf32, #tpu.memory_space<vmem>>, vector<1x16xf32>,
      %get3A_654 = vector.shape_cast %get3A_653 : vector<1x16xf32> to vector<16xf32>
      %add3A_655 = arith.addf %get3A_650, %get3A_654 : vector<16xf32>
      %swap3A_656 = arith.index_cast %scan3A_18 : i32 to index
      %swap3A_657 = arith.constant 720 : index
      %swap3A_658 = tpu.vector_load %arg6[%swap3A_656, %swap3A_657] {strides = array<i32>} : memref<64x768xf32, #tpu.memory_space<vmem>>, vector<1x16xf32>,
      %swap3A_659 = vector.shape_cast %swap3A_658 : vector<1x16xf32> to vector<16xf32>
      %swap3A_660 = vector.shape_cast %add3A_655 : vector<16xf32> to vector<1x16xf32>
      tpu.vector_store %arg6[%swap3A_656, %swap3A_657], %swap3A_660 {strides = array<i32>} : memref<64x768xf32, #tpu.memory_space<vmem>>, vector<1x16xf32>,
      %get3A_661 = arith.index_cast %scan3A_18 : i32 to index
      %get3A_662 = arith.constant 736 : index
      %get3A_663 = tpu.vector_load %arg6[%get3A_661, %get3A_662] {strides = array<i32>} : memref<64x768xf32, #tpu.memory_space<vmem>>, vector<1x16xf32>,
      %get3A_664 = vector.shape_cast %get3A_663 : vector<1x16xf32> to vector<16xf32>
      %get3A_665 = arith.index_cast %scan3A_18 : i32 to index
      %get3A_666 = arith.constant 736 : index
      %get3A_667 = tpu.vector_load %arg7[%get3A_665, %get3A_666] {strides = array<i32>} : memref<64x768xf32, #tpu.memory_space<vmem>>, vector<1x16xf32>,
      %get3A_668 = vector.shape_cast %get3A_667 : vector<1x16xf32> to vector<16xf32>
      %add3A_669 = arith.addf %get3A_664, %get3A_668 : vector<16xf32>
      %swap3A_670 = arith.index_cast %scan3A_18 : i32 to index
      %swap3A_671 = arith.constant 736 : index
      %swap3A_672 = tpu.vector_load %arg6[%swap3A_670, %swap3A_671] {strides = array<i32>} : memref<64x768xf32, #tpu.memory_space<vmem>>, vector<1x16xf32>,
      %swap3A_673 = vector.shape_cast %swap3A_672 : vector<1x16xf32> to vector<16xf32>
      %swap3A_674 = vector.shape_cast %add3A_669 : vector<16xf32> to vector<1x16xf32>
      tpu.vector_store %arg6[%swap3A_670, %swap3A_671], %swap3A_674 {strides = array<i32>} : memref<64x768xf32, #tpu.memory_space<vmem>>, vector<1x16xf32>,
      %get3A_675 = arith.index_cast %scan3A_18 : i32 to index
      %get3A_676 = arith.constant 752 : index
      %get3A_677 = tpu.vector_load %arg6[%get3A_675, %get3A_676] {strides = array<i32>} : memref<64x768xf32, #tpu.memory_space<vmem>>, vector<1x16xf32>,
      %get3A_678 = vector.shape_cast %get3A_677 : vector<1x16xf32> to vector<16xf32>
      %get3A_679 = arith.index_cast %scan3A_18 : i32 to index
      %get3A_680 = arith.constant 752 : index
      %get3A_681 = tpu.vector_load %arg7[%get3A_679, %get3A_680] {strides = array<i32>} : memref<64x768xf32, #tpu.memory_space<vmem>>, vector<1x16xf32>,
      %get3A_682 = vector.shape_cast %get3A_681 : vector<1x16xf32> to vector<16xf32>
      %add3A_683 = arith.addf %get3A_678, %get3A_682 : vector<16xf32>
      %swap3A_684 = arith.index_cast %scan3A_18 : i32 to index
      %swap3A_685 = arith.constant 752 : index
      %swap3A_686 = tpu.vector_load %arg6[%swap3A_684, %swap3A_685] {strides = array<i32>} : memref<64x768xf32, #tpu.memory_space<vmem>>, vector<1x16xf32>,
      %swap3A_687 = vector.shape_cast %swap3A_686 : vector<1x16xf32> to vector<16xf32>
      %swap3A_688 = vector.shape_cast %add3A_683 : vector<16xf32> to vector<1x16xf32>
      tpu.vector_store %arg6[%swap3A_684, %swap3A_685], %swap3A_688 {strides = array<i32>} : memref<64x768xf32, #tpu.memory_space<vmem>>, vector<1x16xf32>,
    }
    %scan3A_17 = arith.constant 64 : i32
    "tpu.region"() ({
      %run_scoped3A = tpu.sem_alloc : memref<!tpu.dma_semaphore, #tpu.memory_space<semaphore_mem>>
      %dma_start3A_18 = arith.constant 0 : i32
      %dma_start3A_19 = tpu.memref_slice %arg5[%mul3A_2, %dma_start3A_18] : memref<2048x768xf32, #tpu.memory_space<hbm>> -> memref<64x768xf32, #tpu.memory_space<hbm>>
      %dma_start3A_20 = arith.constant 0 : i32
      %dma_start3A_21 = tpu.memref_slice %arg5[%mul3A_2, %dma_start3A_20] : memref<2048x768xf32, #tpu.memory_space<hbm>> -> memref<64x768xf32, #tpu.memory_space<hbm>>
      tpu.enqueue_dma source(%arg6 : memref<64x768xf32, #tpu.memory_space<vmem>>) target(%dma_start3A_21 : memref<64x768xf32, #tpu.memory_space<hbm>>) target_semaphore(%run_scoped3A : memref<!tpu.dma_semaphore, #tpu.memory_space<semaphore_mem>>)
      %dma_wait3A_22 = arith.constant 0 : i32
      %dma_wait3A_23 = tpu.memref_slice %arg5[%mul3A_2, %dma_wait3A_22] : memref<2048x768xf32, #tpu.memory_space<hbm>> -> memref<64x768xf32, #tpu.memory_space<hbm>>
      %dma_wait3A_24 = arith.constant 0 : i32
      %dma_wait3A_25 = tpu.memref_slice %arg5[%mul3A_2, %dma_wait3A_24] : memref<2048x768xf32, #tpu.memory_space<hbm>> -> memref<64x768xf32, #tpu.memory_space<hbm>>
      tpu.wait_dma2 semaphore(%run_scoped3A : memref<!tpu.dma_semaphore, #tpu.memory_space<semaphore_mem>>) src(%arg6 : memref<64x768xf32, #tpu.memory_space<vmem>>) dst(%dma_wait3A_25 : memref<64x768xf32, #tpu.memory_space<hbm>>)
      tpu.yield
    }) : () -> ()
    return
  }
}

#map = affine_map<(d0, d1) -> (0, 0)>
#map1 = affine_map<(d0, d1) -> (0)>
module attributes {stable_mosaic.version = 14 : i64} {
  func.func @_sc_dispatch_k(%arg0: i32, %arg1: i32, %arg2: memref<2048x384xf32, #tpu.memory_space<hbm>>, %arg3: memref<2048xi32, #tpu.memory_space<hbm>>, %arg4: memref<2048xi32, #tpu.memory_space<hbm>>, %arg5: memref<2048x128xf32, #tpu.memory_space<hbm>>, %arg6: memref<2048x128xf32, #tpu.memory_space<hbm>>, %arg7: memref<6144x384xf32, #tpu.memory_space<hbm>>, %arg8: memref<6144x128xf32, #tpu.memory_space<hbm>>, %arg9: memref<64x384xf32, #tpu.memory_space<vmem>>, %arg10: memref<64x128xf32, #tpu.memory_space<vmem>>, %arg11: memref<64x128xf32, #tpu.memory_space<vmem>>, %arg12: memref<64xi32, #tpu.memory_space<vmem>>, %arg13: memref<64xi32, #tpu.memory_space<vmem>>, %arg14: memref<!tpu.dma_semaphore, #tpu.memory_space<semaphore_mem>>) attributes {dimension_semantics = [#tpu.dimension_semantics<core_parallel>, #tpu.dimension_semantics<subcore_parallel>], iteration_bounds = array<i64: 2, 16>, scalar_prefetch = 0 : i64, scratch_operands = 6 : i64, tpu.core_type = #tpu.core_type<sc_vector_subcore>, window_params = [{transform_indices = #map}, {transform_indices = #map1}, {transform_indices = #map1}, {transform_indices = #map}, {transform_indices = #map}, {transform_indices = #map}, {transform_indices = #map}]} {
    %mul3A = arith.constant 2 : i32
    %mul3A_0 = arith.muli %arg1, %mul3A : i32
    %add3A = arith.addi %mul3A_0, %arg0 : i32
    %mul3A_1 = arith.constant 64 : i32
    %mul3A_2 = arith.muli %add3A, %mul3A_1 : i32
    "tpu.region"() ({
      %run_scoped3A = tpu.sem_alloc : memref<!tpu.dma_semaphore, #tpu.memory_space<semaphore_mem>>
      %dma_start3A_25 = arith.constant 0 : i32
      %dma_start3A_26 = tpu.memref_slice %arg2[%mul3A_2, %dma_start3A_25] : memref<2048x384xf32, #tpu.memory_space<hbm>> -> memref<64x384xf32, #tpu.memory_space<hbm>>
      %dma_start3A_27 = arith.constant 0 : i32
      %dma_start3A_28 = tpu.memref_slice %arg2[%mul3A_2, %dma_start3A_27] : memref<2048x384xf32, #tpu.memory_space<hbm>> -> memref<64x384xf32, #tpu.memory_space<hbm>>
      tpu.enqueue_dma source(%dma_start3A_28 : memref<64x384xf32, #tpu.memory_space<hbm>>) target(%arg9 : memref<64x384xf32, #tpu.memory_space<vmem>>) target_semaphore(%run_scoped3A : memref<!tpu.dma_semaphore, #tpu.memory_space<semaphore_mem>>)
      %dma_wait3A_29 = arith.constant 0 : i32
      %dma_wait3A_30 = tpu.memref_slice %arg2[%mul3A_2, %dma_wait3A_29] : memref<2048x384xf32, #tpu.memory_space<hbm>> -> memref<64x384xf32, #tpu.memory_space<hbm>>
      %dma_wait3A_31 = arith.constant 0 : i32
      %dma_wait3A_32 = tpu.memref_slice %arg2[%mul3A_2, %dma_wait3A_31] : memref<2048x384xf32, #tpu.memory_space<hbm>> -> memref<64x384xf32, #tpu.memory_space<hbm>>
      tpu.wait_dma2 semaphore(%run_scoped3A : memref<!tpu.dma_semaphore, #tpu.memory_space<semaphore_mem>>) src(%dma_wait3A_32 : memref<64x384xf32, #tpu.memory_space<hbm>>) dst(%arg9 : memref<64x384xf32, #tpu.memory_space<vmem>>)
      tpu.yield
    }) : () -> ()
    "tpu.region"() ({
      %run_scoped3A = tpu.sem_alloc : memref<!tpu.dma_semaphore, #tpu.memory_space<semaphore_mem>>
      %dma_start3A_25 = tpu.memref_slice %arg3[%mul3A_2] : memref<2048xi32, #tpu.memory_space<hbm>> -> memref<64xi32, #tpu.memory_space<hbm>>
      %dma_start3A_26 = tpu.memref_slice %arg3[%mul3A_2] : memref<2048xi32, #tpu.memory_space<hbm>> -> memref<64xi32, #tpu.memory_space<hbm>>
      tpu.enqueue_dma source(%dma_start3A_26 : memref<64xi32, #tpu.memory_space<hbm>>) target(%arg12 : memref<64xi32, #tpu.memory_space<vmem>>) target_semaphore(%run_scoped3A : memref<!tpu.dma_semaphore, #tpu.memory_space<semaphore_mem>>)
      %dma_wait3A_27 = tpu.memref_slice %arg3[%mul3A_2] : memref<2048xi32, #tpu.memory_space<hbm>> -> memref<64xi32, #tpu.memory_space<hbm>>
      %dma_wait3A_28 = tpu.memref_slice %arg3[%mul3A_2] : memref<2048xi32, #tpu.memory_space<hbm>> -> memref<64xi32, #tpu.memory_space<hbm>>
      tpu.wait_dma2 semaphore(%run_scoped3A : memref<!tpu.dma_semaphore, #tpu.memory_space<semaphore_mem>>) src(%dma_wait3A_28 : memref<64xi32, #tpu.memory_space<hbm>>) dst(%arg12 : memref<64xi32, #tpu.memory_space<vmem>>)
      tpu.yield
    }) : () -> ()
    "tpu.region"() ({
      %run_scoped3A = tpu.sem_alloc : memref<!tpu.dma_semaphore, #tpu.memory_space<semaphore_mem>>
      %dma_start3A_25 = tpu.memref_slice %arg4[%mul3A_2] : memref<2048xi32, #tpu.memory_space<hbm>> -> memref<64xi32, #tpu.memory_space<hbm>>
      %dma_start3A_26 = tpu.memref_slice %arg4[%mul3A_2] : memref<2048xi32, #tpu.memory_space<hbm>> -> memref<64xi32, #tpu.memory_space<hbm>>
      tpu.enqueue_dma source(%dma_start3A_26 : memref<64xi32, #tpu.memory_space<hbm>>) target(%arg13 : memref<64xi32, #tpu.memory_space<vmem>>) target_semaphore(%run_scoped3A : memref<!tpu.dma_semaphore, #tpu.memory_space<semaphore_mem>>)
      %dma_wait3A_27 = tpu.memref_slice %arg4[%mul3A_2] : memref<2048xi32, #tpu.memory_space<hbm>> -> memref<64xi32, #tpu.memory_space<hbm>>
      %dma_wait3A_28 = tpu.memref_slice %arg4[%mul3A_2] : memref<2048xi32, #tpu.memory_space<hbm>> -> memref<64xi32, #tpu.memory_space<hbm>>
      tpu.wait_dma2 semaphore(%run_scoped3A : memref<!tpu.dma_semaphore, #tpu.memory_space<semaphore_mem>>) src(%dma_wait3A_28 : memref<64xi32, #tpu.memory_space<hbm>>) dst(%arg13 : memref<64xi32, #tpu.memory_space<vmem>>)
      tpu.yield
    }) : () -> ()
    "tpu.region"() ({
      %run_scoped3A = tpu.sem_alloc : memref<!tpu.dma_semaphore, #tpu.memory_space<semaphore_mem>>
      %dma_start3A_25 = arith.constant 0 : i32
      %dma_start3A_26 = tpu.memref_slice %arg5[%mul3A_2, %dma_start3A_25] : memref<2048x128xf32, #tpu.memory_space<hbm>> -> memref<64x128xf32, #tpu.memory_space<hbm>>
      %dma_start3A_27 = arith.constant 0 : i32
      %dma_start3A_28 = tpu.memref_slice %arg5[%mul3A_2, %dma_start3A_27] : memref<2048x128xf32, #tpu.memory_space<hbm>> -> memref<64x128xf32, #tpu.memory_space<hbm>>
      tpu.enqueue_dma source(%dma_start3A_28 : memref<64x128xf32, #tpu.memory_space<hbm>>) target(%arg10 : memref<64x128xf32, #tpu.memory_space<vmem>>) target_semaphore(%run_scoped3A : memref<!tpu.dma_semaphore, #tpu.memory_space<semaphore_mem>>)
      %dma_wait3A_29 = arith.constant 0 : i32
      %dma_wait3A_30 = tpu.memref_slice %arg5[%mul3A_2, %dma_wait3A_29] : memref<2048x128xf32, #tpu.memory_space<hbm>> -> memref<64x128xf32, #tpu.memory_space<hbm>>
      %dma_wait3A_31 = arith.constant 0 : i32
      %dma_wait3A_32 = tpu.memref_slice %arg5[%mul3A_2, %dma_wait3A_31] : memref<2048x128xf32, #tpu.memory_space<hbm>> -> memref<64x128xf32, #tpu.memory_space<hbm>>
      tpu.wait_dma2 semaphore(%run_scoped3A : memref<!tpu.dma_semaphore, #tpu.memory_space<semaphore_mem>>) src(%dma_wait3A_32 : memref<64x128xf32, #tpu.memory_space<hbm>>) dst(%arg10 : memref<64x128xf32, #tpu.memory_space<vmem>>)
      tpu.yield
    }) : () -> ()
    "tpu.region"() ({
      %run_scoped3A = tpu.sem_alloc : memref<!tpu.dma_semaphore, #tpu.memory_space<semaphore_mem>>
      %dma_start3A_25 = arith.constant 0 : i32
      %dma_start3A_26 = tpu.memref_slice %arg6[%mul3A_2, %dma_start3A_25] : memref<2048x128xf32, #tpu.memory_space<hbm>> -> memref<64x128xf32, #tpu.memory_space<hbm>>
      %dma_start3A_27 = arith.constant 0 : i32
      %dma_start3A_28 = tpu.memref_slice %arg6[%mul3A_2, %dma_start3A_27] : memref<2048x128xf32, #tpu.memory_space<hbm>> -> memref<64x128xf32, #tpu.memory_space<hbm>>
      tpu.enqueue_dma source(%dma_start3A_28 : memref<64x128xf32, #tpu.memory_space<hbm>>) target(%arg11 : memref<64x128xf32, #tpu.memory_space<vmem>>) target_semaphore(%run_scoped3A : memref<!tpu.dma_semaphore, #tpu.memory_space<semaphore_mem>>)
      %dma_wait3A_29 = arith.constant 0 : i32
      %dma_wait3A_30 = tpu.memref_slice %arg6[%mul3A_2, %dma_wait3A_29] : memref<2048x128xf32, #tpu.memory_space<hbm>> -> memref<64x128xf32, #tpu.memory_space<hbm>>
      %dma_wait3A_31 = arith.constant 0 : i32
      %dma_wait3A_32 = tpu.memref_slice %arg6[%mul3A_2, %dma_wait3A_31] : memref<2048x128xf32, #tpu.memory_space<hbm>> -> memref<64x128xf32, #tpu.memory_space<hbm>>
      tpu.wait_dma2 semaphore(%run_scoped3A : memref<!tpu.dma_semaphore, #tpu.memory_space<semaphore_mem>>) src(%dma_wait3A_32 : memref<64x128xf32, #tpu.memory_space<hbm>>) dst(%arg11 : memref<64x128xf32, #tpu.memory_space<vmem>>)
      tpu.yield
    }) : () -> ()
    %dma_start3A = arith.constant 0 : i32
    %dma_start3A_3 = arith.constant 0 : i32
    %dma_start3A_4 = tpu.memref_slice %arg7[%dma_start3A, %dma_start3A_3] : memref<6144x384xf32, #tpu.memory_space<hbm>> -> memref<6144x384xf32, #tpu.memory_space<hbm>>
    tpu.enqueue_indirect_dma source(%arg9 : memref<64x384xf32, #tpu.memory_space<vmem>>) target(%dma_start3A_4 : memref<6144x384xf32, #tpu.memory_space<hbm>>) offsets(%arg12 : memref<64xi32, #tpu.memory_space<vmem>>) semaphore(%arg14 : memref<!tpu.dma_semaphore, #tpu.memory_space<semaphore_mem>>)
    %dma_start3A_5 = arith.constant 0 : i32
    %dma_start3A_6 = arith.constant 0 : i32
    %dma_start3A_7 = tpu.memref_slice %arg7[%dma_start3A_5, %dma_start3A_6] : memref<6144x384xf32, #tpu.memory_space<hbm>> -> memref<6144x384xf32, #tpu.memory_space<hbm>>
    tpu.enqueue_indirect_dma source(%arg9 : memref<64x384xf32, #tpu.memory_space<vmem>>) target(%dma_start3A_7 : memref<6144x384xf32, #tpu.memory_space<hbm>>) offsets(%arg13 : memref<64xi32, #tpu.memory_space<vmem>>) semaphore(%arg14 : memref<!tpu.dma_semaphore, #tpu.memory_space<semaphore_mem>>)
    %dma_start3A_8 = arith.constant 0 : i32
    %dma_start3A_9 = arith.constant 0 : i32
    %dma_start3A_10 = tpu.memref_slice %arg8[%dma_start3A_8, %dma_start3A_9] : memref<6144x128xf32, #tpu.memory_space<hbm>> -> memref<6144x128xf32, #tpu.memory_space<hbm>>
    tpu.enqueue_indirect_dma source(%arg10 : memref<64x128xf32, #tpu.memory_space<vmem>>) target(%dma_start3A_10 : memref<6144x128xf32, #tpu.memory_space<hbm>>) offsets(%arg12 : memref<64xi32, #tpu.memory_space<vmem>>) semaphore(%arg14 : memref<!tpu.dma_semaphore, #tpu.memory_space<semaphore_mem>>)
    %dma_start3A_11 = arith.constant 0 : i32
    %dma_start3A_12 = arith.constant 0 : i32
    %dma_start3A_13 = tpu.memref_slice %arg8[%dma_start3A_11, %dma_start3A_12] : memref<6144x128xf32, #tpu.memory_space<hbm>> -> memref<6144x128xf32, #tpu.memory_space<hbm>>
    tpu.enqueue_indirect_dma source(%arg11 : memref<64x128xf32, #tpu.memory_space<vmem>>) target(%dma_start3A_13 : memref<6144x128xf32, #tpu.memory_space<hbm>>) offsets(%arg13 : memref<64xi32, #tpu.memory_space<vmem>>) semaphore(%arg14 : memref<!tpu.dma_semaphore, #tpu.memory_space<semaphore_mem>>)
    %dma_wait3A = arith.constant 0 : i32
    %dma_wait3A_14 = arith.constant 0 : i32
    %dma_wait3A_15 = tpu.memref_slice %arg7[%dma_wait3A, %dma_wait3A_14] : memref<6144x384xf32, #tpu.memory_space<hbm>> -> memref<6144x384xf32, #tpu.memory_space<hbm>>
    tpu.wait_indirect_dma semaphore(%arg14 : memref<!tpu.dma_semaphore, #tpu.memory_space<semaphore_mem>>) src(%arg9 : memref<64x384xf32, #tpu.memory_space<vmem>>) dst(%dma_wait3A_15 : memref<6144x384xf32, #tpu.memory_space<hbm>>)
    %dma_wait3A_16 = arith.constant 0 : i32
    %dma_wait3A_17 = arith.constant 0 : i32
    %dma_wait3A_18 = tpu.memref_slice %arg7[%dma_wait3A_16, %dma_wait3A_17] : memref<6144x384xf32, #tpu.memory_space<hbm>> -> memref<6144x384xf32, #tpu.memory_space<hbm>>
    tpu.wait_indirect_dma semaphore(%arg14 : memref<!tpu.dma_semaphore, #tpu.memory_space<semaphore_mem>>) src(%arg9 : memref<64x384xf32, #tpu.memory_space<vmem>>) dst(%dma_wait3A_18 : memref<6144x384xf32, #tpu.memory_space<hbm>>)
    %dma_wait3A_19 = arith.constant 0 : i32
    %dma_wait3A_20 = arith.constant 0 : i32
    %dma_wait3A_21 = tpu.memref_slice %arg8[%dma_wait3A_19, %dma_wait3A_20] : memref<6144x128xf32, #tpu.memory_space<hbm>> -> memref<6144x128xf32, #tpu.memory_space<hbm>>
    tpu.wait_indirect_dma semaphore(%arg14 : memref<!tpu.dma_semaphore, #tpu.memory_space<semaphore_mem>>) src(%arg10 : memref<64x128xf32, #tpu.memory_space<vmem>>) dst(%dma_wait3A_21 : memref<6144x128xf32, #tpu.memory_space<hbm>>)
    %dma_wait3A_22 = arith.constant 0 : i32
    %dma_wait3A_23 = arith.constant 0 : i32
    %dma_wait3A_24 = tpu.memref_slice %arg8[%dma_wait3A_22, %dma_wait3A_23] : memref<6144x128xf32, #tpu.memory_space<hbm>> -> memref<6144x128xf32, #tpu.memory_space<hbm>>
    tpu.wait_indirect_dma semaphore(%arg14 : memref<!tpu.dma_semaphore, #tpu.memory_space<semaphore_mem>>) src(%arg11 : memref<64x128xf32, #tpu.memory_space<vmem>>) dst(%dma_wait3A_24 : memref<6144x128xf32, #tpu.memory_space<hbm>>)
    return
  }
}

module attributes {stable_mosaic.version = 14 : i64} {
  func.func @_plan_body(%arg0: memref<1x2048x768xf32, #tpu.memory_space<vmem>>, %arg1: memref<768x8xf32, #tpu.memory_space<vmem>>, %arg2: memref<1x8xf32, #tpu.memory_space<vmem>>, %arg3: memref<2048x8xf32, #tpu.memory_space<vmem>>, %arg4: memref<2048x384xf32, #tpu.memory_space<vmem>>, %arg5: memref<2048x1xi32, #tpu.memory_space<vmem>>, %arg6: memref<2048x1xi32, #tpu.memory_space<vmem>>, %arg7: memref<2048x128xf32, #tpu.memory_space<vmem>>, %arg8: memref<2048x128xf32, #tpu.memory_space<vmem>>, %arg9: memref<1x24xi32, #tpu.memory_space<vmem>>, %arg10: memref<1x24xi32, #tpu.memory_space<vmem>>) attributes {dimension_semantics = [], scalar_prefetch = 0 : i64, scratch_operands = 0 : i64, tpu.core_type = #tpu.core_type<tc>} {
    %get3A = arith.constant 0 : index
    %get3A_0 = arith.constant 0 : index
    %get3A_1 = arith.constant 0 : index
    %get3A_2 = vector.load %arg0[%get3A, %get3A_0, %get3A_1] : memref<1x2048x768xf32, #tpu.memory_space<vmem>>, vector<1x2048x768xf32>
    %get3A_3 = vector.shape_cast %get3A_2 : vector<1x2048x768xf32> to vector<2048x768xf32>
    %slice3A = vector.extract_strided_slice %get3A_3 {offsets = [0, 0], sizes = [2048, 384], strides = [1, 1]} : vector<2048x768xf32> to vector<2048x384xf32>
    %convert_element_type3A = arith.truncf %slice3A : vector<2048x384xf32> to vector<2048x384xbf16>
    %convert_element_type3A_4 = arith.extf %convert_element_type3A : vector<2048x384xbf16> to vector<2048x384xf32>
    %slice3A_5 = vector.extract_strided_slice %get3A_3 {offsets = [0, 384], sizes = [2048, 384], strides = [1, 1]} : vector<2048x768xf32> to vector<2048x384xf32>
    %convert_element_type3A_6 = arith.truncf %slice3A_5 : vector<2048x384xf32> to vector<2048x384xbf16>
    %convert_element_type3A_7 = arith.extf %convert_element_type3A_6 : vector<2048x384xbf16> to vector<2048x384xf32>
    %bitcast_convert_type3A = tpu.bitcast %convert_element_type3A_4 : vector<2048x384xf32> -> vector<2048x384xi32>
    %shift_right_logical3A = arith.constant 16 : i32
    %shift_right_logical3A_8 = vector.broadcast %shift_right_logical3A : i32 to vector<2048x384xi32>
    %shift_right_logical3A_9 = arith.shrui %bitcast_convert_type3A, %shift_right_logical3A_8 : vector<2048x384xi32>
    %bitcast_convert_type3A_10 = tpu.bitcast %convert_element_type3A_7 : vector<2048x384xf32> -> vector<2048x384xi32>
    %and3A = arith.constant -65536 : i32
    %and3A_11 = vector.broadcast %and3A : i32 to vector<2048x384xi32>
    %and3A_12 = arith.andi %bitcast_convert_type3A_10, %and3A_11 : vector<2048x384xi32>
    %or3A = arith.ori %shift_right_logical3A_9, %and3A_12 : vector<2048x384xi32>
    %bitcast_convert_type3A_13 = tpu.bitcast %or3A : vector<2048x384xi32> -> vector<2048x384xf32>
    %swap3A = arith.constant 0 : index
    %swap3A_14 = arith.constant 0 : index
    %swap3A_15 = vector.load %arg4[%swap3A, %swap3A_14] : memref<2048x384xf32, #tpu.memory_space<vmem>>, vector<2048x384xf32>
    tpu.vector_store %arg4[%swap3A, %swap3A_14], %bitcast_convert_type3A_13 {strides = array<i32>} : memref<2048x384xf32, #tpu.memory_space<vmem>>, vector<2048x384xf32>,
    %get3A_16 = arith.constant 0 : index
    %get3A_17 = arith.constant 0 : index
    %get3A_18 = vector.load %arg1[%get3A_16, %get3A_17] : memref<768x8xf32, #tpu.memory_space<vmem>>, vector<768x8xf32>
    %dot_general3A = arith.constant dense<0.000000e+00> : vector<2048x8xf32>
    %dot_general3A_19 = tpu.matmul %get3A_3, %get3A_18, %dot_general3A {dimension_numbers = #tpu.dot_dimension_numbers<[1], [0], [0], [1], [0, 0, 1, 1], [], []>, transpose_lhs_hint = false} : vector<2048x768xf32>, vector<768x8xf32>, vector<2048x8xf32> -> vector<2048x8xf32>
    %get3A_20 = arith.constant 0 : index
    %get3A_21 = arith.constant 0 : index
    %get3A_22 = vector.load %arg2[%get3A_20, %get3A_21] : memref<1x8xf32, #tpu.memory_space<vmem>>, vector<1x8xf32>
    %add3A = vector.broadcast %get3A_22 : vector<1x8xf32> to vector<2048x8xf32>
    %add3A_23 = arith.addf %dot_general3A_19, %add3A : vector<2048x8xf32>
    %reduce_max3A = arith.constant dense<0xFF800000> : vector<2048xf32>
    %reduce_max3A_24 = vector.multi_reduction <maximumf>, %add3A_23, %reduce_max3A [1] : vector<2048x8xf32> to vector<2048xf32>
    %broadcast_in_dim3A = vector.shape_cast %reduce_max3A_24 : vector<2048xf32> to vector<2048x1xf32>
    %sub3A = vector.broadcast %broadcast_in_dim3A : vector<2048x1xf32> to vector<2048x8xf32>
    %sub3A_25 = arith.subf %add3A_23, %sub3A : vector<2048x8xf32>
    %exp3A = math.exp %sub3A_25 : vector<2048x8xf32>
    %reduce_sum3A = arith.constant dense<0.000000e+00> : vector<2048xf32>
    %reduce_sum3A_26 = vector.multi_reduction <add>, %exp3A, %reduce_sum3A [1] : vector<2048x8xf32> to vector<2048xf32>
    %broadcast_in_dim3A_27 = vector.shape_cast %reduce_sum3A_26 : vector<2048xf32> to vector<2048x1xf32>
    %div3A = vector.broadcast %broadcast_in_dim3A_27 : vector<2048x1xf32> to vector<2048x8xf32>
    %div3A_28 = arith.divf %exp3A, %div3A : vector<2048x8xf32>
    %swap3A_29 = arith.constant 0 : index
    %swap3A_30 = arith.constant 0 : index
    %swap3A_31 = vector.load %arg3[%swap3A_29, %swap3A_30] : memref<2048x8xf32, #tpu.memory_space<vmem>>, vector<2048x8xf32>
    tpu.vector_store %arg3[%swap3A_29, %swap3A_30], %div3A_28 {strides = array<i32>} : memref<2048x8xf32, #tpu.memory_space<vmem>>, vector<2048x8xf32>,
    %iota3A = tpu.iota {dimensions = array<i32: 1>} : vector<2048x8xi32>
    %reduce_max3A_32 = arith.constant dense<0xFF800000> : vector<2048xf32>
    %reduce_max3A_33 = vector.multi_reduction <maximumf>, %div3A_28, %reduce_max3A_32 [1] : vector<2048x8xf32> to vector<2048xf32>
    %broadcast_in_dim3A_34 = vector.shape_cast %reduce_max3A_33 : vector<2048xf32> to vector<2048x1xf32>
    %eq3A = vector.broadcast %broadcast_in_dim3A_34 : vector<2048x1xf32> to vector<2048x8xf32>
    %eq3A_35 = arith.cmpf oeq, %div3A_28, %eq3A : vector<2048x8xf32>
    %jit3A = arith.constant 8 : i32
    %broadcast_in_dim3A_36 = vector.broadcast %jit3A : i32 to vector<2048x8xi32>
    %select_n3A = arith.select %eq3A_35, %iota3A, %broadcast_in_dim3A_36 : vector<2048x8xi1>, vector<2048x8xi32>
    %reduce_min3A = arith.constant dense<2147483647> : vector<2048xi32>
    %reduce_min3A_37 = vector.multi_reduction <minsi>, %select_n3A, %reduce_min3A [1] : vector<2048x8xi32> to vector<2048xi32>
    %broadcast_in_dim3A_38 = vector.shape_cast %reduce_min3A_37 : vector<2048xi32> to vector<2048x1xi32>
    %eq3A_39 = vector.broadcast %broadcast_in_dim3A_38 : vector<2048x1xi32> to vector<2048x8xi32>
    %eq3A_40 = arith.cmpi eq, %iota3A, %eq3A_39 : vector<2048x8xi32>
    %jit3A_41 = arith.constant -1.000000e+00 : f32
    %broadcast_in_dim3A_42 = vector.broadcast %jit3A_41 : f32 to vector<2048x8xf32>
    %select_n3A_43 = arith.select %eq3A_40, %broadcast_in_dim3A_42, %div3A_28 : vector<2048x8xi1>, vector<2048x8xf32>
    %reduce_max3A_44 = arith.constant dense<0xFF800000> : vector<2048xf32>
    %reduce_max3A_45 = vector.multi_reduction <maximumf>, %select_n3A_43, %reduce_max3A_44 [1] : vector<2048x8xf32> to vector<2048xf32>
    %broadcast_in_dim3A_46 = vector.shape_cast %reduce_max3A_45 : vector<2048xf32> to vector<2048x1xf32>
    %eq3A_47 = vector.broadcast %broadcast_in_dim3A_46 : vector<2048x1xf32> to vector<2048x8xf32>
    %eq3A_48 = arith.cmpf oeq, %select_n3A_43, %eq3A_47 : vector<2048x8xf32>
    %jit3A_49 = arith.constant 8 : i32
    %broadcast_in_dim3A_50 = vector.broadcast %jit3A_49 : i32 to vector<2048x8xi32>
    %select_n3A_51 = arith.select %eq3A_48, %iota3A, %broadcast_in_dim3A_50 : vector<2048x8xi1>, vector<2048x8xi32>
    %reduce_min3A_52 = arith.constant dense<2147483647> : vector<2048xi32>
    %reduce_min3A_53 = vector.multi_reduction <minsi>, %select_n3A_51, %reduce_min3A_52 [1] : vector<2048x8xi32> to vector<2048xi32>
    %broadcast_in_dim3A_54 = vector.shape_cast %reduce_min3A_53 : vector<2048xi32> to vector<2048x1xi32>
    %eq3A_55 = vector.broadcast %broadcast_in_dim3A_54 : vector<2048x1xi32> to vector<2048x8xi32>
    %eq3A_56 = arith.cmpi eq, %iota3A, %eq3A_55 : vector<2048x8xi32>
    %add3A_57 = arith.addf %broadcast_in_dim3A_34, %broadcast_in_dim3A_46 : vector<2048x1xf32>
    %add3A_58 = arith.constant 9.99999971E-10 : f32
    %add3A_59 = vector.broadcast %add3A_58 : f32 to vector<2048x1xf32>
    %add3A_60 = arith.addf %add3A_57, %add3A_59 : vector<2048x1xf32>
    %div3A_61 = arith.divf %broadcast_in_dim3A_34, %add3A_60 : vector<2048x1xf32>
    %broadcast_in_dim3A_62 = vector.shape_cast %div3A_61 : vector<2048x1xf32> to vector<2048x1xf32>
    %broadcast_in_dim3A_63 = vector.broadcast %broadcast_in_dim3A_62 : vector<2048x1xf32> to vector<2048x128xf32>
    %swap3A_64 = arith.constant 0 : index
    %swap3A_65 = arith.constant 0 : index
    %swap3A_66 = vector.load %arg7[%swap3A_64, %swap3A_65] : memref<2048x128xf32, #tpu.memory_space<vmem>>, vector<2048x128xf32>
    tpu.vector_store %arg7[%swap3A_64, %swap3A_65], %broadcast_in_dim3A_63 {strides = array<i32>} : memref<2048x128xf32, #tpu.memory_space<vmem>>, vector<2048x128xf32>,
    %div3A_67 = arith.divf %broadcast_in_dim3A_46, %add3A_60 : vector<2048x1xf32>
    %broadcast_in_dim3A_68 = vector.shape_cast %div3A_67 : vector<2048x1xf32> to vector<2048x1xf32>
    %broadcast_in_dim3A_69 = vector.broadcast %broadcast_in_dim3A_68 : vector<2048x1xf32> to vector<2048x128xf32>
    %swap3A_70 = arith.constant 0 : index
    %swap3A_71 = arith.constant 0 : index
    %swap3A_72 = vector.load %arg8[%swap3A_70, %swap3A_71] : memref<2048x128xf32, #tpu.memory_space<vmem>>, vector<2048x128xf32>
    tpu.vector_store %arg8[%swap3A_70, %swap3A_71], %broadcast_in_dim3A_69 {strides = array<i32>} : memref<2048x128xf32, #tpu.memory_space<vmem>>, vector<2048x128xf32>,
    %convert_element_type3A_73 = arith.extui %eq3A_40 : vector<2048x8xi1> to vector<2048x8xi32>
    %convert_element_type3A_74 = arith.sitofp %convert_element_type3A_73 : vector<2048x8xi32> to vector<2048x8xf32>
    %convert_element_type3A_75 = arith.extui %eq3A_56 : vector<2048x8xi1> to vector<2048x8xi32>
    %convert_element_type3A_76 = arith.sitofp %convert_element_type3A_75 : vector<2048x8xi32> to vector<2048x8xf32>
    %iota3A_77 = tpu.iota {dimensions = array<i32: 0>} : vector<128x128xi32>
    %iota3A_78 = tpu.iota {dimensions = array<i32: 1>} : vector<128x128xi32>
    %gt3A = arith.cmpi sgt, %iota3A_77, %iota3A_78 : vector<128x128xi32>
    %convert_element_type3A_79 = arith.extui %gt3A : vector<128x128xi1> to vector<128x128xi32>
    %convert_element_type3A_80 = arith.sitofp %convert_element_type3A_79 : vector<128x128xi32> to vector<128x128xf32>
    %broadcast_in_dim3A_81 = arith.constant 0.000000e+00 : f32
    %broadcast_in_dim3A_82 = vector.broadcast %broadcast_in_dim3A_81 : f32 to vector<1x8xf32>
    %slice3A_83 = vector.extract_strided_slice %convert_element_type3A_74 {offsets = [0, 0], sizes = [128, 8], strides = [1, 1]} : vector<2048x8xf32> to vector<128x8xf32>
    %dot_general3A_84 = arith.constant dense<0.000000e+00> : vector<128x8xf32>
    %dot_general3A_85 = tpu.matmul %convert_element_type3A_80, %slice3A_83, %dot_general3A_84 {dimension_numbers = #tpu.dot_dimension_numbers<[1], [0], [0], [1], [0, 0, 1, 1], [], []>, transpose_lhs_hint = false} : vector<128x128xf32>, vector<128x8xf32>, vector<128x8xf32> -> vector<128x8xf32>
    %add3A_86 = vector.broadcast %broadcast_in_dim3A_82 : vector<1x8xf32> to vector<128x8xf32>
    %add3A_87 = arith.addf %dot_general3A_85, %add3A_86 : vector<128x8xf32>
    %mul3A = arith.mulf %add3A_87, %slice3A_83 : vector<128x8xf32>
    %reduce_sum3A_88 = arith.constant dense<0.000000e+00> : vector<128xf32>
    %reduce_sum3A_89 = vector.multi_reduction <add>, %mul3A, %reduce_sum3A_88 [1] : vector<128x8xf32> to vector<128xf32>
    %broadcast_in_dim3A_90 = vector.shape_cast %reduce_sum3A_89 : vector<128xf32> to vector<128x1xf32>
    %reduce_sum3A_91 = arith.constant dense<0.000000e+00> : vector<8xf32>
    %reduce_sum3A_92 = vector.multi_reduction <add>, %slice3A_83, %reduce_sum3A_91 [0] : vector<128x8xf32> to vector<8xf32>
    %broadcast_in_dim3A_93 = vector.shape_cast %reduce_sum3A_92 : vector<8xf32> to vector<1x8xf32>
    %add3A_94 = arith.addf %broadcast_in_dim3A_82, %broadcast_in_dim3A_93 : vector<1x8xf32>
    %slice3A_95 = vector.extract_strided_slice %convert_element_type3A_74 {offsets = [128, 0], sizes = [128, 8], strides = [1, 1]} : vector<2048x8xf32> to vector<128x8xf32>
    %dot_general3A_96 = arith.constant dense<0.000000e+00> : vector<128x8xf32>
    %dot_general3A_97 = tpu.matmul %convert_element_type3A_80, %slice3A_95, %dot_general3A_96 {dimension_numbers = #tpu.dot_dimension_numbers<[1], [0], [0], [1], [0, 0, 1, 1], [], []>, transpose_lhs_hint = false} : vector<128x128xf32>, vector<128x8xf32>, vector<128x8xf32> -> vector<128x8xf32>
    %add3A_98 = vector.broadcast %add3A_94 : vector<1x8xf32> to vector<128x8xf32>
    %add3A_99 = arith.addf %dot_general3A_97, %add3A_98 : vector<128x8xf32>
    %mul3A_100 = arith.mulf %add3A_99, %slice3A_95 : vector<128x8xf32>
    %reduce_sum3A_101 = arith.constant dense<0.000000e+00> : vector<128xf32>
    %reduce_sum3A_102 = vector.multi_reduction <add>, %mul3A_100, %reduce_sum3A_101 [1] : vector<128x8xf32> to vector<128xf32>
    %broadcast_in_dim3A_103 = vector.shape_cast %reduce_sum3A_102 : vector<128xf32> to vector<128x1xf32>
    %reduce_sum3A_104 = arith.constant dense<0.000000e+00> : vector<8xf32>
    %reduce_sum3A_105 = vector.multi_reduction <add>, %slice3A_95, %reduce_sum3A_104 [0] : vector<128x8xf32> to vector<8xf32>
    %broadcast_in_dim3A_106 = vector.shape_cast %reduce_sum3A_105 : vector<8xf32> to vector<1x8xf32>
    %add3A_107 = arith.addf %add3A_94, %broadcast_in_dim3A_106 : vector<1x8xf32>
    %slice3A_108 = vector.extract_strided_slice %convert_element_type3A_74 {offsets = [256, 0], sizes = [128, 8], strides = [1, 1]} : vector<2048x8xf32> to vector<128x8xf32>
    %dot_general3A_109 = arith.constant dense<0.000000e+00> : vector<128x8xf32>
    %dot_general3A_110 = tpu.matmul %convert_element_type3A_80, %slice3A_108, %dot_general3A_109 {dimension_numbers = #tpu.dot_dimension_numbers<[1], [0], [0], [1], [0, 0, 1, 1], [], []>, transpose_lhs_hint = false} : vector<128x128xf32>, vector<128x8xf32>, vector<128x8xf32> -> vector<128x8xf32>
    %add3A_111 = vector.broadcast %add3A_107 : vector<1x8xf32> to vector<128x8xf32>
    %add3A_112 = arith.addf %dot_general3A_110, %add3A_111 : vector<128x8xf32>
    %mul3A_113 = arith.mulf %add3A_112, %slice3A_108 : vector<128x8xf32>
    %reduce_sum3A_114 = arith.constant dense<0.000000e+00> : vector<128xf32>
    %reduce_sum3A_115 = vector.multi_reduction <add>, %mul3A_113, %reduce_sum3A_114 [1] : vector<128x8xf32> to vector<128xf32>
    %broadcast_in_dim3A_116 = vector.shape_cast %reduce_sum3A_115 : vector<128xf32> to vector<128x1xf32>
    %reduce_sum3A_117 = arith.constant dense<0.000000e+00> : vector<8xf32>
    %reduce_sum3A_118 = vector.multi_reduction <add>, %slice3A_108, %reduce_sum3A_117 [0] : vector<128x8xf32> to vector<8xf32>
    %broadcast_in_dim3A_119 = vector.shape_cast %reduce_sum3A_118 : vector<8xf32> to vector<1x8xf32>
    %add3A_120 = arith.addf %add3A_107, %broadcast_in_dim3A_119 : vector<1x8xf32>
    %slice3A_121 = vector.extract_strided_slice %convert_element_type3A_74 {offsets = [384, 0], sizes = [128, 8], strides = [1, 1]} : vector<2048x8xf32> to vector<128x8xf32>
    %dot_general3A_122 = arith.constant dense<0.000000e+00> : vector<128x8xf32>
    %dot_general3A_123 = tpu.matmul %convert_element_type3A_80, %slice3A_121, %dot_general3A_122 {dimension_numbers = #tpu.dot_dimension_numbers<[1], [0], [0], [1], [0, 0, 1, 1], [], []>, transpose_lhs_hint = false} : vector<128x128xf32>, vector<128x8xf32>, vector<128x8xf32> -> vector<128x8xf32>
    %add3A_124 = vector.broadcast %add3A_120 : vector<1x8xf32> to vector<128x8xf32>
    %add3A_125 = arith.addf %dot_general3A_123, %add3A_124 : vector<128x8xf32>
    %mul3A_126 = arith.mulf %add3A_125, %slice3A_121 : vector<128x8xf32>
    %reduce_sum3A_127 = arith.constant dense<0.000000e+00> : vector<128xf32>
    %reduce_sum3A_128 = vector.multi_reduction <add>, %mul3A_126, %reduce_sum3A_127 [1] : vector<128x8xf32> to vector<128xf32>
    %broadcast_in_dim3A_129 = vector.shape_cast %reduce_sum3A_128 : vector<128xf32> to vector<128x1xf32>
    %reduce_sum3A_130 = arith.constant dense<0.000000e+00> : vector<8xf32>
    %reduce_sum3A_131 = vector.multi_reduction <add>, %slice3A_121, %reduce_sum3A_130 [0] : vector<128x8xf32> to vector<8xf32>
    %broadcast_in_dim3A_132 = vector.shape_cast %reduce_sum3A_131 : vector<8xf32> to vector<1x8xf32>
    %add3A_133 = arith.addf %add3A_120, %broadcast_in_dim3A_132 : vector<1x8xf32>
    %slice3A_134 = vector.extract_strided_slice %convert_element_type3A_74 {offsets = [512, 0], sizes = [128, 8], strides = [1, 1]} : vector<2048x8xf32> to vector<128x8xf32>
    %dot_general3A_135 = arith.constant dense<0.000000e+00> : vector<128x8xf32>
    %dot_general3A_136 = tpu.matmul %convert_element_type3A_80, %slice3A_134, %dot_general3A_135 {dimension_numbers = #tpu.dot_dimension_numbers<[1], [0], [0], [1], [0, 0, 1, 1], [], []>, transpose_lhs_hint = false} : vector<128x128xf32>, vector<128x8xf32>, vector<128x8xf32> -> vector<128x8xf32>
    %add3A_137 = vector.broadcast %add3A_133 : vector<1x8xf32> to vector<128x8xf32>
    %add3A_138 = arith.addf %dot_general3A_136, %add3A_137 : vector<128x8xf32>
    %mul3A_139 = arith.mulf %add3A_138, %slice3A_134 : vector<128x8xf32>
    %reduce_sum3A_140 = arith.constant dense<0.000000e+00> : vector<128xf32>
    %reduce_sum3A_141 = vector.multi_reduction <add>, %mul3A_139, %reduce_sum3A_140 [1] : vector<128x8xf32> to vector<128xf32>
    %broadcast_in_dim3A_142 = vector.shape_cast %reduce_sum3A_141 : vector<128xf32> to vector<128x1xf32>
    %reduce_sum3A_143 = arith.constant dense<0.000000e+00> : vector<8xf32>
    %reduce_sum3A_144 = vector.multi_reduction <add>, %slice3A_134, %reduce_sum3A_143 [0] : vector<128x8xf32> to vector<8xf32>
    %broadcast_in_dim3A_145 = vector.shape_cast %reduce_sum3A_144 : vector<8xf32> to vector<1x8xf32>
    %add3A_146 = arith.addf %add3A_133, %broadcast_in_dim3A_145 : vector<1x8xf32>
    %slice3A_147 = vector.extract_strided_slice %convert_element_type3A_74 {offsets = [640, 0], sizes = [128, 8], strides = [1, 1]} : vector<2048x8xf32> to vector<128x8xf32>
    %dot_general3A_148 = arith.constant dense<0.000000e+00> : vector<128x8xf32>
    %dot_general3A_149 = tpu.matmul %convert_element_type3A_80, %slice3A_147, %dot_general3A_148 {dimension_numbers = #tpu.dot_dimension_numbers<[1], [0], [0], [1], [0, 0, 1, 1], [], []>, transpose_lhs_hint = false} : vector<128x128xf32>, vector<128x8xf32>, vector<128x8xf32> -> vector<128x8xf32>
    %add3A_150 = vector.broadcast %add3A_146 : vector<1x8xf32> to vector<128x8xf32>
    %add3A_151 = arith.addf %dot_general3A_149, %add3A_150 : vector<128x8xf32>
    %mul3A_152 = arith.mulf %add3A_151, %slice3A_147 : vector<128x8xf32>
    %reduce_sum3A_153 = arith.constant dense<0.000000e+00> : vector<128xf32>
    %reduce_sum3A_154 = vector.multi_reduction <add>, %mul3A_152, %reduce_sum3A_153 [1] : vector<128x8xf32> to vector<128xf32>
    %broadcast_in_dim3A_155 = vector.shape_cast %reduce_sum3A_154 : vector<128xf32> to vector<128x1xf32>
    %reduce_sum3A_156 = arith.constant dense<0.000000e+00> : vector<8xf32>
    %reduce_sum3A_157 = vector.multi_reduction <add>, %slice3A_147, %reduce_sum3A_156 [0] : vector<128x8xf32> to vector<8xf32>
    %broadcast_in_dim3A_158 = vector.shape_cast %reduce_sum3A_157 : vector<8xf32> to vector<1x8xf32>
    %add3A_159 = arith.addf %add3A_146, %broadcast_in_dim3A_158 : vector<1x8xf32>
    %slice3A_160 = vector.extract_strided_slice %convert_element_type3A_74 {offsets = [768, 0], sizes = [128, 8], strides = [1, 1]} : vector<2048x8xf32> to vector<128x8xf32>
    %dot_general3A_161 = arith.constant dense<0.000000e+00> : vector<128x8xf32>
    %dot_general3A_162 = tpu.matmul %convert_element_type3A_80, %slice3A_160, %dot_general3A_161 {dimension_numbers = #tpu.dot_dimension_numbers<[1], [0], [0], [1], [0, 0, 1, 1], [], []>, transpose_lhs_hint = false} : vector<128x128xf32>, vector<128x8xf32>, vector<128x8xf32> -> vector<128x8xf32>
    %add3A_163 = vector.broadcast %add3A_159 : vector<1x8xf32> to vector<128x8xf32>
    %add3A_164 = arith.addf %dot_general3A_162, %add3A_163 : vector<128x8xf32>
    %mul3A_165 = arith.mulf %add3A_164, %slice3A_160 : vector<128x8xf32>
    %reduce_sum3A_166 = arith.constant dense<0.000000e+00> : vector<128xf32>
    %reduce_sum3A_167 = vector.multi_reduction <add>, %mul3A_165, %reduce_sum3A_166 [1] : vector<128x8xf32> to vector<128xf32>
    %broadcast_in_dim3A_168 = vector.shape_cast %reduce_sum3A_167 : vector<128xf32> to vector<128x1xf32>
    %reduce_sum3A_169 = arith.constant dense<0.000000e+00> : vector<8xf32>
    %reduce_sum3A_170 = vector.multi_reduction <add>, %slice3A_160, %reduce_sum3A_169 [0] : vector<128x8xf32> to vector<8xf32>
    %broadcast_in_dim3A_171 = vector.shape_cast %reduce_sum3A_170 : vector<8xf32> to vector<1x8xf32>
    %add3A_172 = arith.addf %add3A_159, %broadcast_in_dim3A_171 : vector<1x8xf32>
    %slice3A_173 = vector.extract_strided_slice %convert_element_type3A_74 {offsets = [896, 0], sizes = [128, 8], strides = [1, 1]} : vector<2048x8xf32> to vector<128x8xf32>
    %dot_general3A_174 = arith.constant dense<0.000000e+00> : vector<128x8xf32>
    %dot_general3A_175 = tpu.matmul %convert_element_type3A_80, %slice3A_173, %dot_general3A_174 {dimension_numbers = #tpu.dot_dimension_numbers<[1], [0], [0], [1], [0, 0, 1, 1], [], []>, transpose_lhs_hint = false} : vector<128x128xf32>, vector<128x8xf32>, vector<128x8xf32> -> vector<128x8xf32>
    %add3A_176 = vector.broadcast %add3A_172 : vector<1x8xf32> to vector<128x8xf32>
    %add3A_177 = arith.addf %dot_general3A_175, %add3A_176 : vector<128x8xf32>
    %mul3A_178 = arith.mulf %add3A_177, %slice3A_173 : vector<128x8xf32>
    %reduce_sum3A_179 = arith.constant dense<0.000000e+00> : vector<128xf32>
    %reduce_sum3A_180 = vector.multi_reduction <add>, %mul3A_178, %reduce_sum3A_179 [1] : vector<128x8xf32> to vector<128xf32>
    %broadcast_in_dim3A_181 = vector.shape_cast %reduce_sum3A_180 : vector<128xf32> to vector<128x1xf32>
    %reduce_sum3A_182 = arith.constant dense<0.000000e+00> : vector<8xf32>
    %reduce_sum3A_183 = vector.multi_reduction <add>, %slice3A_173, %reduce_sum3A_182 [0] : vector<128x8xf32> to vector<8xf32>
    %broadcast_in_dim3A_184 = vector.shape_cast %reduce_sum3A_183 : vector<8xf32> to vector<1x8xf32>
    %add3A_185 = arith.addf %add3A_172, %broadcast_in_dim3A_184 : vector<1x8xf32>
    %slice3A_186 = vector.extract_strided_slice %convert_element_type3A_74 {offsets = [1024, 0], sizes = [128, 8], strides = [1, 1]} : vector<2048x8xf32> to vector<128x8xf32>
    %dot_general3A_187 = arith.constant dense<0.000000e+00> : vector<128x8xf32>
    %dot_general3A_188 = tpu.matmul %convert_element_type3A_80, %slice3A_186, %dot_general3A_187 {dimension_numbers = #tpu.dot_dimension_numbers<[1], [0], [0], [1], [0, 0, 1, 1], [], []>, transpose_lhs_hint = false} : vector<128x128xf32>, vector<128x8xf32>, vector<128x8xf32> -> vector<128x8xf32>
    %add3A_189 = vector.broadcast %add3A_185 : vector<1x8xf32> to vector<128x8xf32>
    %add3A_190 = arith.addf %dot_general3A_188, %add3A_189 : vector<128x8xf32>
    %mul3A_191 = arith.mulf %add3A_190, %slice3A_186 : vector<128x8xf32>
    %reduce_sum3A_192 = arith.constant dense<0.000000e+00> : vector<128xf32>
    %reduce_sum3A_193 = vector.multi_reduction <add>, %mul3A_191, %reduce_sum3A_192 [1] : vector<128x8xf32> to vector<128xf32>
    %broadcast_in_dim3A_194 = vector.shape_cast %reduce_sum3A_193 : vector<128xf32> to vector<128x1xf32>
    %reduce_sum3A_195 = arith.constant dense<0.000000e+00> : vector<8xf32>
    %reduce_sum3A_196 = vector.multi_reduction <add>, %slice3A_186, %reduce_sum3A_195 [0] : vector<128x8xf32> to vector<8xf32>
    %broadcast_in_dim3A_197 = vector.shape_cast %reduce_sum3A_196 : vector<8xf32> to vector<1x8xf32>
    %add3A_198 = arith.addf %add3A_185, %broadcast_in_dim3A_197 : vector<1x8xf32>
    %slice3A_199 = vector.extract_strided_slice %convert_element_type3A_74 {offsets = [1152, 0], sizes = [128, 8], strides = [1, 1]} : vector<2048x8xf32> to vector<128x8xf32>
    %dot_general3A_200 = arith.constant dense<0.000000e+00> : vector<128x8xf32>
    %dot_general3A_201 = tpu.matmul %convert_element_type3A_80, %slice3A_199, %dot_general3A_200 {dimension_numbers = #tpu.dot_dimension_numbers<[1], [0], [0], [1], [0, 0, 1, 1], [], []>, transpose_lhs_hint = false} : vector<128x128xf32>, vector<128x8xf32>, vector<128x8xf32> -> vector<128x8xf32>
    %add3A_202 = vector.broadcast %add3A_198 : vector<1x8xf32> to vector<128x8xf32>
    %add3A_203 = arith.addf %dot_general3A_201, %add3A_202 : vector<128x8xf32>
    %mul3A_204 = arith.mulf %add3A_203, %slice3A_199 : vector<128x8xf32>
    %reduce_sum3A_205 = arith.constant dense<0.000000e+00> : vector<128xf32>
    %reduce_sum3A_206 = vector.multi_reduction <add>, %mul3A_204, %reduce_sum3A_205 [1] : vector<128x8xf32> to vector<128xf32>
    %broadcast_in_dim3A_207 = vector.shape_cast %reduce_sum3A_206 : vector<128xf32> to vector<128x1xf32>
    %reduce_sum3A_208 = arith.constant dense<0.000000e+00> : vector<8xf32>
    %reduce_sum3A_209 = vector.multi_reduction <add>, %slice3A_199, %reduce_sum3A_208 [0] : vector<128x8xf32> to vector<8xf32>
    %broadcast_in_dim3A_210 = vector.shape_cast %reduce_sum3A_209 : vector<8xf32> to vector<1x8xf32>
    %add3A_211 = arith.addf %add3A_198, %broadcast_in_dim3A_210 : vector<1x8xf32>
    %slice3A_212 = vector.extract_strided_slice %convert_element_type3A_74 {offsets = [1280, 0], sizes = [128, 8], strides = [1, 1]} : vector<2048x8xf32> to vector<128x8xf32>
    %dot_general3A_213 = arith.constant dense<0.000000e+00> : vector<128x8xf32>
    %dot_general3A_214 = tpu.matmul %convert_element_type3A_80, %slice3A_212, %dot_general3A_213 {dimension_numbers = #tpu.dot_dimension_numbers<[1], [0], [0], [1], [0, 0, 1, 1], [], []>, transpose_lhs_hint = false} : vector<128x128xf32>, vector<128x8xf32>, vector<128x8xf32> -> vector<128x8xf32>
    %add3A_215 = vector.broadcast %add3A_211 : vector<1x8xf32> to vector<128x8xf32>
    %add3A_216 = arith.addf %dot_general3A_214, %add3A_215 : vector<128x8xf32>
    %mul3A_217 = arith.mulf %add3A_216, %slice3A_212 : vector<128x8xf32>
    %reduce_sum3A_218 = arith.constant dense<0.000000e+00> : vector<128xf32>
    %reduce_sum3A_219 = vector.multi_reduction <add>, %mul3A_217, %reduce_sum3A_218 [1] : vector<128x8xf32> to vector<128xf32>
    %broadcast_in_dim3A_220 = vector.shape_cast %reduce_sum3A_219 : vector<128xf32> to vector<128x1xf32>
    %reduce_sum3A_221 = arith.constant dense<0.000000e+00> : vector<8xf32>
    %reduce_sum3A_222 = vector.multi_reduction <add>, %slice3A_212, %reduce_sum3A_221 [0] : vector<128x8xf32> to vector<8xf32>
    %broadcast_in_dim3A_223 = vector.shape_cast %reduce_sum3A_222 : vector<8xf32> to vector<1x8xf32>
    %add3A_224 = arith.addf %add3A_211, %broadcast_in_dim3A_223 : vector<1x8xf32>
    %slice3A_225 = vector.extract_strided_slice %convert_element_type3A_74 {offsets = [1408, 0], sizes = [128, 8], strides = [1, 1]} : vector<2048x8xf32> to vector<128x8xf32>
    %dot_general3A_226 = arith.constant dense<0.000000e+00> : vector<128x8xf32>
    %dot_general3A_227 = tpu.matmul %convert_element_type3A_80, %slice3A_225, %dot_general3A_226 {dimension_numbers = #tpu.dot_dimension_numbers<[1], [0], [0], [1], [0, 0, 1, 1], [], []>, transpose_lhs_hint = false} : vector<128x128xf32>, vector<128x8xf32>, vector<128x8xf32> -> vector<128x8xf32>
    %add3A_228 = vector.broadcast %add3A_224 : vector<1x8xf32> to vector<128x8xf32>
    %add3A_229 = arith.addf %dot_general3A_227, %add3A_228 : vector<128x8xf32>
    %mul3A_230 = arith.mulf %add3A_229, %slice3A_225 : vector<128x8xf32>
    %reduce_sum3A_231 = arith.constant dense<0.000000e+00> : vector<128xf32>
    %reduce_sum3A_232 = vector.multi_reduction <add>, %mul3A_230, %reduce_sum3A_231 [1] : vector<128x8xf32> to vector<128xf32>
    %broadcast_in_dim3A_233 = vector.shape_cast %reduce_sum3A_232 : vector<128xf32> to vector<128x1xf32>
    %reduce_sum3A_234 = arith.constant dense<0.000000e+00> : vector<8xf32>
    %reduce_sum3A_235 = vector.multi_reduction <add>, %slice3A_225, %reduce_sum3A_234 [0] : vector<128x8xf32> to vector<8xf32>
    %broadcast_in_dim3A_236 = vector.shape_cast %reduce_sum3A_235 : vector<8xf32> to vector<1x8xf32>
    %add3A_237 = arith.addf %add3A_224, %broadcast_in_dim3A_236 : vector<1x8xf32>
    %slice3A_238 = vector.extract_strided_slice %convert_element_type3A_74 {offsets = [1536, 0], sizes = [128, 8], strides = [1, 1]} : vector<2048x8xf32> to vector<128x8xf32>
    %dot_general3A_239 = arith.constant dense<0.000000e+00> : vector<128x8xf32>
    %dot_general3A_240 = tpu.matmul %convert_element_type3A_80, %slice3A_238, %dot_general3A_239 {dimension_numbers = #tpu.dot_dimension_numbers<[1], [0], [0], [1], [0, 0, 1, 1], [], []>, transpose_lhs_hint = false} : vector<128x128xf32>, vector<128x8xf32>, vector<128x8xf32> -> vector<128x8xf32>
    %add3A_241 = vector.broadcast %add3A_237 : vector<1x8xf32> to vector<128x8xf32>
    %add3A_242 = arith.addf %dot_general3A_240, %add3A_241 : vector<128x8xf32>
    %mul3A_243 = arith.mulf %add3A_242, %slice3A_238 : vector<128x8xf32>
    %reduce_sum3A_244 = arith.constant dense<0.000000e+00> : vector<128xf32>
    %reduce_sum3A_245 = vector.multi_reduction <add>, %mul3A_243, %reduce_sum3A_244 [1] : vector<128x8xf32> to vector<128xf32>
    %broadcast_in_dim3A_246 = vector.shape_cast %reduce_sum3A_245 : vector<128xf32> to vector<128x1xf32>
    %reduce_sum3A_247 = arith.constant dense<0.000000e+00> : vector<8xf32>
    %reduce_sum3A_248 = vector.multi_reduction <add>, %slice3A_238, %reduce_sum3A_247 [0] : vector<128x8xf32> to vector<8xf32>
    %broadcast_in_dim3A_249 = vector.shape_cast %reduce_sum3A_248 : vector<8xf32> to vector<1x8xf32>
    %add3A_250 = arith.addf %add3A_237, %broadcast_in_dim3A_249 : vector<1x8xf32>
    %slice3A_251 = vector.extract_strided_slice %convert_element_type3A_74 {offsets = [1664, 0], sizes = [128, 8], strides = [1, 1]} : vector<2048x8xf32> to vector<128x8xf32>
    %dot_general3A_252 = arith.constant dense<0.000000e+00> : vector<128x8xf32>
    %dot_general3A_253 = tpu.matmul %convert_element_type3A_80, %slice3A_251, %dot_general3A_252 {dimension_numbers = #tpu.dot_dimension_numbers<[1], [0], [0], [1], [0, 0, 1, 1], [], []>, transpose_lhs_hint = false} : vector<128x128xf32>, vector<128x8xf32>, vector<128x8xf32> -> vector<128x8xf32>
    %add3A_254 = vector.broadcast %add3A_250 : vector<1x8xf32> to vector<128x8xf32>
    %add3A_255 = arith.addf %dot_general3A_253, %add3A_254 : vector<128x8xf32>
    %mul3A_256 = arith.mulf %add3A_255, %slice3A_251 : vector<128x8xf32>
    %reduce_sum3A_257 = arith.constant dense<0.000000e+00> : vector<128xf32>
    %reduce_sum3A_258 = vector.multi_reduction <add>, %mul3A_256, %reduce_sum3A_257 [1] : vector<128x8xf32> to vector<128xf32>
    %broadcast_in_dim3A_259 = vector.shape_cast %reduce_sum3A_258 : vector<128xf32> to vector<128x1xf32>
    %reduce_sum3A_260 = arith.constant dense<0.000000e+00> : vector<8xf32>
    %reduce_sum3A_261 = vector.multi_reduction <add>, %slice3A_251, %reduce_sum3A_260 [0] : vector<128x8xf32> to vector<8xf32>
    %broadcast_in_dim3A_262 = vector.shape_cast %reduce_sum3A_261 : vector<8xf32> to vector<1x8xf32>
    %add3A_263 = arith.addf %add3A_250, %broadcast_in_dim3A_262 : vector<1x8xf32>
    %slice3A_264 = vector.extract_strided_slice %convert_element_type3A_74 {offsets = [1792, 0], sizes = [128, 8], strides = [1, 1]} : vector<2048x8xf32> to vector<128x8xf32>
    %dot_general3A_265 = arith.constant dense<0.000000e+00> : vector<128x8xf32>
    %dot_general3A_266 = tpu.matmul %convert_element_type3A_80, %slice3A_264, %dot_general3A_265 {dimension_numbers = #tpu.dot_dimension_numbers<[1], [0], [0], [1], [0, 0, 1, 1], [], []>, transpose_lhs_hint = false} : vector<128x128xf32>, vector<128x8xf32>, vector<128x8xf32> -> vector<128x8xf32>
    %add3A_267 = vector.broadcast %add3A_263 : vector<1x8xf32> to vector<128x8xf32>
    %add3A_268 = arith.addf %dot_general3A_266, %add3A_267 : vector<128x8xf32>
    %mul3A_269 = arith.mulf %add3A_268, %slice3A_264 : vector<128x8xf32>
    %reduce_sum3A_270 = arith.constant dense<0.000000e+00> : vector<128xf32>
    %reduce_sum3A_271 = vector.multi_reduction <add>, %mul3A_269, %reduce_sum3A_270 [1] : vector<128x8xf32> to vector<128xf32>
    %broadcast_in_dim3A_272 = vector.shape_cast %reduce_sum3A_271 : vector<128xf32> to vector<128x1xf32>
    %reduce_sum3A_273 = arith.constant dense<0.000000e+00> : vector<8xf32>
    %reduce_sum3A_274 = vector.multi_reduction <add>, %slice3A_264, %reduce_sum3A_273 [0] : vector<128x8xf32> to vector<8xf32>
    %broadcast_in_dim3A_275 = vector.shape_cast %reduce_sum3A_274 : vector<8xf32> to vector<1x8xf32>
    %add3A_276 = arith.addf %add3A_263, %broadcast_in_dim3A_275 : vector<1x8xf32>
    %slice3A_277 = vector.extract_strided_slice %convert_element_type3A_74 {offsets = [1920, 0], sizes = [128, 8], strides = [1, 1]} : vector<2048x8xf32> to vector<128x8xf32>
    %dot_general3A_278 = arith.constant dense<0.000000e+00> : vector<128x8xf32>
    %dot_general3A_279 = tpu.matmul %convert_element_type3A_80, %slice3A_277, %dot_general3A_278 {dimension_numbers = #tpu.dot_dimension_numbers<[1], [0], [0], [1], [0, 0, 1, 1], [], []>, transpose_lhs_hint = false} : vector<128x128xf32>, vector<128x8xf32>, vector<128x8xf32> -> vector<128x8xf32>
    %add3A_280 = vector.broadcast %add3A_276 : vector<1x8xf32> to vector<128x8xf32>
    %add3A_281 = arith.addf %dot_general3A_279, %add3A_280 : vector<128x8xf32>
    %mul3A_282 = arith.mulf %add3A_281, %slice3A_277 : vector<128x8xf32>
    %reduce_sum3A_283 = arith.constant dense<0.000000e+00> : vector<128xf32>
    %reduce_sum3A_284 = vector.multi_reduction <add>, %mul3A_282, %reduce_sum3A_283 [1] : vector<128x8xf32> to vector<128xf32>
    %broadcast_in_dim3A_285 = vector.shape_cast %reduce_sum3A_284 : vector<128xf32> to vector<128x1xf32>
    %reduce_sum3A_286 = arith.constant dense<0.000000e+00> : vector<8xf32>
    %reduce_sum3A_287 = vector.multi_reduction <add>, %slice3A_277, %reduce_sum3A_286 [0] : vector<128x8xf32> to vector<8xf32>
    %broadcast_in_dim3A_288 = vector.shape_cast %reduce_sum3A_287 : vector<8xf32> to vector<1x8xf32>
    %add3A_289 = arith.addf %add3A_276, %broadcast_in_dim3A_288 : vector<1x8xf32>
    %slice3A_290 = vector.extract_strided_slice %convert_element_type3A_76 {offsets = [0, 0], sizes = [128, 8], strides = [1, 1]} : vector<2048x8xf32> to vector<128x8xf32>
    %dot_general3A_291 = arith.constant dense<0.000000e+00> : vector<128x8xf32>
    %dot_general3A_292 = tpu.matmul %convert_element_type3A_80, %slice3A_290, %dot_general3A_291 {dimension_numbers = #tpu.dot_dimension_numbers<[1], [0], [0], [1], [0, 0, 1, 1], [], []>, transpose_lhs_hint = false} : vector<128x128xf32>, vector<128x8xf32>, vector<128x8xf32> -> vector<128x8xf32>
    %add3A_293 = vector.broadcast %add3A_289 : vector<1x8xf32> to vector<128x8xf32>
    %add3A_294 = arith.addf %dot_general3A_292, %add3A_293 : vector<128x8xf32>
    %mul3A_295 = arith.mulf %add3A_294, %slice3A_290 : vector<128x8xf32>
    %reduce_sum3A_296 = arith.constant dense<0.000000e+00> : vector<128xf32>
    %reduce_sum3A_297 = vector.multi_reduction <add>, %mul3A_295, %reduce_sum3A_296 [1] : vector<128x8xf32> to vector<128xf32>
    %broadcast_in_dim3A_298 = vector.shape_cast %reduce_sum3A_297 : vector<128xf32> to vector<128x1xf32>
    %reduce_sum3A_299 = arith.constant dense<0.000000e+00> : vector<8xf32>
    %reduce_sum3A_300 = vector.multi_reduction <add>, %slice3A_290, %reduce_sum3A_299 [0] : vector<128x8xf32> to vector<8xf32>
    %broadcast_in_dim3A_301 = vector.shape_cast %reduce_sum3A_300 : vector<8xf32> to vector<1x8xf32>
    %add3A_302 = arith.addf %add3A_289, %broadcast_in_dim3A_301 : vector<1x8xf32>
    %slice3A_303 = vector.extract_strided_slice %convert_element_type3A_76 {offsets = [128, 0], sizes = [128, 8], strides = [1, 1]} : vector<2048x8xf32> to vector<128x8xf32>
    %dot_general3A_304 = arith.constant dense<0.000000e+00> : vector<128x8xf32>
    %dot_general3A_305 = tpu.matmul %convert_element_type3A_80, %slice3A_303, %dot_general3A_304 {dimension_numbers = #tpu.dot_dimension_numbers<[1], [0], [0], [1], [0, 0, 1, 1], [], []>, transpose_lhs_hint = false} : vector<128x128xf32>, vector<128x8xf32>, vector<128x8xf32> -> vector<128x8xf32>
    %add3A_306 = vector.broadcast %add3A_302 : vector<1x8xf32> to vector<128x8xf32>
    %add3A_307 = arith.addf %dot_general3A_305, %add3A_306 : vector<128x8xf32>
    %mul3A_308 = arith.mulf %add3A_307, %slice3A_303 : vector<128x8xf32>
    %reduce_sum3A_309 = arith.constant dense<0.000000e+00> : vector<128xf32>
    %reduce_sum3A_310 = vector.multi_reduction <add>, %mul3A_308, %reduce_sum3A_309 [1] : vector<128x8xf32> to vector<128xf32>
    %broadcast_in_dim3A_311 = vector.shape_cast %reduce_sum3A_310 : vector<128xf32> to vector<128x1xf32>
    %reduce_sum3A_312 = arith.constant dense<0.000000e+00> : vector<8xf32>
    %reduce_sum3A_313 = vector.multi_reduction <add>, %slice3A_303, %reduce_sum3A_312 [0] : vector<128x8xf32> to vector<8xf32>
    %broadcast_in_dim3A_314 = vector.shape_cast %reduce_sum3A_313 : vector<8xf32> to vector<1x8xf32>
    %add3A_315 = arith.addf %add3A_302, %broadcast_in_dim3A_314 : vector<1x8xf32>
    %slice3A_316 = vector.extract_strided_slice %convert_element_type3A_76 {offsets = [256, 0], sizes = [128, 8], strides = [1, 1]} : vector<2048x8xf32> to vector<128x8xf32>
    %dot_general3A_317 = arith.constant dense<0.000000e+00> : vector<128x8xf32>
    %dot_general3A_318 = tpu.matmul %convert_element_type3A_80, %slice3A_316, %dot_general3A_317 {dimension_numbers = #tpu.dot_dimension_numbers<[1], [0], [0], [1], [0, 0, 1, 1], [], []>, transpose_lhs_hint = false} : vector<128x128xf32>, vector<128x8xf32>, vector<128x8xf32> -> vector<128x8xf32>
    %add3A_319 = vector.broadcast %add3A_315 : vector<1x8xf32> to vector<128x8xf32>
    %add3A_320 = arith.addf %dot_general3A_318, %add3A_319 : vector<128x8xf32>
    %mul3A_321 = arith.mulf %add3A_320, %slice3A_316 : vector<128x8xf32>
    %reduce_sum3A_322 = arith.constant dense<0.000000e+00> : vector<128xf32>
    %reduce_sum3A_323 = vector.multi_reduction <add>, %mul3A_321, %reduce_sum3A_322 [1] : vector<128x8xf32> to vector<128xf32>
    %broadcast_in_dim3A_324 = vector.shape_cast %reduce_sum3A_323 : vector<128xf32> to vector<128x1xf32>
    %reduce_sum3A_325 = arith.constant dense<0.000000e+00> : vector<8xf32>
    %reduce_sum3A_326 = vector.multi_reduction <add>, %slice3A_316, %reduce_sum3A_325 [0] : vector<128x8xf32> to vector<8xf32>
    %broadcast_in_dim3A_327 = vector.shape_cast %reduce_sum3A_326 : vector<8xf32> to vector<1x8xf32>
    %add3A_328 = arith.addf %add3A_315, %broadcast_in_dim3A_327 : vector<1x8xf32>
    %slice3A_329 = vector.extract_strided_slice %convert_element_type3A_76 {offsets = [384, 0], sizes = [128, 8], strides = [1, 1]} : vector<2048x8xf32> to vector<128x8xf32>
    %dot_general3A_330 = arith.constant dense<0.000000e+00> : vector<128x8xf32>
    %dot_general3A_331 = tpu.matmul %convert_element_type3A_80, %slice3A_329, %dot_general3A_330 {dimension_numbers = #tpu.dot_dimension_numbers<[1], [0], [0], [1], [0, 0, 1, 1], [], []>, transpose_lhs_hint = false} : vector<128x128xf32>, vector<128x8xf32>, vector<128x8xf32> -> vector<128x8xf32>
    %add3A_332 = vector.broadcast %add3A_328 : vector<1x8xf32> to vector<128x8xf32>
    %add3A_333 = arith.addf %dot_general3A_331, %add3A_332 : vector<128x8xf32>
    %mul3A_334 = arith.mulf %add3A_333, %slice3A_329 : vector<128x8xf32>
    %reduce_sum3A_335 = arith.constant dense<0.000000e+00> : vector<128xf32>
    %reduce_sum3A_336 = vector.multi_reduction <add>, %mul3A_334, %reduce_sum3A_335 [1] : vector<128x8xf32> to vector<128xf32>
    %broadcast_in_dim3A_337 = vector.shape_cast %reduce_sum3A_336 : vector<128xf32> to vector<128x1xf32>
    %reduce_sum3A_338 = arith.constant dense<0.000000e+00> : vector<8xf32>
    %reduce_sum3A_339 = vector.multi_reduction <add>, %slice3A_329, %reduce_sum3A_338 [0] : vector<128x8xf32> to vector<8xf32>
    %broadcast_in_dim3A_340 = vector.shape_cast %reduce_sum3A_339 : vector<8xf32> to vector<1x8xf32>
    %add3A_341 = arith.addf %add3A_328, %broadcast_in_dim3A_340 : vector<1x8xf32>
    %slice3A_342 = vector.extract_strided_slice %convert_element_type3A_76 {offsets = [512, 0], sizes = [128, 8], strides = [1, 1]} : vector<2048x8xf32> to vector<128x8xf32>
    %dot_general3A_343 = arith.constant dense<0.000000e+00> : vector<128x8xf32>
    %dot_general3A_344 = tpu.matmul %convert_element_type3A_80, %slice3A_342, %dot_general3A_343 {dimension_numbers = #tpu.dot_dimension_numbers<[1], [0], [0], [1], [0, 0, 1, 1], [], []>, transpose_lhs_hint = false} : vector<128x128xf32>, vector<128x8xf32>, vector<128x8xf32> -> vector<128x8xf32>
    %add3A_345 = vector.broadcast %add3A_341 : vector<1x8xf32> to vector<128x8xf32>
    %add3A_346 = arith.addf %dot_general3A_344, %add3A_345 : vector<128x8xf32>
    %mul3A_347 = arith.mulf %add3A_346, %slice3A_342 : vector<128x8xf32>
    %reduce_sum3A_348 = arith.constant dense<0.000000e+00> : vector<128xf32>
    %reduce_sum3A_349 = vector.multi_reduction <add>, %mul3A_347, %reduce_sum3A_348 [1] : vector<128x8xf32> to vector<128xf32>
    %broadcast_in_dim3A_350 = vector.shape_cast %reduce_sum3A_349 : vector<128xf32> to vector<128x1xf32>
    %reduce_sum3A_351 = arith.constant dense<0.000000e+00> : vector<8xf32>
    %reduce_sum3A_352 = vector.multi_reduction <add>, %slice3A_342, %reduce_sum3A_351 [0] : vector<128x8xf32> to vector<8xf32>
    %broadcast_in_dim3A_353 = vector.shape_cast %reduce_sum3A_352 : vector<8xf32> to vector<1x8xf32>
    %add3A_354 = arith.addf %add3A_341, %broadcast_in_dim3A_353 : vector<1x8xf32>
    %slice3A_355 = vector.extract_strided_slice %convert_element_type3A_76 {offsets = [640, 0], sizes = [128, 8], strides = [1, 1]} : vector<2048x8xf32> to vector<128x8xf32>
    %dot_general3A_356 = arith.constant dense<0.000000e+00> : vector<128x8xf32>
    %dot_general3A_357 = tpu.matmul %convert_element_type3A_80, %slice3A_355, %dot_general3A_356 {dimension_numbers = #tpu.dot_dimension_numbers<[1], [0], [0], [1], [0, 0, 1, 1], [], []>, transpose_lhs_hint = false} : vector<128x128xf32>, vector<128x8xf32>, vector<128x8xf32> -> vector<128x8xf32>
    %add3A_358 = vector.broadcast %add3A_354 : vector<1x8xf32> to vector<128x8xf32>
    %add3A_359 = arith.addf %dot_general3A_357, %add3A_358 : vector<128x8xf32>
    %mul3A_360 = arith.mulf %add3A_359, %slice3A_355 : vector<128x8xf32>
    %reduce_sum3A_361 = arith.constant dense<0.000000e+00> : vector<128xf32>
    %reduce_sum3A_362 = vector.multi_reduction <add>, %mul3A_360, %reduce_sum3A_361 [1] : vector<128x8xf32> to vector<128xf32>
    %broadcast_in_dim3A_363 = vector.shape_cast %reduce_sum3A_362 : vector<128xf32> to vector<128x1xf32>
    %reduce_sum3A_364 = arith.constant dense<0.000000e+00> : vector<8xf32>
    %reduce_sum3A_365 = vector.multi_reduction <add>, %slice3A_355, %reduce_sum3A_364 [0] : vector<128x8xf32> to vector<8xf32>
    %broadcast_in_dim3A_366 = vector.shape_cast %reduce_sum3A_365 : vector<8xf32> to vector<1x8xf32>
    %add3A_367 = arith.addf %add3A_354, %broadcast_in_dim3A_366 : vector<1x8xf32>
    %slice3A_368 = vector.extract_strided_slice %convert_element_type3A_76 {offsets = [768, 0], sizes = [128, 8], strides = [1, 1]} : vector<2048x8xf32> to vector<128x8xf32>
    %dot_general3A_369 = arith.constant dense<0.000000e+00> : vector<128x8xf32>
    %dot_general3A_370 = tpu.matmul %convert_element_type3A_80, %slice3A_368, %dot_general3A_369 {dimension_numbers = #tpu.dot_dimension_numbers<[1], [0], [0], [1], [0, 0, 1, 1], [], []>, transpose_lhs_hint = false} : vector<128x128xf32>, vector<128x8xf32>, vector<128x8xf32> -> vector<128x8xf32>
    %add3A_371 = vector.broadcast %add3A_367 : vector<1x8xf32> to vector<128x8xf32>
    %add3A_372 = arith.addf %dot_general3A_370, %add3A_371 : vector<128x8xf32>
    %mul3A_373 = arith.mulf %add3A_372, %slice3A_368 : vector<128x8xf32>
    %reduce_sum3A_374 = arith.constant dense<0.000000e+00> : vector<128xf32>
    %reduce_sum3A_375 = vector.multi_reduction <add>, %mul3A_373, %reduce_sum3A_374 [1] : vector<128x8xf32> to vector<128xf32>
    %broadcast_in_dim3A_376 = vector.shape_cast %reduce_sum3A_375 : vector<128xf32> to vector<128x1xf32>
    %reduce_sum3A_377 = arith.constant dense<0.000000e+00> : vector<8xf32>
    %reduce_sum3A_378 = vector.multi_reduction <add>, %slice3A_368, %reduce_sum3A_377 [0] : vector<128x8xf32> to vector<8xf32>
    %broadcast_in_dim3A_379 = vector.shape_cast %reduce_sum3A_378 : vector<8xf32> to vector<1x8xf32>
    %add3A_380 = arith.addf %add3A_367, %broadcast_in_dim3A_379 : vector<1x8xf32>
    %slice3A_381 = vector.extract_strided_slice %convert_element_type3A_76 {offsets = [896, 0], sizes = [128, 8], strides = [1, 1]} : vector<2048x8xf32> to vector<128x8xf32>
    %dot_general3A_382 = arith.constant dense<0.000000e+00> : vector<128x8xf32>
    %dot_general3A_383 = tpu.matmul %convert_element_type3A_80, %slice3A_381, %dot_general3A_382 {dimension_numbers = #tpu.dot_dimension_numbers<[1], [0], [0], [1], [0, 0, 1, 1], [], []>, transpose_lhs_hint = false} : vector<128x128xf32>, vector<128x8xf32>, vector<128x8xf32> -> vector<128x8xf32>
    %add3A_384 = vector.broadcast %add3A_380 : vector<1x8xf32> to vector<128x8xf32>
    %add3A_385 = arith.addf %dot_general3A_383, %add3A_384 : vector<128x8xf32>
    %mul3A_386 = arith.mulf %add3A_385, %slice3A_381 : vector<128x8xf32>
    %reduce_sum3A_387 = arith.constant dense<0.000000e+00> : vector<128xf32>
    %reduce_sum3A_388 = vector.multi_reduction <add>, %mul3A_386, %reduce_sum3A_387 [1] : vector<128x8xf32> to vector<128xf32>
    %broadcast_in_dim3A_389 = vector.shape_cast %reduce_sum3A_388 : vector<128xf32> to vector<128x1xf32>
    %reduce_sum3A_390 = arith.constant dense<0.000000e+00> : vector<8xf32>
    %reduce_sum3A_391 = vector.multi_reduction <add>, %slice3A_381, %reduce_sum3A_390 [0] : vector<128x8xf32> to vector<8xf32>
    %broadcast_in_dim3A_392 = vector.shape_cast %reduce_sum3A_391 : vector<8xf32> to vector<1x8xf32>
    %add3A_393 = arith.addf %add3A_380, %broadcast_in_dim3A_392 : vector<1x8xf32>
    %slice3A_394 = vector.extract_strided_slice %convert_element_type3A_76 {offsets = [1024, 0], sizes = [128, 8], strides = [1, 1]} : vector<2048x8xf32> to vector<128x8xf32>
    %dot_general3A_395 = arith.constant dense<0.000000e+00> : vector<128x8xf32>
    %dot_general3A_396 = tpu.matmul %convert_element_type3A_80, %slice3A_394, %dot_general3A_395 {dimension_numbers = #tpu.dot_dimension_numbers<[1], [0], [0], [1], [0, 0, 1, 1], [], []>, transpose_lhs_hint = false} : vector<128x128xf32>, vector<128x8xf32>, vector<128x8xf32> -> vector<128x8xf32>
    %add3A_397 = vector.broadcast %add3A_393 : vector<1x8xf32> to vector<128x8xf32>
    %add3A_398 = arith.addf %dot_general3A_396, %add3A_397 : vector<128x8xf32>
    %mul3A_399 = arith.mulf %add3A_398, %slice3A_394 : vector<128x8xf32>
    %reduce_sum3A_400 = arith.constant dense<0.000000e+00> : vector<128xf32>
    %reduce_sum3A_401 = vector.multi_reduction <add>, %mul3A_399, %reduce_sum3A_400 [1] : vector<128x8xf32> to vector<128xf32>
    %broadcast_in_dim3A_402 = vector.shape_cast %reduce_sum3A_401 : vector<128xf32> to vector<128x1xf32>
    %reduce_sum3A_403 = arith.constant dense<0.000000e+00> : vector<8xf32>
    %reduce_sum3A_404 = vector.multi_reduction <add>, %slice3A_394, %reduce_sum3A_403 [0] : vector<128x8xf32> to vector<8xf32>
    %broadcast_in_dim3A_405 = vector.shape_cast %reduce_sum3A_404 : vector<8xf32> to vector<1x8xf32>
    %add3A_406 = arith.addf %add3A_393, %broadcast_in_dim3A_405 : vector<1x8xf32>
    %slice3A_407 = vector.extract_strided_slice %convert_element_type3A_76 {offsets = [1152, 0], sizes = [128, 8], strides = [1, 1]} : vector<2048x8xf32> to vector<128x8xf32>
    %dot_general3A_408 = arith.constant dense<0.000000e+00> : vector<128x8xf32>
    %dot_general3A_409 = tpu.matmul %convert_element_type3A_80, %slice3A_407, %dot_general3A_408 {dimension_numbers = #tpu.dot_dimension_numbers<[1], [0], [0], [1], [0, 0, 1, 1], [], []>, transpose_lhs_hint = false} : vector<128x128xf32>, vector<128x8xf32>, vector<128x8xf32> -> vector<128x8xf32>
    %add3A_410 = vector.broadcast %add3A_406 : vector<1x8xf32> to vector<128x8xf32>
    %add3A_411 = arith.addf %dot_general3A_409, %add3A_410 : vector<128x8xf32>
    %mul3A_412 = arith.mulf %add3A_411, %slice3A_407 : vector<128x8xf32>
    %reduce_sum3A_413 = arith.constant dense<0.000000e+00> : vector<128xf32>
    %reduce_sum3A_414 = vector.multi_reduction <add>, %mul3A_412, %reduce_sum3A_413 [1] : vector<128x8xf32> to vector<128xf32>
    %broadcast_in_dim3A_415 = vector.shape_cast %reduce_sum3A_414 : vector<128xf32> to vector<128x1xf32>
    %reduce_sum3A_416 = arith.constant dense<0.000000e+00> : vector<8xf32>
    %reduce_sum3A_417 = vector.multi_reduction <add>, %slice3A_407, %reduce_sum3A_416 [0] : vector<128x8xf32> to vector<8xf32>
    %broadcast_in_dim3A_418 = vector.shape_cast %reduce_sum3A_417 : vector<8xf32> to vector<1x8xf32>
    %add3A_419 = arith.addf %add3A_406, %broadcast_in_dim3A_418 : vector<1x8xf32>
    %slice3A_420 = vector.extract_strided_slice %convert_element_type3A_76 {offsets = [1280, 0], sizes = [128, 8], strides = [1, 1]} : vector<2048x8xf32> to vector<128x8xf32>
    %dot_general3A_421 = arith.constant dense<0.000000e+00> : vector<128x8xf32>
    %dot_general3A_422 = tpu.matmul %convert_element_type3A_80, %slice3A_420, %dot_general3A_421 {dimension_numbers = #tpu.dot_dimension_numbers<[1], [0], [0], [1], [0, 0, 1, 1], [], []>, transpose_lhs_hint = false} : vector<128x128xf32>, vector<128x8xf32>, vector<128x8xf32> -> vector<128x8xf32>
    %add3A_423 = vector.broadcast %add3A_419 : vector<1x8xf32> to vector<128x8xf32>
    %add3A_424 = arith.addf %dot_general3A_422, %add3A_423 : vector<128x8xf32>
    %mul3A_425 = arith.mulf %add3A_424, %slice3A_420 : vector<128x8xf32>
    %reduce_sum3A_426 = arith.constant dense<0.000000e+00> : vector<128xf32>
    %reduce_sum3A_427 = vector.multi_reduction <add>, %mul3A_425, %reduce_sum3A_426 [1] : vector<128x8xf32> to vector<128xf32>
    %broadcast_in_dim3A_428 = vector.shape_cast %reduce_sum3A_427 : vector<128xf32> to vector<128x1xf32>
    %reduce_sum3A_429 = arith.constant dense<0.000000e+00> : vector<8xf32>
    %reduce_sum3A_430 = vector.multi_reduction <add>, %slice3A_420, %reduce_sum3A_429 [0] : vector<128x8xf32> to vector<8xf32>
    %broadcast_in_dim3A_431 = vector.shape_cast %reduce_sum3A_430 : vector<8xf32> to vector<1x8xf32>
    %add3A_432 = arith.addf %add3A_419, %broadcast_in_dim3A_431 : vector<1x8xf32>
    %slice3A_433 = vector.extract_strided_slice %convert_element_type3A_76 {offsets = [1408, 0], sizes = [128, 8], strides = [1, 1]} : vector<2048x8xf32> to vector<128x8xf32>
    %dot_general3A_434 = arith.constant dense<0.000000e+00> : vector<128x8xf32>
    %dot_general3A_435 = tpu.matmul %convert_element_type3A_80, %slice3A_433, %dot_general3A_434 {dimension_numbers = #tpu.dot_dimension_numbers<[1], [0], [0], [1], [0, 0, 1, 1], [], []>, transpose_lhs_hint = false} : vector<128x128xf32>, vector<128x8xf32>, vector<128x8xf32> -> vector<128x8xf32>
    %add3A_436 = vector.broadcast %add3A_432 : vector<1x8xf32> to vector<128x8xf32>
    %add3A_437 = arith.addf %dot_general3A_435, %add3A_436 : vector<128x8xf32>
    %mul3A_438 = arith.mulf %add3A_437, %slice3A_433 : vector<128x8xf32>
    %reduce_sum3A_439 = arith.constant dense<0.000000e+00> : vector<128xf32>
    %reduce_sum3A_440 = vector.multi_reduction <add>, %mul3A_438, %reduce_sum3A_439 [1] : vector<128x8xf32> to vector<128xf32>
    %broadcast_in_dim3A_441 = vector.shape_cast %reduce_sum3A_440 : vector<128xf32> to vector<128x1xf32>
    %reduce_sum3A_442 = arith.constant dense<0.000000e+00> : vector<8xf32>
    %reduce_sum3A_443 = vector.multi_reduction <add>, %slice3A_433, %reduce_sum3A_442 [0] : vector<128x8xf32> to vector<8xf32>
    %broadcast_in_dim3A_444 = vector.shape_cast %reduce_sum3A_443 : vector<8xf32> to vector<1x8xf32>
    %add3A_445 = arith.addf %add3A_432, %broadcast_in_dim3A_444 : vector<1x8xf32>
    %slice3A_446 = vector.extract_strided_slice %convert_element_type3A_76 {offsets = [1536, 0], sizes = [128, 8], strides = [1, 1]} : vector<2048x8xf32> to vector<128x8xf32>
    %dot_general3A_447 = arith.constant dense<0.000000e+00> : vector<128x8xf32>
    %dot_general3A_448 = tpu.matmul %convert_element_type3A_80, %slice3A_446, %dot_general3A_447 {dimension_numbers = #tpu.dot_dimension_numbers<[1], [0], [0], [1], [0, 0, 1, 1], [], []>, transpose_lhs_hint = false} : vector<128x128xf32>, vector<128x8xf32>, vector<128x8xf32> -> vector<128x8xf32>
    %add3A_449 = vector.broadcast %add3A_445 : vector<1x8xf32> to vector<128x8xf32>
    %add3A_450 = arith.addf %dot_general3A_448, %add3A_449 : vector<128x8xf32>
    %mul3A_451 = arith.mulf %add3A_450, %slice3A_446 : vector<128x8xf32>
    %reduce_sum3A_452 = arith.constant dense<0.000000e+00> : vector<128xf32>
    %reduce_sum3A_453 = vector.multi_reduction <add>, %mul3A_451, %reduce_sum3A_452 [1] : vector<128x8xf32> to vector<128xf32>
    %broadcast_in_dim3A_454 = vector.shape_cast %reduce_sum3A_453 : vector<128xf32> to vector<128x1xf32>
    %reduce_sum3A_455 = arith.constant dense<0.000000e+00> : vector<8xf32>
    %reduce_sum3A_456 = vector.multi_reduction <add>, %slice3A_446, %reduce_sum3A_455 [0] : vector<128x8xf32> to vector<8xf32>
    %broadcast_in_dim3A_457 = vector.shape_cast %reduce_sum3A_456 : vector<8xf32> to vector<1x8xf32>
    %add3A_458 = arith.addf %add3A_445, %broadcast_in_dim3A_457 : vector<1x8xf32>
    %slice3A_459 = vector.extract_strided_slice %convert_element_type3A_76 {offsets = [1664, 0], sizes = [128, 8], strides = [1, 1]} : vector<2048x8xf32> to vector<128x8xf32>
    %dot_general3A_460 = arith.constant dense<0.000000e+00> : vector<128x8xf32>
    %dot_general3A_461 = tpu.matmul %convert_element_type3A_80, %slice3A_459, %dot_general3A_460 {dimension_numbers = #tpu.dot_dimension_numbers<[1], [0], [0], [1], [0, 0, 1, 1], [], []>, transpose_lhs_hint = false} : vector<128x128xf32>, vector<128x8xf32>, vector<128x8xf32> -> vector<128x8xf32>
    %add3A_462 = vector.broadcast %add3A_458 : vector<1x8xf32> to vector<128x8xf32>
    %add3A_463 = arith.addf %dot_general3A_461, %add3A_462 : vector<128x8xf32>
    %mul3A_464 = arith.mulf %add3A_463, %slice3A_459 : vector<128x8xf32>
    %reduce_sum3A_465 = arith.constant dense<0.000000e+00> : vector<128xf32>
    %reduce_sum3A_466 = vector.multi_reduction <add>, %mul3A_464, %reduce_sum3A_465 [1] : vector<128x8xf32> to vector<128xf32>
    %broadcast_in_dim3A_467 = vector.shape_cast %reduce_sum3A_466 : vector<128xf32> to vector<128x1xf32>
    %reduce_sum3A_468 = arith.constant dense<0.000000e+00> : vector<8xf32>
    %reduce_sum3A_469 = vector.multi_reduction <add>, %slice3A_459, %reduce_sum3A_468 [0] : vector<128x8xf32> to vector<8xf32>
    %broadcast_in_dim3A_470 = vector.shape_cast %reduce_sum3A_469 : vector<8xf32> to vector<1x8xf32>
    %add3A_471 = arith.addf %add3A_458, %broadcast_in_dim3A_470 : vector<1x8xf32>
    %slice3A_472 = vector.extract_strided_slice %convert_element_type3A_76 {offsets = [1792, 0], sizes = [128, 8], strides = [1, 1]} : vector<2048x8xf32> to vector<128x8xf32>
    %dot_general3A_473 = arith.constant dense<0.000000e+00> : vector<128x8xf32>
    %dot_general3A_474 = tpu.matmul %convert_element_type3A_80, %slice3A_472, %dot_general3A_473 {dimension_numbers = #tpu.dot_dimension_numbers<[1], [0], [0], [1], [0, 0, 1, 1], [], []>, transpose_lhs_hint = false} : vector<128x128xf32>, vector<128x8xf32>, vector<128x8xf32> -> vector<128x8xf32>
    %add3A_475 = vector.broadcast %add3A_471 : vector<1x8xf32> to vector<128x8xf32>
    %add3A_476 = arith.addf %dot_general3A_474, %add3A_475 : vector<128x8xf32>
    %mul3A_477 = arith.mulf %add3A_476, %slice3A_472 : vector<128x8xf32>
    %reduce_sum3A_478 = arith.constant dense<0.000000e+00> : vector<128xf32>
    %reduce_sum3A_479 = vector.multi_reduction <add>, %mul3A_477, %reduce_sum3A_478 [1] : vector<128x8xf32> to vector<128xf32>
    %broadcast_in_dim3A_480 = vector.shape_cast %reduce_sum3A_479 : vector<128xf32> to vector<128x1xf32>
    %reduce_sum3A_481 = arith.constant dense<0.000000e+00> : vector<8xf32>
    %reduce_sum3A_482 = vector.multi_reduction <add>, %slice3A_472, %reduce_sum3A_481 [0] : vector<128x8xf32> to vector<8xf32>
    %broadcast_in_dim3A_483 = vector.shape_cast %reduce_sum3A_482 : vector<8xf32> to vector<1x8xf32>
    %add3A_484 = arith.addf %add3A_471, %broadcast_in_dim3A_483 : vector<1x8xf32>
    %slice3A_485 = vector.extract_strided_slice %convert_element_type3A_76 {offsets = [1920, 0], sizes = [128, 8], strides = [1, 1]} : vector<2048x8xf32> to vector<128x8xf32>
    %dot_general3A_486 = arith.constant dense<0.000000e+00> : vector<128x8xf32>
    %dot_general3A_487 = tpu.matmul %convert_element_type3A_80, %slice3A_485, %dot_general3A_486 {dimension_numbers = #tpu.dot_dimension_numbers<[1], [0], [0], [1], [0, 0, 1, 1], [], []>, transpose_lhs_hint = false} : vector<128x128xf32>, vector<128x8xf32>, vector<128x8xf32> -> vector<128x8xf32>
    %add3A_488 = vector.broadcast %add3A_484 : vector<1x8xf32> to vector<128x8xf32>
    %add3A_489 = arith.addf %dot_general3A_487, %add3A_488 : vector<128x8xf32>
    %mul3A_490 = arith.mulf %add3A_489, %slice3A_485 : vector<128x8xf32>
    %reduce_sum3A_491 = arith.constant dense<0.000000e+00> : vector<128xf32>
    %reduce_sum3A_492 = vector.multi_reduction <add>, %mul3A_490, %reduce_sum3A_491 [1] : vector<128x8xf32> to vector<128xf32>
    %broadcast_in_dim3A_493 = vector.shape_cast %reduce_sum3A_492 : vector<128xf32> to vector<128x1xf32>
    %reduce_sum3A_494 = arith.constant dense<0.000000e+00> : vector<8xf32>
    %reduce_sum3A_495 = vector.multi_reduction <add>, %slice3A_485, %reduce_sum3A_494 [0] : vector<128x8xf32> to vector<8xf32>
    %broadcast_in_dim3A_496 = vector.shape_cast %reduce_sum3A_495 : vector<8xf32> to vector<1x8xf32>
    %add3A_497 = arith.addf %add3A_484, %broadcast_in_dim3A_496 : vector<1x8xf32>
    %concatenate3A = tpu.concatenate %broadcast_in_dim3A_90, %broadcast_in_dim3A_103, %broadcast_in_dim3A_116, %broadcast_in_dim3A_129, %broadcast_in_dim3A_142, %broadcast_in_dim3A_155, %broadcast_in_dim3A_168, %broadcast_in_dim3A_181, %broadcast_in_dim3A_194, %broadcast_in_dim3A_207, %broadcast_in_dim3A_220, %broadcast_in_dim3A_233, %broadcast_in_dim3A_246, %broadcast_in_dim3A_259, %broadcast_in_dim3A_272, %broadcast_in_dim3A_285 in 0 : vector<128x1xf32>, vector<128x1xf32>, vector<128x1xf32>, vector<128x1xf32>, vector<128x1xf32>, vector<128x1xf32>, vector<128x1xf32>, vector<128x1xf32>, vector<128x1xf32>, vector<128x1xf32>, vector<128x1xf32>, vector<128x1xf32>, vector<128x1xf32>, vector<128x1xf32>, vector<128x1xf32>, vector<128x1xf32> -> vector<2048x1xf32>
    %concatenate3A_498 = tpu.concatenate %broadcast_in_dim3A_298, %broadcast_in_dim3A_311, %broadcast_in_dim3A_324, %broadcast_in_dim3A_337, %broadcast_in_dim3A_350, %broadcast_in_dim3A_363, %broadcast_in_dim3A_376, %broadcast_in_dim3A_389, %broadcast_in_dim3A_402, %broadcast_in_dim3A_415, %broadcast_in_dim3A_428, %broadcast_in_dim3A_441, %broadcast_in_dim3A_454, %broadcast_in_dim3A_467, %broadcast_in_dim3A_480, %broadcast_in_dim3A_493 in 0 : vector<128x1xf32>, vector<128x1xf32>, vector<128x1xf32>, vector<128x1xf32>, vector<128x1xf32>, vector<128x1xf32>, vector<128x1xf32>, vector<128x1xf32>, vector<128x1xf32>, vector<128x1xf32>, vector<128x1xf32>, vector<128x1xf32>, vector<128x1xf32>, vector<128x1xf32>, vector<128x1xf32>, vector<128x1xf32> -> vector<2048x1xf32>
    %convert_element_type3A_499 = arith.fptosi %add3A_497 : vector<1x8xf32> to vector<1x8xi32>
    %add3A_500 = arith.constant 255 : i32
    %add3A_501 = vector.broadcast %add3A_500 : i32 to vector<1x8xi32>
    %add3A_502 = arith.addi %convert_element_type3A_499, %add3A_501 : vector<1x8xi32>
    %jit3A_503 = arith.constant 256 : i32
    %div3A_504 = vector.broadcast %jit3A_503 : i32 to vector<1x8xi32>
    %div3A_505 = arith.divsi %add3A_502, %div3A_504 : vector<1x8xi32>
    %sign3A = arith.constant 0 : i32
    %sign3A_506 = vector.broadcast %sign3A : i32 to vector<1x8xi32>
    %sign3A_507 = arith.cmpi sgt, %add3A_502, %sign3A_506 : vector<1x8xi32>
    %sign3A_508 = arith.extui %sign3A_507 : vector<1x8xi1> to vector<1x8xi32>
    %sign3A_509 = arith.constant 0 : i32
    %sign3A_510 = vector.broadcast %sign3A_509 : i32 to vector<1x8xi32>
    %sign3A_511 = arith.cmpi slt, %add3A_502, %sign3A_510 : vector<1x8xi32>
    %sign3A_512 = arith.extui %sign3A_511 : vector<1x8xi1> to vector<1x8xi32>
    %sign3A_513 = arith.subi %sign3A_508, %sign3A_512 : vector<1x8xi32>
    %sign3A_514 = arith.constant 0 : i32
    %sign3A_515 = arith.cmpi sgt, %jit3A_503, %sign3A_514 : i32
    %sign3A_516 = arith.extui %sign3A_515 : i1 to i32
    %sign3A_517 = arith.constant 0 : i32
    %sign3A_518 = arith.cmpi slt, %jit3A_503, %sign3A_517 : i32
    %sign3A_519 = arith.extui %sign3A_518 : i1 to i32
    %sign3A_520 = arith.subi %sign3A_516, %sign3A_519 : i32
    %ne3A = vector.broadcast %sign3A_520 : i32 to vector<1x8xi32>
    %ne3A_521 = arith.cmpi ne, %sign3A_513, %ne3A : vector<1x8xi32>
    %rem3A = vector.broadcast %jit3A_503 : i32 to vector<1x8xi32>
    %rem3A_522 = arith.remsi %add3A_502, %rem3A : vector<1x8xi32>
    %ne3A_523 = arith.constant 0 : i32
    %ne3A_524 = vector.broadcast %ne3A_523 : i32 to vector<1x8xi32>
    %ne3A_525 = arith.cmpi ne, %rem3A_522, %ne3A_524 : vector<1x8xi32>
    %and3A_526 = arith.andi %ne3A_521, %ne3A_525 : vector<1x8xi1>
    %sub3A_527 = arith.constant 1 : i32
    %sub3A_528 = vector.broadcast %sub3A_527 : i32 to vector<1x8xi32>
    %sub3A_529 = arith.subi %div3A_505, %sub3A_528 : vector<1x8xi32>
    %select_n3A_530 = arith.select %and3A_526, %sub3A_529, %div3A_505 : vector<1x8xi1>, vector<1x8xi32>
    %mul3A_531 = arith.constant 256 : i32
    %mul3A_532 = vector.broadcast %mul3A_531 : i32 to vector<1x8xi32>
    %mul3A_533 = arith.muli %select_n3A_530, %mul3A_532 : vector<1x8xi32>
    %iota3A_534 = tpu.iota {dimensions = array<i32: 0>} : vector<8x8xi32>
    %iota3A_535 = tpu.iota {dimensions = array<i32: 1>} : vector<8x8xi32>
    %le3A = arith.cmpi sle, %iota3A_534, %iota3A_535 : vector<8x8xi32>
    %convert_element_type3A_536 = arith.extui %le3A : vector<8x8xi1> to vector<8x8xi32>
    %convert_element_type3A_537 = arith.sitofp %convert_element_type3A_536 : vector<8x8xi32> to vector<8x8xf32>
    %convert_element_type3A_538 = arith.sitofp %mul3A_533 : vector<1x8xi32> to vector<1x8xf32>
    %dot_general3A_539 = arith.constant dense<0.000000e+00> : vector<1x8xf32>
    %dot_general3A_540 = tpu.matmul %convert_element_type3A_538, %convert_element_type3A_537, %dot_general3A_539 {dimension_numbers = #tpu.dot_dimension_numbers<[1], [0], [0], [1], [0, 0, 1, 1], [], []>, transpose_lhs_hint = false} : vector<1x8xf32>, vector<8x8xf32>, vector<1x8xf32> -> vector<1x8xf32>
    %convert_element_type3A_541 = arith.fptosi %dot_general3A_540 : vector<1x8xf32> to vector<1x8xi32>
    %sub3A_542 = arith.subi %convert_element_type3A_541, %mul3A_533 : vector<1x8xi32>
    %convert_element_type3A_543 = arith.sitofp %sub3A_542 : vector<1x8xi32> to vector<1x8xf32>
    %mul3A_544 = vector.broadcast %convert_element_type3A_543 : vector<1x8xf32> to vector<2048x8xf32>
    %mul3A_545 = arith.mulf %convert_element_type3A_74, %mul3A_544 : vector<2048x8xf32>
    %reduce_sum3A_546 = arith.constant dense<0.000000e+00> : vector<2048xf32>
    %reduce_sum3A_547 = vector.multi_reduction <add>, %mul3A_545, %reduce_sum3A_546 [1] : vector<2048x8xf32> to vector<2048xf32>
    %broadcast_in_dim3A_548 = vector.shape_cast %reduce_sum3A_547 : vector<2048xf32> to vector<2048x1xf32>
    %add3A_549 = arith.addf %broadcast_in_dim3A_548, %concatenate3A : vector<2048x1xf32>
    %convert_element_type3A_550 = arith.fptosi %add3A_549 : vector<2048x1xf32> to vector<2048x1xi32>
    %swap3A_551 = arith.constant 0 : index
    %swap3A_552 = arith.constant 0 : index
    %swap3A_553 = vector.load %arg5[%swap3A_551, %swap3A_552] : memref<2048x1xi32, #tpu.memory_space<vmem>>, vector<2048x1xi32>
    tpu.vector_store %arg5[%swap3A_551, %swap3A_552], %convert_element_type3A_550 {strides = array<i32>} : memref<2048x1xi32, #tpu.memory_space<vmem>>, vector<2048x1xi32>,
    %mul3A_554 = vector.broadcast %convert_element_type3A_543 : vector<1x8xf32> to vector<2048x8xf32>
    %mul3A_555 = arith.mulf %convert_element_type3A_76, %mul3A_554 : vector<2048x8xf32>
    %reduce_sum3A_556 = arith.constant dense<0.000000e+00> : vector<2048xf32>
    %reduce_sum3A_557 = vector.multi_reduction <add>, %mul3A_555, %reduce_sum3A_556 [1] : vector<2048x8xf32> to vector<2048xf32>
    %broadcast_in_dim3A_558 = vector.shape_cast %reduce_sum3A_557 : vector<2048xf32> to vector<2048x1xf32>
    %add3A_559 = arith.addf %broadcast_in_dim3A_558, %concatenate3A_498 : vector<2048x1xf32>
    %convert_element_type3A_560 = arith.fptosi %add3A_559 : vector<2048x1xf32> to vector<2048x1xi32>
    %swap3A_561 = arith.constant 0 : index
    %swap3A_562 = arith.constant 0 : index
    %swap3A_563 = vector.load %arg6[%swap3A_561, %swap3A_562] : memref<2048x1xi32, #tpu.memory_space<vmem>>, vector<2048x1xi32>
    tpu.vector_store %arg6[%swap3A_561, %swap3A_562], %convert_element_type3A_560 {strides = array<i32>} : memref<2048x1xi32, #tpu.memory_space<vmem>>, vector<2048x1xi32>,
    %iota3A_564 = tpu.iota {dimensions = array<i32: 1>} : vector<1x24xi32>
    %jit3A_565 = arith.constant 256 : i32
    %div3A_566 = vector.broadcast %jit3A_565 : i32 to vector<1x8xi32>
    %div3A_567 = arith.divsi %sub3A_542, %div3A_566 : vector<1x8xi32>
    %sign3A_568 = arith.constant 0 : i32
    %sign3A_569 = vector.broadcast %sign3A_568 : i32 to vector<1x8xi32>
    %sign3A_570 = arith.cmpi sgt, %sub3A_542, %sign3A_569 : vector<1x8xi32>
    %sign3A_571 = arith.extui %sign3A_570 : vector<1x8xi1> to vector<1x8xi32>
    %sign3A_572 = arith.constant 0 : i32
    %sign3A_573 = vector.broadcast %sign3A_572 : i32 to vector<1x8xi32>
    %sign3A_574 = arith.cmpi slt, %sub3A_542, %sign3A_573 : vector<1x8xi32>
    %sign3A_575 = arith.extui %sign3A_574 : vector<1x8xi1> to vector<1x8xi32>
    %sign3A_576 = arith.subi %sign3A_571, %sign3A_575 : vector<1x8xi32>
    %sign3A_577 = arith.constant 0 : i32
    %sign3A_578 = arith.cmpi sgt, %jit3A_565, %sign3A_577 : i32
    %sign3A_579 = arith.extui %sign3A_578 : i1 to i32
    %sign3A_580 = arith.constant 0 : i32
    %sign3A_581 = arith.cmpi slt, %jit3A_565, %sign3A_580 : i32
    %sign3A_582 = arith.extui %sign3A_581 : i1 to i32
    %sign3A_583 = arith.subi %sign3A_579, %sign3A_582 : i32
    %ne3A_584 = vector.broadcast %sign3A_583 : i32 to vector<1x8xi32>
    %ne3A_585 = arith.cmpi ne, %sign3A_576, %ne3A_584 : vector<1x8xi32>
    %rem3A_586 = vector.broadcast %jit3A_565 : i32 to vector<1x8xi32>
    %rem3A_587 = arith.remsi %sub3A_542, %rem3A_586 : vector<1x8xi32>
    %ne3A_588 = arith.constant 0 : i32
    %ne3A_589 = vector.broadcast %ne3A_588 : i32 to vector<1x8xi32>
    %ne3A_590 = arith.cmpi ne, %rem3A_587, %ne3A_589 : vector<1x8xi32>
    %and3A_591 = arith.andi %ne3A_585, %ne3A_590 : vector<1x8xi1>
    %sub3A_592 = arith.constant 1 : i32
    %sub3A_593 = vector.broadcast %sub3A_592 : i32 to vector<1x8xi32>
    %sub3A_594 = arith.subi %div3A_567, %sub3A_593 : vector<1x8xi32>
    %select_n3A_595 = arith.select %and3A_591, %sub3A_594, %div3A_567 : vector<1x8xi1>, vector<1x8xi32>
    %broadcast_in_dim3A_596 = arith.constant -1 : i32
    %broadcast_in_dim3A_597 = vector.broadcast %broadcast_in_dim3A_596 : i32 to vector<1x24xi32>
    %slice3A_598 = vector.extract_strided_slice %select_n3A_595 {offsets = [0, 0], sizes = [1, 1], strides = [1, 1]} : vector<1x8xi32> to vector<1x1xi32>
    %ge3A = vector.broadcast %slice3A_598 : vector<1x1xi32> to vector<1x24xi32>
    %ge3A_599 = arith.cmpi sge, %iota3A_564, %ge3A : vector<1x24xi32>
    %convert_element_type3A_600 = arith.extui %ge3A_599 : vector<1x24xi1> to vector<1x24xi32>
    %add3A_601 = arith.addi %broadcast_in_dim3A_597, %convert_element_type3A_600 : vector<1x24xi32>
    %slice3A_602 = vector.extract_strided_slice %select_n3A_595 {offsets = [0, 1], sizes = [1, 1], strides = [1, 1]} : vector<1x8xi32> to vector<1x1xi32>
    %ge3A_603 = vector.broadcast %slice3A_602 : vector<1x1xi32> to vector<1x24xi32>
    %ge3A_604 = arith.cmpi sge, %iota3A_564, %ge3A_603 : vector<1x24xi32>
    %convert_element_type3A_605 = arith.extui %ge3A_604 : vector<1x24xi1> to vector<1x24xi32>
    %add3A_606 = arith.addi %add3A_601, %convert_element_type3A_605 : vector<1x24xi32>
    %slice3A_607 = vector.extract_strided_slice %select_n3A_595 {offsets = [0, 2], sizes = [1, 1], strides = [1, 1]} : vector<1x8xi32> to vector<1x1xi32>
    %ge3A_608 = vector.broadcast %slice3A_607 : vector<1x1xi32> to vector<1x24xi32>
    %ge3A_609 = arith.cmpi sge, %iota3A_564, %ge3A_608 : vector<1x24xi32>
    %convert_element_type3A_610 = arith.extui %ge3A_609 : vector<1x24xi1> to vector<1x24xi32>
    %add3A_611 = arith.addi %add3A_606, %convert_element_type3A_610 : vector<1x24xi32>
    %slice3A_612 = vector.extract_strided_slice %select_n3A_595 {offsets = [0, 3], sizes = [1, 1], strides = [1, 1]} : vector<1x8xi32> to vector<1x1xi32>
    %ge3A_613 = vector.broadcast %slice3A_612 : vector<1x1xi32> to vector<1x24xi32>
    %ge3A_614 = arith.cmpi sge, %iota3A_564, %ge3A_613 : vector<1x24xi32>
    %convert_element_type3A_615 = arith.extui %ge3A_614 : vector<1x24xi1> to vector<1x24xi32>
    %add3A_616 = arith.addi %add3A_611, %convert_element_type3A_615 : vector<1x24xi32>
    %slice3A_617 = vector.extract_strided_slice %select_n3A_595 {offsets = [0, 4], sizes = [1, 1], strides = [1, 1]} : vector<1x8xi32> to vector<1x1xi32>
    %ge3A_618 = vector.broadcast %slice3A_617 : vector<1x1xi32> to vector<1x24xi32>
    %ge3A_619 = arith.cmpi sge, %iota3A_564, %ge3A_618 : vector<1x24xi32>
    %convert_element_type3A_620 = arith.extui %ge3A_619 : vector<1x24xi1> to vector<1x24xi32>
    %add3A_621 = arith.addi %add3A_616, %convert_element_type3A_620 : vector<1x24xi32>
    %slice3A_622 = vector.extract_strided_slice %select_n3A_595 {offsets = [0, 5], sizes = [1, 1], strides = [1, 1]} : vector<1x8xi32> to vector<1x1xi32>
    %ge3A_623 = vector.broadcast %slice3A_622 : vector<1x1xi32> to vector<1x24xi32>
    %ge3A_624 = arith.cmpi sge, %iota3A_564, %ge3A_623 : vector<1x24xi32>
    %convert_element_type3A_625 = arith.extui %ge3A_624 : vector<1x24xi1> to vector<1x24xi32>
    %add3A_626 = arith.addi %add3A_621, %convert_element_type3A_625 : vector<1x24xi32>
    %slice3A_627 = vector.extract_strided_slice %select_n3A_595 {offsets = [0, 6], sizes = [1, 1], strides = [1, 1]} : vector<1x8xi32> to vector<1x1xi32>
    %ge3A_628 = vector.broadcast %slice3A_627 : vector<1x1xi32> to vector<1x24xi32>
    %ge3A_629 = arith.cmpi sge, %iota3A_564, %ge3A_628 : vector<1x24xi32>
    %convert_element_type3A_630 = arith.extui %ge3A_629 : vector<1x24xi1> to vector<1x24xi32>
    %add3A_631 = arith.addi %add3A_626, %convert_element_type3A_630 : vector<1x24xi32>
    %slice3A_632 = vector.extract_strided_slice %select_n3A_595 {offsets = [0, 7], sizes = [1, 1], strides = [1, 1]} : vector<1x8xi32> to vector<1x1xi32>
    %ge3A_633 = vector.broadcast %slice3A_632 : vector<1x1xi32> to vector<1x24xi32>
    %ge3A_634 = arith.cmpi sge, %iota3A_564, %ge3A_633 : vector<1x24xi32>
    %convert_element_type3A_635 = arith.extui %ge3A_634 : vector<1x24xi1> to vector<1x24xi32>
    %add3A_636 = arith.addi %add3A_631, %convert_element_type3A_635 : vector<1x24xi32>
    %swap3A_637 = arith.constant 0 : index
    %swap3A_638 = arith.constant 0 : index
    %swap3A_639 = vector.load %arg9[%swap3A_637, %swap3A_638] : memref<1x24xi32, #tpu.memory_space<vmem>>, vector<1x24xi32>
    tpu.vector_store %arg9[%swap3A_637, %swap3A_638], %add3A_636 {strides = array<i32>} : memref<1x24xi32, #tpu.memory_space<vmem>>, vector<1x24xi32>,
    %slice3A_640 = vector.extract_strided_slice %convert_element_type3A_541 {offsets = [0, 7], sizes = [1, 1], strides = [1, 1]} : vector<1x8xi32> to vector<1x1xi32>
    %jit3A_641 = arith.constant 256 : i32
    %div3A_642 = vector.broadcast %jit3A_641 : i32 to vector<1x1xi32>
    %div3A_643 = arith.divsi %slice3A_640, %div3A_642 : vector<1x1xi32>
    %sign3A_644 = arith.constant 0 : i32
    %sign3A_645 = vector.broadcast %sign3A_644 : i32 to vector<1x1xi32>
    %sign3A_646 = arith.cmpi sgt, %slice3A_640, %sign3A_645 : vector<1x1xi32>
    %sign3A_647 = arith.extui %sign3A_646 : vector<1x1xi1> to vector<1x1xi32>
    %sign3A_648 = arith.constant 0 : i32
    %sign3A_649 = vector.broadcast %sign3A_648 : i32 to vector<1x1xi32>
    %sign3A_650 = arith.cmpi slt, %slice3A_640, %sign3A_649 : vector<1x1xi32>
    %sign3A_651 = arith.extui %sign3A_650 : vector<1x1xi1> to vector<1x1xi32>
    %sign3A_652 = arith.subi %sign3A_647, %sign3A_651 : vector<1x1xi32>
    %sign3A_653 = arith.constant 0 : i32
    %sign3A_654 = arith.cmpi sgt, %jit3A_641, %sign3A_653 : i32
    %sign3A_655 = arith.extui %sign3A_654 : i1 to i32
    %sign3A_656 = arith.constant 0 : i32
    %sign3A_657 = arith.cmpi slt, %jit3A_641, %sign3A_656 : i32
    %sign3A_658 = arith.extui %sign3A_657 : i1 to i32
    %sign3A_659 = arith.subi %sign3A_655, %sign3A_658 : i32
    %ne3A_660 = vector.broadcast %sign3A_659 : i32 to vector<1x1xi32>
    %ne3A_661 = arith.cmpi ne, %sign3A_652, %ne3A_660 : vector<1x1xi32>
    %rem3A_662 = vector.broadcast %jit3A_641 : i32 to vector<1x1xi32>
    %rem3A_663 = arith.remsi %slice3A_640, %rem3A_662 : vector<1x1xi32>
    %ne3A_664 = arith.constant 0 : i32
    %ne3A_665 = vector.broadcast %ne3A_664 : i32 to vector<1x1xi32>
    %ne3A_666 = arith.cmpi ne, %rem3A_663, %ne3A_665 : vector<1x1xi32>
    %and3A_667 = arith.andi %ne3A_661, %ne3A_666 : vector<1x1xi1>
    %sub3A_668 = arith.constant 1 : i32
    %sub3A_669 = vector.broadcast %sub3A_668 : i32 to vector<1x1xi32>
    %sub3A_670 = arith.subi %div3A_643, %sub3A_669 : vector<1x1xi32>
    %select_n3A_671 = arith.select %and3A_667, %sub3A_670, %div3A_643 : vector<1x1xi1>, vector<1x1xi32>
    %lt3A = vector.broadcast %select_n3A_671 : vector<1x1xi32> to vector<1x24xi32>
    %lt3A_672 = arith.cmpi slt, %iota3A_564, %lt3A : vector<1x24xi32>
    %convert_element_type3A_673 = arith.extui %lt3A_672 : vector<1x24xi1> to vector<1x24xi32>
    %swap3A_674 = arith.constant 0 : index
    %swap3A_675 = arith.constant 0 : index
    %swap3A_676 = vector.load %arg10[%swap3A_674, %swap3A_675] : memref<1x24xi32, #tpu.memory_space<vmem>>, vector<1x24xi32>
    tpu.vector_store %arg10[%swap3A_674, %swap3A_675], %convert_element_type3A_673 {strides = array<i32>} : memref<1x24xi32, #tpu.memory_space<vmem>>, vector<1x24xi32>,
    return
  }
}

module attributes {stable_mosaic.version = 14 : i64} {
  func.func @_grn_body(%arg0: i32, %arg1: memref<1x24xi32, #tpu.memory_space<smem>>, %arg2: memref<1x24xi32, #tpu.memory_space<smem>>, %arg3: memref<256x384xf32, #tpu.memory_space<vmem>>, %arg4: memref<256x128xf32, #tpu.memory_space<vmem>>, %arg5: memref<1x32xf32, #tpu.memory_space<vmem>>, %arg6: memref<1x768x1536xf32, #tpu.memory_space<vmem>>, %arg7: memref<1x1x1536xf32, #tpu.memory_space<vmem>>, %arg8: memref<1x32x1536xf32, #tpu.memory_space<vmem>>, %arg9: memref<1x1536x768xf32, #tpu.memory_space<vmem>>, %arg10: memref<1x1x768xf32, #tpu.memory_space<vmem>>, %arg11: memref<1x768x768xf32, #tpu.memory_space<vmem>>, %arg12: memref<1x1x768xf32, #tpu.memory_space<vmem>>, %arg13: memref<1x768x768xf32, #tpu.memory_space<vmem>>, %arg14: memref<1x1x768xf32, #tpu.memory_space<vmem>>, %arg15: memref<1x1x768xf32, #tpu.memory_space<vmem>>, %arg16: memref<1x1x768xf32, #tpu.memory_space<vmem>>, %arg17: memref<256x768xf32, #tpu.memory_space<vmem>>) attributes {dimension_semantics = [#tpu.dimension_semantics<arbitrary>], iteration_bounds = array<i64: 24>, scalar_prefetch = 2 : i64, scratch_operands = 0 : i64, tpu.core_type = #tpu.core_type<tc>, window_params = [{transform_indices = @transform_0, window_bounds = array<i64: 256, 384>}, {transform_indices = @transform_1, window_bounds = array<i64: 256, 128>}, {pipeline_mode = #tpu.pipeline_mode<synchronous>, transform_indices = @transform_2, window_bounds = array<i64: 1, 32>}, {transform_indices = @transform_3, window_bounds = array<i64: 1, 768, 1536>}, {transform_indices = @transform_4, window_bounds = array<i64: 1, 1, 1536>}, {transform_indices = @transform_5, window_bounds = array<i64: 1, 32, 1536>}, {transform_indices = @transform_6, window_bounds = array<i64: 1, 1536, 768>}, {transform_indices = @transform_7, window_bounds = array<i64: 1, 1, 768>}, {transform_indices = @transform_8, window_bounds = array<i64: 1, 768, 768>}, {transform_indices = @transform_9, window_bounds = array<i64: 1, 1, 768>}, {transform_indices = @transform_10, window_bounds = array<i64: 1, 768, 768>}, {transform_indices = @transform_11, window_bounds = array<i64: 1, 1, 768>}, {transform_indices = @transform_12, window_bounds = array<i64: 1, 1, 768>}, {transform_indices = @transform_13, window_bounds = array<i64: 1, 1, 768>}, {transform_indices = @transform_14, window_bounds = array<i64: 256, 768>}]} {
    %get3A = arith.constant 0 : index
    %get3A_0 = arith.index_cast %arg0 : i32 to index
    %get3A_1 = memref.load %arg2[%get3A, %get3A_0] : memref<1x24xi32, #tpu.memory_space<smem>>
    %eq3A = arith.constant 1 : i32
    %eq3A_2 = arith.cmpi eq, %get3A_1, %eq3A : i32
    %convert_element_type3A = arith.extui %eq3A_2 : i1 to i32
    %cond3A = arith.constant 0 : i32
    %cond3A_3 = arith.cmpi ne, %convert_element_type3A, %cond3A : i32
    scf.if %cond3A_3 {
      %get3A_4 = arith.constant 0 : index
      %get3A_5 = arith.constant 0 : index
      %get3A_6 = vector.load %arg3[%get3A_4, %get3A_5] : memref<256x384xf32, #tpu.memory_space<vmem>>, vector<256x384xf32>
      %bitcast_convert_type3A = tpu.bitcast %get3A_6 : vector<256x384xf32> -> vector<256x384xi32>
      %shift_left3A = arith.constant 16 : i32
      %shift_left3A_7 = vector.broadcast %shift_left3A : i32 to vector<256x384xi32>
      %shift_left3A_8 = arith.shli %bitcast_convert_type3A, %shift_left3A_7 : vector<256x384xi32>
      %bitcast_convert_type3A_9 = tpu.bitcast %shift_left3A_8 : vector<256x384xi32> -> vector<256x384xf32>
      %and3A = arith.constant -65536 : i32
      %and3A_10 = vector.broadcast %and3A : i32 to vector<256x384xi32>
      %and3A_11 = arith.andi %bitcast_convert_type3A, %and3A_10 : vector<256x384xi32>
      %bitcast_convert_type3A_12 = tpu.bitcast %and3A_11 : vector<256x384xi32> -> vector<256x384xf32>
      %concatenate3A = tpu.concatenate %bitcast_convert_type3A_9, %bitcast_convert_type3A_12 in 1 : vector<256x384xf32>, vector<256x384xf32> -> vector<256x768xf32>
      %get3A_13 = arith.constant 0 : index
      %get3A_14 = arith.constant 0 : index
      %get3A_15 = vector.load %arg5[%get3A_13, %get3A_14] : memref<1x32xf32, #tpu.memory_space<vmem>>, vector<1x32xf32>
      %get3A_16 = arith.constant 0 : index
      %get3A_17 = arith.constant 0 : index
      %get3A_18 = arith.constant 0 : index
      %get3A_19 = vector.load %arg8[%get3A_16, %get3A_17, %get3A_18] : memref<1x32x1536xf32, #tpu.memory_space<vmem>>, vector<1x32x1536xf32>
      %get3A_20 = vector.shape_cast %get3A_19 : vector<1x32x1536xf32> to vector<32x1536xf32>
      %dot_general3A = arith.constant dense<0.000000e+00> : vector<1x1536xf32>
      %dot_general3A_21 = tpu.matmul %get3A_15, %get3A_20, %dot_general3A {dimension_numbers = #tpu.dot_dimension_numbers<[1], [0], [0], [1], [0, 0, 1, 1], [], []>, transpose_lhs_hint = false} : vector<1x32xf32>, vector<32x1536xf32>, vector<1x1536xf32> -> vector<1x1536xf32>
      %get3A_22 = arith.constant 0 : index
      %get3A_23 = arith.constant 0 : index
      %get3A_24 = arith.constant 0 : index
      %get3A_25 = vector.load %arg7[%get3A_22, %get3A_23, %get3A_24] : memref<1x1x1536xf32, #tpu.memory_space<vmem>>, vector<1x1x1536xf32>
      %get3A_26 = vector.shape_cast %get3A_25 : vector<1x1x1536xf32> to vector<1x1536xf32>
      %add3A = arith.addf %dot_general3A_21, %get3A_26 : vector<1x1536xf32>
      %get3A_27 = arith.constant 0 : index
      %get3A_28 = arith.constant 0 : index
      %get3A_29 = arith.constant 0 : index
      %get3A_30 = vector.load %arg6[%get3A_27, %get3A_28, %get3A_29] : memref<1x768x1536xf32, #tpu.memory_space<vmem>>, vector<1x768x1536xf32>
      %get3A_31 = vector.shape_cast %get3A_30 : vector<1x768x1536xf32> to vector<768x1536xf32>
      %dot_general3A_32 = arith.constant dense<0.000000e+00> : vector<256x1536xf32>
      %dot_general3A_33 = tpu.matmul %concatenate3A, %get3A_31, %dot_general3A_32 {dimension_numbers = #tpu.dot_dimension_numbers<[1], [0], [0], [1], [0, 0, 1, 1], [], []>, transpose_lhs_hint = false} : vector<256x768xf32>, vector<768x1536xf32>, vector<256x1536xf32> -> vector<256x1536xf32>
      %add3A_34 = vector.broadcast %add3A : vector<1x1536xf32> to vector<256x1536xf32>
      %add3A_35 = arith.addf %dot_general3A_33, %add3A_34 : vector<256x1536xf32>
      %gt3A = arith.constant 0.000000e+00 : f32
      %gt3A_36 = vector.broadcast %gt3A : f32 to vector<256x1536xf32>
      %gt3A_37 = arith.cmpf ogt, %add3A_35, %gt3A_36 : vector<256x1536xf32>
      %min3A = arith.constant 0.000000e+00 : f32
      %min3A_38 = vector.broadcast %min3A : f32 to vector<256x1536xf32>
      %min3A_39 = arith.minimumf %add3A_35, %min3A_38 : vector<256x1536xf32>
      %exp3A = math.exp %min3A_39 : vector<256x1536xf32>
      %sub3A = arith.constant 1.000000e+00 : f32
      %sub3A_40 = vector.broadcast %sub3A : f32 to vector<256x1536xf32>
      %sub3A_41 = arith.subf %exp3A, %sub3A_40 : vector<256x1536xf32>
      %select_n3A = arith.select %gt3A_37, %add3A_35, %sub3A_41 : vector<256x1536xi1>, vector<256x1536xf32>
      %get3A_42 = arith.constant 0 : index
      %get3A_43 = arith.constant 0 : index
      %get3A_44 = arith.constant 0 : index
      %get3A_45 = vector.load %arg9[%get3A_42, %get3A_43, %get3A_44] : memref<1x1536x768xf32, #tpu.memory_space<vmem>>, vector<1x1536x768xf32>
      %get3A_46 = vector.shape_cast %get3A_45 : vector<1x1536x768xf32> to vector<1536x768xf32>
      %dot_general3A_47 = arith.constant dense<0.000000e+00> : vector<256x768xf32>
      %dot_general3A_48 = tpu.matmul %select_n3A, %get3A_46, %dot_general3A_47 {dimension_numbers = #tpu.dot_dimension_numbers<[1], [0], [0], [1], [0, 0, 1, 1], [], []>, transpose_lhs_hint = false} : vector<256x1536xf32>, vector<1536x768xf32>, vector<256x768xf32> -> vector<256x768xf32>
      %get3A_49 = arith.constant 0 : index
      %get3A_50 = arith.constant 0 : index
      %get3A_51 = arith.constant 0 : index
      %get3A_52 = vector.load %arg10[%get3A_49, %get3A_50, %get3A_51] : memref<1x1x768xf32, #tpu.memory_space<vmem>>, vector<1x1x768xf32>
      %get3A_53 = vector.shape_cast %get3A_52 : vector<1x1x768xf32> to vector<1x768xf32>
      %add3A_54 = vector.broadcast %get3A_53 : vector<1x768xf32> to vector<256x768xf32>
      %add3A_55 = arith.addf %dot_general3A_48, %add3A_54 : vector<256x768xf32>
      %get3A_56 = arith.constant 0 : index
      %get3A_57 = arith.constant 0 : index
      %get3A_58 = arith.constant 0 : index
      %get3A_59 = vector.load %arg11[%get3A_56, %get3A_57, %get3A_58] : memref<1x768x768xf32, #tpu.memory_space<vmem>>, vector<1x768x768xf32>
      %get3A_60 = vector.shape_cast %get3A_59 : vector<1x768x768xf32> to vector<768x768xf32>
      %dot_general3A_61 = arith.constant dense<0.000000e+00> : vector<256x768xf32>
      %dot_general3A_62 = tpu.matmul %add3A_55, %get3A_60, %dot_general3A_61 {dimension_numbers = #tpu.dot_dimension_numbers<[1], [0], [0], [1], [0, 0, 1, 1], [], []>, transpose_lhs_hint = false} : vector<256x768xf32>, vector<768x768xf32>, vector<256x768xf32> -> vector<256x768xf32>
      %get3A_63 = arith.constant 0 : index
      %get3A_64 = arith.constant 0 : index
      %get3A_65 = arith.constant 0 : index
      %get3A_66 = vector.load %arg12[%get3A_63, %get3A_64, %get3A_65] : memref<1x1x768xf32, #tpu.memory_space<vmem>>, vector<1x1x768xf32>
      %get3A_67 = vector.shape_cast %get3A_66 : vector<1x1x768xf32> to vector<1x768xf32>
      %add3A_68 = vector.broadcast %get3A_67 : vector<1x768xf32> to vector<256x768xf32>
      %add3A_69 = arith.addf %dot_general3A_62, %add3A_68 : vector<256x768xf32>
      %get3A_70 = arith.constant 0 : index
      %get3A_71 = arith.constant 0 : index
      %get3A_72 = arith.constant 0 : index
      %get3A_73 = vector.load %arg13[%get3A_70, %get3A_71, %get3A_72] : memref<1x768x768xf32, #tpu.memory_space<vmem>>, vector<1x768x768xf32>
      %get3A_74 = vector.shape_cast %get3A_73 : vector<1x768x768xf32> to vector<768x768xf32>
      %dot_general3A_75 = arith.constant dense<0.000000e+00> : vector<256x768xf32>
      %dot_general3A_76 = tpu.matmul %add3A_55, %get3A_74, %dot_general3A_75 {dimension_numbers = #tpu.dot_dimension_numbers<[1], [0], [0], [1], [0, 0, 1, 1], [], []>, transpose_lhs_hint = false} : vector<256x768xf32>, vector<768x768xf32>, vector<256x768xf32> -> vector<256x768xf32>
      %get3A_77 = arith.constant 0 : index
      %get3A_78 = arith.constant 0 : index
      %get3A_79 = arith.constant 0 : index
      %get3A_80 = vector.load %arg14[%get3A_77, %get3A_78, %get3A_79] : memref<1x1x768xf32, #tpu.memory_space<vmem>>, vector<1x1x768xf32>
      %get3A_81 = vector.shape_cast %get3A_80 : vector<1x1x768xf32> to vector<1x768xf32>
      %add3A_82 = vector.broadcast %get3A_81 : vector<1x768xf32> to vector<256x768xf32>
      %add3A_83 = arith.addf %dot_general3A_76, %add3A_82 : vector<256x768xf32>
      %neg3A = arith.constant 0.000000e+00 : f32
      %neg3A_84 = vector.broadcast %neg3A : f32 to vector<256x768xf32>
      %neg3A_85 = arith.subf %neg3A_84, %add3A_83 : vector<256x768xf32>
      %exp3A_86 = math.exp %neg3A_85 : vector<256x768xf32>
      %add3A_87 = arith.constant 1.000000e+00 : f32
      %add3A_88 = vector.broadcast %add3A_87 : f32 to vector<256x768xf32>
      %add3A_89 = arith.addf %add3A_88, %exp3A_86 : vector<256x768xf32>
      %div3A = arith.constant 1.000000e+00 : f32
      %div3A_90 = vector.broadcast %div3A : f32 to vector<256x768xf32>
      %div3A_91 = arith.divf %div3A_90, %add3A_89 : vector<256x768xf32>
      %mul3A = arith.mulf %add3A_69, %div3A_91 : vector<256x768xf32>
      %add3A_92 = arith.addf %concatenate3A, %mul3A : vector<256x768xf32>
      %reduce_sum3A = arith.constant dense<0.000000e+00> : vector<256xf32>
      %reduce_sum3A_93 = vector.multi_reduction <add>, %add3A_92, %reduce_sum3A [1] : vector<256x768xf32> to vector<256xf32>
      %broadcast_in_dim3A = vector.shape_cast %reduce_sum3A_93 : vector<256xf32> to vector<256x1xf32>
      %div3A_94 = arith.constant 7.680000e+02 : f32
      %div3A_95 = vector.broadcast %div3A_94 : f32 to vector<256x1xf32>
      %div3A_96 = arith.divf %broadcast_in_dim3A, %div3A_95 : vector<256x1xf32>
      %mul3A_97 = arith.mulf %add3A_92, %add3A_92 : vector<256x768xf32>
      %reduce_sum3A_98 = arith.constant dense<0.000000e+00> : vector<256xf32>
      %reduce_sum3A_99 = vector.multi_reduction <add>, %mul3A_97, %reduce_sum3A_98 [1] : vector<256x768xf32> to vector<256xf32>
      %broadcast_in_dim3A_100 = vector.shape_cast %reduce_sum3A_99 : vector<256xf32> to vector<256x1xf32>
      %div3A_101 = arith.constant 7.680000e+02 : f32
      %div3A_102 = vector.broadcast %div3A_101 : f32 to vector<256x1xf32>
      %div3A_103 = arith.divf %broadcast_in_dim3A_100, %div3A_102 : vector<256x1xf32>
      %mul3A_104 = arith.mulf %div3A_96, %div3A_96 : vector<256x1xf32>
      %sub3A_105 = arith.subf %div3A_103, %mul3A_104 : vector<256x1xf32>
      %sub3A_106 = vector.broadcast %div3A_96 : vector<256x1xf32> to vector<256x768xf32>
      %sub3A_107 = arith.subf %add3A_92, %sub3A_106 : vector<256x768xf32>
      %add3A_108 = arith.constant 9.99999974E-6 : f32
      %add3A_109 = vector.broadcast %add3A_108 : f32 to vector<256x1xf32>
      %add3A_110 = arith.addf %sub3A_105, %add3A_109 : vector<256x1xf32>
      %rsqrt3A = math.rsqrt %add3A_110 : vector<256x1xf32>
      %mul3A_111 = vector.broadcast %rsqrt3A : vector<256x1xf32> to vector<256x768xf32>
      %mul3A_112 = arith.mulf %sub3A_107, %mul3A_111 : vector<256x768xf32>
      %get3A_113 = arith.constant 0 : index
      %get3A_114 = arith.constant 0 : index
      %get3A_115 = arith.constant 0 : index
      %get3A_116 = vector.load %arg15[%get3A_113, %get3A_114, %get3A_115] : memref<1x1x768xf32, #tpu.memory_space<vmem>>, vector<1x1x768xf32>
      %get3A_117 = vector.shape_cast %get3A_116 : vector<1x1x768xf32> to vector<1x768xf32>
      %mul3A_118 = vector.broadcast %get3A_117 : vector<1x768xf32> to vector<256x768xf32>
      %mul3A_119 = arith.mulf %mul3A_112, %mul3A_118 : vector<256x768xf32>
      %get3A_120 = arith.constant 0 : index
      %get3A_121 = arith.constant 0 : index
      %get3A_122 = arith.constant 0 : index
      %get3A_123 = vector.load %arg16[%get3A_120, %get3A_121, %get3A_122] : memref<1x1x768xf32, #tpu.memory_space<vmem>>, vector<1x1x768xf32>
      %get3A_124 = vector.shape_cast %get3A_123 : vector<1x1x768xf32> to vector<1x768xf32>
      %add3A_125 = vector.broadcast %get3A_124 : vector<1x768xf32> to vector<256x768xf32>
      %add3A_126 = arith.addf %mul3A_119, %add3A_125 : vector<256x768xf32>
      %get3A_127 = arith.constant 0 : index
      %get3A_128 = arith.constant 0 : index
      %get3A_129 = vector.load %arg4[%get3A_127, %get3A_128] : memref<256x128xf32, #tpu.memory_space<vmem>>, vector<256x1xf32>
      %mul3A_130 = vector.broadcast %get3A_129 : vector<256x1xf32> to vector<256x768xf32>
      %mul3A_131 = arith.mulf %add3A_126, %mul3A_130 : vector<256x768xf32>
      %swap3A = arith.constant 0 : index
      %swap3A_132 = arith.constant 0 : index
      %swap3A_133 = vector.load %arg17[%swap3A, %swap3A_132] : memref<256x768xf32, #tpu.memory_space<vmem>>, vector<256x768xf32>
      tpu.vector_store %arg17[%swap3A, %swap3A_132], %mul3A_131 {strides = array<i32>} : memref<256x768xf32, #tpu.memory_space<vmem>>, vector<256x768xf32>,
    } else {
    }
    return
  }
  func.func @transform_0(%arg0: i32, %arg1: memref<1x24xi32, #tpu.memory_space<smem>>, %arg2: memref<1x24xi32, #tpu.memory_space<smem>>) -> (i32, i32) {
    %get3A = arith.constant 0 : index
    %get3A_0 = arith.index_cast %arg0 : i32 to index
    %get3A_1 = memref.load %arg2[%get3A, %get3A_0] : memref<1x24xi32, #tpu.memory_space<smem>>
    %eq3A = arith.constant 1 : i32
    %eq3A_2 = arith.cmpi eq, %get3A_1, %eq3A : i32
    %jit3A = arith.constant 23 : i32
    %select_n3A = arith.select %eq3A_2, %arg0, %jit3A : i32
    %c0_i32 = arith.constant 0 : i32
    %c0_i32_3 = arith.constant 0 : i32
    return %select_n3A, %c0_i32 : i32, i32
  }
  func.func @transform_1(%arg0: i32, %arg1: memref<1x24xi32, #tpu.memory_space<smem>>, %arg2: memref<1x24xi32, #tpu.memory_space<smem>>) -> (i32, i32) {
    %get3A = arith.constant 0 : index
    %get3A_0 = arith.index_cast %arg0 : i32 to index
    %get3A_1 = memref.load %arg2[%get3A, %get3A_0] : memref<1x24xi32, #tpu.memory_space<smem>>
    %eq3A = arith.constant 1 : i32
    %eq3A_2 = arith.cmpi eq, %get3A_1, %eq3A : i32
    %jit3A = arith.constant 23 : i32
    %select_n3A = arith.select %eq3A_2, %arg0, %jit3A : i32
    %c0_i32 = arith.constant 0 : i32
    %c0_i32_3 = arith.constant 0 : i32
    return %select_n3A, %c0_i32 : i32, i32
  }
  func.func @transform_2(%arg0: i32, %arg1: memref<1x24xi32, #tpu.memory_space<smem>>, %arg2: memref<1x24xi32, #tpu.memory_space<smem>>) -> (i32, i32) {
    %c0_i32 = arith.constant 0 : i32
    %c0_i32_0 = arith.constant 0 : i32
    %c0_i32_1 = arith.constant 0 : i32
    return %c0_i32, %c0_i32_0 : i32, i32
  }
  func.func @transform_3(%arg0: i32, %arg1: memref<1x24xi32, #tpu.memory_space<smem>>, %arg2: memref<1x24xi32, #tpu.memory_space<smem>>) -> (i32, i32, i32) {
    %get3A = arith.constant 0 : index
    %get3A_0 = arith.index_cast %arg0 : i32 to index
    %get3A_1 = memref.load %arg1[%get3A, %get3A_0] : memref<1x24xi32, #tpu.memory_space<smem>>
    %c0_i32 = arith.constant 0 : i32
    %c0_i32_2 = arith.constant 0 : i32
    %c0_i32_3 = arith.constant 0 : i32
    return %get3A_1, %c0_i32, %c0_i32_2 : i32, i32, i32
  }
  func.func @transform_4(%arg0: i32, %arg1: memref<1x24xi32, #tpu.memory_space<smem>>, %arg2: memref<1x24xi32, #tpu.memory_space<smem>>) -> (i32, i32, i32) {
    %get3A = arith.constant 0 : index
    %get3A_0 = arith.index_cast %arg0 : i32 to index
    %get3A_1 = memref.load %arg1[%get3A, %get3A_0] : memref<1x24xi32, #tpu.memory_space<smem>>
    %c0_i32 = arith.constant 0 : i32
    %c0_i32_2 = arith.constant 0 : i32
    %c0_i32_3 = arith.constant 0 : i32
    return %get3A_1, %c0_i32, %c0_i32_2 : i32, i32, i32
  }
  func.func @transform_5(%arg0: i32, %arg1: memref<1x24xi32, #tpu.memory_space<smem>>, %arg2: memref<1x24xi32, #tpu.memory_space<smem>>) -> (i32, i32, i32) {
    %get3A = arith.constant 0 : index
    %get3A_0 = arith.index_cast %arg0 : i32 to index
    %get3A_1 = memref.load %arg1[%get3A, %get3A_0] : memref<1x24xi32, #tpu.memory_space<smem>>
    %c0_i32 = arith.constant 0 : i32
    %c0_i32_2 = arith.constant 0 : i32
    %c0_i32_3 = arith.constant 0 : i32
    return %get3A_1, %c0_i32, %c0_i32_2 : i32, i32, i32
  }
  func.func @transform_6(%arg0: i32, %arg1: memref<1x24xi32, #tpu.memory_space<smem>>, %arg2: memref<1x24xi32, #tpu.memory_space<smem>>) -> (i32, i32, i32) {
    %get3A = arith.constant 0 : index
    %get3A_0 = arith.index_cast %arg0 : i32 to index
    %get3A_1 = memref.load %arg1[%get3A, %get3A_0] : memref<1x24xi32, #tpu.memory_space<smem>>
    %c0_i32 = arith.constant 0 : i32
    %c0_i32_2 = arith.constant 0 : i32
    %c0_i32_3 = arith.constant 0 : i32
    return %get3A_1, %c0_i32, %c0_i32_2 : i32, i32, i32
  }
  func.func @transform_7(%arg0: i32, %arg1: memref<1x24xi32, #tpu.memory_space<smem>>, %arg2: memref<1x24xi32, #tpu.memory_space<smem>>) -> (i32, i32, i32) {
    %get3A = arith.constant 0 : index
    %get3A_0 = arith.index_cast %arg0 : i32 to index
    %get3A_1 = memref.load %arg1[%get3A, %get3A_0] : memref<1x24xi32, #tpu.memory_space<smem>>
    %c0_i32 = arith.constant 0 : i32
    %c0_i32_2 = arith.constant 0 : i32
    %c0_i32_3 = arith.constant 0 : i32
    return %get3A_1, %c0_i32, %c0_i32_2 : i32, i32, i32
  }
  func.func @transform_8(%arg0: i32, %arg1: memref<1x24xi32, #tpu.memory_space<smem>>, %arg2: memref<1x24xi32, #tpu.memory_space<smem>>) -> (i32, i32, i32) {
    %get3A = arith.constant 0 : index
    %get3A_0 = arith.index_cast %arg0 : i32 to index
    %get3A_1 = memref.load %arg1[%get3A, %get3A_0] : memref<1x24xi32, #tpu.memory_space<smem>>
    %c0_i32 = arith.constant 0 : i32
    %c0_i32_2 = arith.constant 0 : i32
    %c0_i32_3 = arith.constant 0 : i32
    return %get3A_1, %c0_i32, %c0_i32_2 : i32, i32, i32
  }
  func.func @transform_9(%arg0: i32, %arg1: memref<1x24xi32, #tpu.memory_space<smem>>, %arg2: memref<1x24xi32, #tpu.memory_space<smem>>) -> (i32, i32, i32) {
    %get3A = arith.constant 0 : index
    %get3A_0 = arith.index_cast %arg0 : i32 to index
    %get3A_1 = memref.load %arg1[%get3A, %get3A_0] : memref<1x24xi32, #tpu.memory_space<smem>>
    %c0_i32 = arith.constant 0 : i32
    %c0_i32_2 = arith.constant 0 : i32
    %c0_i32_3 = arith.constant 0 : i32
    return %get3A_1, %c0_i32, %c0_i32_2 : i32, i32, i32
  }
  func.func @transform_10(%arg0: i32, %arg1: memref<1x24xi32, #tpu.memory_space<smem>>, %arg2: memref<1x24xi32, #tpu.memory_space<smem>>) -> (i32, i32, i32) {
    %get3A = arith.constant 0 : index
    %get3A_0 = arith.index_cast %arg0 : i32 to index
    %get3A_1 = memref.load %arg1[%get3A, %get3A_0] : memref<1x24xi32, #tpu.memory_space<smem>>
    %c0_i32 = arith.constant 0 : i32
    %c0_i32_2 = arith.constant 0 : i32
    %c0_i32_3 = arith.constant 0 : i32
    return %get3A_1, %c0_i32, %c0_i32_2 : i32, i32, i32
  }
  func.func @transform_11(%arg0: i32, %arg1: memref<1x24xi32, #tpu.memory_space<smem>>, %arg2: memref<1x24xi32, #tpu.memory_space<smem>>) -> (i32, i32, i32) {
    %get3A = arith.constant 0 : index
    %get3A_0 = arith.index_cast %arg0 : i32 to index
    %get3A_1 = memref.load %arg1[%get3A, %get3A_0] : memref<1x24xi32, #tpu.memory_space<smem>>
    %c0_i32 = arith.constant 0 : i32
    %c0_i32_2 = arith.constant 0 : i32
    %c0_i32_3 = arith.constant 0 : i32
    return %get3A_1, %c0_i32, %c0_i32_2 : i32, i32, i32
  }
  func.func @transform_12(%arg0: i32, %arg1: memref<1x24xi32, #tpu.memory_space<smem>>, %arg2: memref<1x24xi32, #tpu.memory_space<smem>>) -> (i32, i32, i32) {
    %get3A = arith.constant 0 : index
    %get3A_0 = arith.index_cast %arg0 : i32 to index
    %get3A_1 = memref.load %arg1[%get3A, %get3A_0] : memref<1x24xi32, #tpu.memory_space<smem>>
    %c0_i32 = arith.constant 0 : i32
    %c0_i32_2 = arith.constant 0 : i32
    %c0_i32_3 = arith.constant 0 : i32
    return %get3A_1, %c0_i32, %c0_i32_2 : i32, i32, i32
  }
  func.func @transform_13(%arg0: i32, %arg1: memref<1x24xi32, #tpu.memory_space<smem>>, %arg2: memref<1x24xi32, #tpu.memory_space<smem>>) -> (i32, i32, i32) {
    %get3A = arith.constant 0 : index
    %get3A_0 = arith.index_cast %arg0 : i32 to index
    %get3A_1 = memref.load %arg1[%get3A, %get3A_0] : memref<1x24xi32, #tpu.memory_space<smem>>
    %c0_i32 = arith.constant 0 : i32
    %c0_i32_2 = arith.constant 0 : i32
    %c0_i32_3 = arith.constant 0 : i32
    return %get3A_1, %c0_i32, %c0_i32_2 : i32, i32, i32
  }
  func.func @transform_14(%arg0: i32, %arg1: memref<1x24xi32, #tpu.memory_space<smem>>, %arg2: memref<1x24xi32, #tpu.memory_space<smem>>) -> (i32, i32) {
    %get3A = arith.constant 0 : index
    %get3A_0 = arith.index_cast %arg0 : i32 to index
    %get3A_1 = memref.load %arg2[%get3A, %get3A_0] : memref<1x24xi32, #tpu.memory_space<smem>>
    %eq3A = arith.constant 1 : i32
    %eq3A_2 = arith.cmpi eq, %get3A_1, %eq3A : i32
    %jit3A = arith.constant 23 : i32
    %select_n3A = arith.select %eq3A_2, %arg0, %jit3A : i32
    %c0_i32 = arith.constant 0 : i32
    %c0_i32_3 = arith.constant 0 : i32
    return %select_n3A, %c0_i32 : i32, i32
  }
}

</mosaic_0001>

<sc_bundles>
// kernel: kernel.6.cloned.1.call-start
scs
__scs_entry_jumppad:
0x0: {  	(pc) =	sbr.rel $0x88, $3  }
0x1: {  	(tag) =	ssettag $0x0;
	lr =	simm.s32 $0x1  }
0x2: {  	[smem:$0x3F92] =	sst lr;
	_ =	strace $0xD0000000  }
0x3: {  	_ = 	snop  }
0x4: {  	_ = 	snop  }
0x5: {  	_ = 	snop  }
0x6: {  	_ = 	snop  }
0x7: {  	_ = 	snop  }
__scs_overlays_trampoline_lowered:
0x8: {  	[smem:$0x3FA1] =	sst s0  }
0x9: {  	[smem:$0x3FA2] =	sst s1  }
0xa: {  	[smem:$0x3FA3] =	sst s2  }
0xb: {  	[smem:$0x3FA4] =	sst s3  }
0xc: {  	[smem:$0x3FA5] =	sst s4  }
0xd: {  	[smem:$0x3FA6] =	sst s5  }
0xe: {  	[smem:$0x3FA7] =	sst s6  }
0xf: {  	[smem:$0x3FA8] =	sst s7  }
0x10: {  	[smem:$0x3FA9] =	sst s8  }
0x11: {  	[smem:$0x3FAA] =	sst s9;
	s0 =	simm.s32 @!p0 $0x0  }
0x12: {  	s1 =	sld [smem:$0x3F90];
	s0 =	simm.s32 @p0 $0x1  }
0x13: {  	[smem:$0x3FAB] =	sst s0;
	s0 =	simm.s32 @!p1 $0x0  }
0x14: {  	s2 =	sld [smem:$0x3F8F];
	s0 =	simm.s32 @p1 $0x1  }
0x15: {  	[smem:$0x3FAC] =	sst s0;
	s0 =	simm.s32 @!p2 $0x0  }
0x16: {  	s3 =	sld [smem:$0x3FDB];
	s0 =	simm.s32 @p2 $0x1  }
0x17: {  	s4 =	simm.s32 $0x1BF5;
	[smem:$0x3FAE] =	sst s0  }
0x18: {  	s0 =	sld [smem:$0x3F91];
	_ =	swait.ge [sflag:s4], $0x0  }
0x19: {  	s7 =	sld [smem:$0x3F92]  }
0x1a: {  	s8 =	sadd.s32 $0xFFFFE003, lr  }
0x1b: {  	s9 =	sadd.s32 $0xFFFFFEF7, lr;
	s5 =	simm.s32 $0xFFFFFFFF;
	p2 =	slt.u32 s8, $0xFFFFF086  }
0x1c: {  	p1 =	slt.u32 s9, $0xF7A;
	s5 =	simm.s32 @!p2 $0x0  }
0x1d: {  	s5 =	simm.s32 @p1 $0x1;
	p0 =	seq.s32 s7, s2  }
0x1e: {  	s7 =	smul.u32 @!p0 $0xF7A, s2;
	p2 =	seq.s32 @!p0 s5, $0x0  }
0x1f: {  	s9 =	smul.u32 $0xF7A, s1;
	s8 =	simm.s32 @!p0 $0x1BF5;
	p2 =	por !p2, p0  }
0x20: {  	[sflag:s8] =	ssyncset.s32 @!p0 $0xFFFFF086;
	s6 =	sadd.s32 @!p0 s3, s7;
	s7 =	simm.s32 @!p0 $0x108  }
0x21: {  	s3 =	sadd.s32 s3, s9;
	s6 =	sadd.s32 @!p0 $0x88, s6;
	s7 =	simm.s32 @p2 $0x1082  }
0x22: {  	[simem:s7], [sflag:s8] =	dma.local @!p0 [hbm:s6], $0xF7A  }
0x23: {  	s9 =	sor.u32 $0xD0000000, s2;
	s6 =	simm.s32 $0x108;
	_ =	swait.ge @!p0 [sflag:s8], $0x0  }
0x24: {  	s3 =	sadd.s32 $0x88, s3;
	s6 =	simm.s32 @!p1 $0x1082;
	[sflag:s4] =	ssyncset.s32 $0xFFFFF086  }
0x25: {  	[simem:s6], [sflag:s4] =	dma.local [hbm:s3], $0xF7A  }
0x26: {  	[smem:$0x3F92] =	sst s1;
	(tag) =	ssettag s2;
	_ =	strace s9  }
0x27: {  	s1 =	sld [smem:$0x3FA2]  }
0x28: {  	s2 =	sld [smem:$0x3FA3]  }
0x29: {  	s4 =	sld [smem:$0x3FA5]  }
0x2a: {  	p0 =	seq.s32 s5, $0x0;
	s5 =	sld [smem:$0x3FA6]  }
0x2b: {  	s6 =	sld [smem:$0x3FA7]  }
0x2c: {  	s7 =	sld [smem:$0x3FA8]  }
0x2d: {  	s3 =	simm.s32 $0x108;
	s8 =	sld [smem:$0x3FA9]  }
0x2e: {  	s3 =	simm.s32 @!p0 $0x1082;
	s9 =	sld [smem:$0x3FAA]  }
0x2f: {  	lr =	sadd.s32 s0, s3;
	s0 =	sld [smem:$0x3FA1]  }
0x30: {  	s3 =	sld [smem:$0x3FA4]  }
0x31: {  	[smem:$0x3FAD] =	sst s10  }
0x32: {  	s10 =	sld [smem:$0x3FAB];
	_ =	sdelay $0x3  }
0x33: {  	p0 =	seq.s32 s10, $0x1;
	s10 =	sld [smem:$0x3FAD];
	_ =	sdelay $0x3  }
0x34: {  	[smem:$0x3FAD] =	sst s10  }
0x35: {  	s10 =	sld [smem:$0x3FAC];
	_ =	sdelay $0x3  }
0x36: {  	p1 =	seq.s32 s10, $0x1;
	s10 =	sld [smem:$0x3FAD];
	_ =	sdelay $0x3  }
0x37: {  	[smem:$0x3FAD] =	sst s10  }
0x38: {  	s10 =	sld [smem:$0x3FAE]  }
0x39: {  	_ = 	snop;
	(pc) =	sbr.ind lr, $3  }
0x3a: {  	_ = 	snop  }
0x3b: {  	_ = 	snop  }
0x3c: {  	p2 =	seq.s32 s10, $0x1;
	s10 =	sld [smem:$0x3FAD]  }
0x3d: {  	_ =	shalt  }
0x3e: {  	_ =	shalt  }
0x3f: {  	_ =	shalt  }
0x40: {  	_ =	shalt  }
0x41: {  	_ =	shalt  }
0x42: {  	_ =	shalt  }
0x43: {  	_ =	shalt  }
0x44: {  	_ =	shalt  }
0x45: {  	_ =	shalt  }
0x46: {  	_ =	shalt  }
0x47: {  	_ =	shalt  }
0x48: {  	_ =	shalt  }
0x49: {  	_ =	shalt  }
0x4a: {  	_ =	shalt  }
0x4b: {  	_ =	shalt  }
0x4c: {  	_ =	shalt  }
0x4d: {  	_ =	shalt  }
0x4e: {  	_ =	shalt  }
0x4f: {  	_ =	shalt  }
0x50: {  	_ =	shalt  }
0x51: {  	_ =	shalt  }
0x52: {  	_ =	shalt  }
0x53: {  	_ =	shalt  }
0x54: {  	_ =	shalt  }
0x55: {  	_ =	shalt  }
0x56: {  	_ =	shalt  }
0x57: {  	_ =	shalt  }
0x58: {  	_ =	shalt  }
0x59: {  	_ =	shalt  }
0x5a: {  	_ =	shalt  }
0x5b: {  	_ =	shalt  }
0x5c: {  	_ =	shalt  }
0x5d: {  	_ =	shalt  }
0x5e: {  	_ =	shalt  }
0x5f: {  	_ =	shalt  }
0x60: {  	_ =	shalt  }
0x61: {  	_ =	shalt  }
0x62: {  	_ =	shalt  }
0x63: {  	_ =	shalt  }
0x64: {  	_ =	shalt  }
0x65: {  	_ =	shalt  }
0x66: {  	_ =	shalt  }
0x67: {  	_ =	shalt  }
0x68: {  	_ =	shalt  }
0x69: {  	_ =	shalt  }
0x6a: {  	_ =	shalt  }
0x6b: {  	_ =	shalt  }
0x6c: {  	_ =	shalt  }
0x6d: {  	_ =	shalt  }
0x6e: {  	_ =	shalt  }
0x6f: {  	_ =	shalt  }
0x70: {  	_ =	shalt  }
0x71: {  	_ =	shalt  }
0x72: {  	_ =	shalt  }
0x73: {  	_ =	shalt  }
0x74: {  	_ =	shalt  }
0x75: {  	_ =	shalt  }
0x76: {  	_ =	shalt  }
0x77: {  	_ =	shalt  }
0x78: {  	_ =	shalt  }
0x79: {  	_ =	shalt  }
0x7a: {  	_ =	shalt  }
0x7b: {  	_ =	shalt  }
0x7c: {  	_ =	shalt  }
0x7d: {  	_ =	shalt  }
0x7e: {  	_ =	shalt  }
0x7f: {  	_ =	shalt  }
0x80: {  	_ =	shalt  }
0x81: {  	_ =	shalt  }
0x82: {  	_ =	shalt  }
0x83: {  	_ =	shalt  }
0x84: {  	_ =	shalt  }
0x85: {  	_ =	shalt  }
0x86: {  	_ =	shalt  }
0x87: {  	_ =	shalt  }
.Lfunc_end0:
.L_simem_size_0:
called_computation_lowered:
.L_overlay_start_0:
0x88: {  	s2 =	sld [smem:$0x3FD9]  }
0x89: {  	s3 =	sld [smem:$0x3FFE];
	_ =	sdelay $0x1  }
0x8a: {  	s1 =	srdreg.scid  }
0x8b: {  	s0 =	sand.u32 $0x1, s1  }
0x8c: {  	s14 =	sshll.u32 s0, $0xA;
	s2 =	sadd.s32 s3, s2  }
0x8d: {  	s2 =	sadd.s32 s2, s14  }
0x8e: {  	[smem:$0x3FB9] =	sst s2  }
0x8f: {  	_ = 	snop  }
0x90: {  	s2 =	sld [smem:$0x3FD0];
	_ =	sdelay $0x2  }
0x91: {  	s15 =	simm.s32 $0xA;
	s4 =	simm.s32 $0x10  }
0x92: {  	[smem:s4], [sflag:s15] =	dma.local [hbm:s2], $0x1  }
0x93: {  	_ =	swait.eq [sflag:s15], $0x1  }
0x94: {  	[sflag:s15] =	ssyncset.done $0x0  }
0x95: {  	[sflag:s15] =	ssyncadd.s32 $0xFFFFFFFF  }
0x96: {  	s16 =	sld [smem:$0x10];
	(tm) =	ssettm $0x1  }
0x97: {  	s17 =	sld [smem:$0x3FFB];
	_ =	sdelay $0x3  }
0x98: {  	_ =	strace s17  }
0x99: {  	s3 =	sld [smem:$0x3FFC];
	_ =	sdelay $0x3  }
0x9a: {  	_ =	strace s3  }
0x9b: {  	s3 =	sld [smem:$0x3FFD];
	_ =	sdelay $0x3  }
0x9c: {  	_ =	strace s3  }
0x9d: {  	_ =	strace $0x8FFFFFFF  }
0x9e: {  	s18 =	sld [smem:$0x3FDB];
	_ =	sdelay $0x1  }
0x9f: {  	s19 =	simm.s32 $_scs_section_size  }
0xa0: {  	s5 =	simm.s32 $_size__tile_overlayer_lowered;
	s6 =	simm.s32 $_tile_overlayer_lowered  }
0xa1: {  	s22 =	simm.s32 $0x1BFF;
	s21 =	sshll.u32 s6, $0x1;
	s3 =	sadd.s32 s19, s18  }
0xa2: {  	s7 =	simm.s32 $0x0;
	s20 =	sshll.u32 s5, $0x1;
	s5 =	sadd.s32 s21, s3  }
0xa3: {  	[timem:s7], [sflag:s22] =	dma.local [hbm:s5], s20  }
0xa4: {  	_ =	swait.ge [sflag:s22], s20  }
0xa5: {  	s4 =	ssub.s32 $0x0, s20;
	[sflag:s22] =	ssyncset.done $0x0  }
0xa6: {  	[sflag:s22] =	ssyncadd.s32 s4;
	_ =	sdelay $0x1  }
0xa7: {  	s23 =	simm.s32 $0x1B8B  }
0xa8: {  	_ =	swait.ge [sflag:s23], $0x1  }
0xa9: {  	[sflag:s23] =	ssyncset.done $0x0  }
0xaa: {  	s25 =	simm.s32 $0x1B8E;
	s24 =	sld [smem:$0x3FFE];
	[sflag:s23] =	ssyncadd.s32 $0xFFFFFFFF  }
0xab: {  	s26 =	simm.s32 $execute0_lowered;
	[smem:$0x3FD2] =	sst s25  }
0xac: {  	s5 =	sshll.u32 s26, $0x1;
	_ =	strace $0x80000046;
	[dreg:$0x1] =	wrdreg $0xFFFFFFFF  }
0xad: {  	s28 =	simm.s32 $_size_execute0_lowered;
	s3 =	sadd.s32 s3, s5;
	[dreg:$0x0] =	wrdreg $0x0  }
0xae: {  	s5 =	sshll.u32 s28, $0x1;
	[dreg:$0x2] =	wrdreg s3  }
0xaf: {  	[dreg:$0x3] =	wrdreg s5  }
0xb0: {  	[dreg:$0x4] =	wrdreg $0xC0  }
0xb1: {  	_ =	task [dreg:s7], $0x5FFFF  }
0xb2: {  	[dreg:$0x1] =	wrdreg $0xFFFFFFFF  }
0xb3: {  	[dreg:$0x0] =	wrdreg $0x60  }
0xb4: {  	[dreg:$0x2] =	wrdreg s16  }
0xb5: {  	[dreg:$0x3] =	wrdreg s24  }
0xb6: {  	[dreg:$0x4] =	wrdreg $0x9  }
0xb7: {  	_ =	task.clear_ibuf [dreg:s7], $0x5FFFF;
	_ =	strace $0x90000046  }
0xb8: {  	s29 =	simm.s32 $0x9;
	_ =	strace $0x80000048  }
0xb9: {  	_ =	swait.ge [sflag:s29], $0x1  }
0xba: {  	[sflag:s29] =	ssyncadd.s32 $0xFFFFFFFF  }
0xbb: {  	_ =	strace $0x90000048  }
0xbc: {  	_ =	sfence  }
0xbd: {  	s30 =	sld [smem:$0x0];
	_ =	sdelay $0x2  }
0xbe: {  	s31 =	sshll.u32 s1, $0xD;
	s1 =	sshrl.u32 s1, $0x2  }
0xbf: {  	s3 =	sand.u32 $0x4000, s31;
	s1 =	sadd.s32 s1, s30  }
0xc0: {  	s0 =	sor.u32 s3, s0;
	s1 =	sshll.u32 s1, $0x11  }
0xc1: {  	s0 =	sor.u32 s1, s0  }
0xc2: {  	s0 =	sadd.s32 $0x8F2B, s0  }
0xc3: {  	[sflag:s0] =	ssyncadd.remote.s32 $0x1  }
0xc4: {  	_ =	sfence.sel $0xFFFF  }
0xc5: {  	[dreg:$0x0] =	wrdreg $0xFFFFFFFF;
	(pc) =	sbr.abs _section_cstart, $3  }
0xc6: {  	[dreg:$0x1] =	wrdreg $0xFFFFFFFF  }
0xc7: {  	_ =	task.clear_ibuf [dreg:s7], $0x2FFFF;
	_ =	strace $0x9FFFFFFF  }
0xc8: {  	(tm) =	ssettm $0x7FFFFFFF  }
0xc9: {  	_ =	shalt  }
tec
execute0_lowered:
.L_overlay_start_1:
0x0: {  	(tag) =	ssettag $0x1  }
0x1: {  	s1 =	srdreg.scid;
	s4 =	rddreg [dreg:$0x0]  }
0x2: {  	s0 =	stileid.u32;
	s8 =	rddreg [dreg:$0x1]  }
0x3: {  	s10 =	simm.s32 $0x2;
	s11 =	simm.s32 $0xA000;
	s12 =	simm.s32 $0xA080  }
0x4: {  	s13 =	simm.s32 $0x6000;
	s14 =	simm.s32 $0x8000;
	s15 =	simm.s32 $0x800  }
0x5: {  	s16 =	simm.s32 $0xC00;
	s17 =	simm.s32 $0x1400;
	s18 =	simm.s32 $0x1800  }
0x6: {  	s19 =	simm.s32 $0x2000;
	s20 =	simm.s32 $0x2400;
	s21 =	simm.s32 $0x2C00  }
0x7: {  	s22 =	simm.s32 $0x3000;
	s23 =	simm.s32 $0x3800;
	s24 =	simm.s32 $0x3C00  }
0x8: {  	s25 =	simm.s32 $0x4400;
	s28 =	simm.s32 $0x5000;
	s29 =	simm.s32 $0x5400  }
0x9: {  	s30 =	simm.s32 $0x5C00;
	s31 =	simm.s32 $0x40;
	s1 =	sand.u32 $0x1, s1  }
0xa: {  	s2 =	sshll.u32 s0, $0x7;
	s3 =	sshll.u32 s1, $0x6;
	s1 =	ssub.s32 $0x2, s1  }
0xb: {  	s3 =	sor.u32 s3, s2;
	s2 =	simm.s32 $0x0;
	s26 =	sshrl.u32 s1, $0x1  }
0xc: {  	s5 =	sshrl.u32 s3, $0x3;
	[smem:$0x7FF] =	sst s2;
	s3 =	sshll.u32 s3, $0x4  }
0xd: {  	s1 =	ssub.s32 s1, s26;
	s26 =	simm.s32 $0x4800;
	s6 =	smul.u32 $0x180, s5  }
0xe: {  	_ =	strace $0x80000047;
	s5 =	sadd.s32 s5, s8;
	s7 =	sadd.s32 s3, s8  }
0xf: {  	s3 =	sadd.s32 $0x12600, s8;
	s9 =	sadd.s32 $0x12200, s5;
	s5 =	sadd.s32 $0x12400, s5  }
0x10: {  	v2 =	vlaneseq.u32;
	s4 =	sadd.s32 s4, s6;
	[dreg:$0x4] =	wrdreg s9;
	s6 =	sadd.s32 $0x2200, s7  }
0x11: {  	vm0 =	vmmov $0xffff;
	vm1 =	vmmov $0xff;
	v1 =	vshrl.u32 v2, $0x3;
	s7 =	sadd.s32 $0xA200, s7;
	s9 =	smax.u32 s1, $0x1;
	s1 =	simm.s32 $0x1  }
0x12: {  	v0 =	vand.u32 $0x7, v2;
	v2 =	vor.u32 $0x8, v2;
	v1 =	vmul.u32 $0x8, v1;
	[dreg:$0x3] =	wrdreg s4;
	s4 =	sadd.s32 $0x5A600, s8;
	s8 =	sadd.s32 $0x12700, s8  }
.LBB2_1:
0x13: {  	s0 =	rddreg [dreg:$0x3]  }
0x14: {  	[tilespmem:s2], [sflag:$0x2] =	stream.linear.gather [hbm4b:s0+s2], $0x6000, $0x38;
	[tilespmem:$0xA100] =	vst v63  }
0x15: {  	_ =	swait.ge [sflag:s10], $0x6000  }
0x16: {  	[sflag:s10] =	ssyncset.done $0x0  }
0x17: {  	s0 =	rddreg [dreg:$0x4];
	[sflag:s10] =	ssyncadd.s32 $0xFFFFA000  }
0x18: {  	[tilespmem:s11], [sflag:$0x2] =	stream.linear.gather [hbm4b:s0+s2], $0x40, $0x38;
	[tilespmem:$0xA100] =	vst v63  }
0x19: {  	_ =	swait.ge [sflag:s10], $0x40  }
0x1a: {  	[sflag:s10] =	ssyncset.done $0x0  }
0x1b: {  	[sflag:s10] =	ssyncadd.s32 $0xFFFFFFC0  }
0x1c: {  	[tilespmem:s12], [sflag:$0x2] =	stream.linear.gather [hbm4b:s5+s2], $0x40, $0x38;
	[tilespmem:$0xA100] =	vst v63  }
0x1d: {  	_ =	swait.ge [sflag:s10], $0x40  }
0x1e: {  	[sflag:s10] =	ssyncset.done $0x0  }
0x1f: {  	[sflag:s10] =	ssyncadd.s32 $0xFFFFFFC0  }
0x20: {  	[tilespmem:s13], [sflag:$0x2] =	stream.linear.gather [hbm4b:s6+s2], $0x2000, $0x38;
	[tilespmem:$0xA100] =	vst v63  }
0x21: {  	_ =	swait.ge [sflag:s10], $0x2000  }
0x22: {  	[sflag:s10] =	ssyncset.done $0x0  }
0x23: {  	[sflag:s10] =	ssyncadd.s32 $0xFFFFE000  }
0x24: {  	[tilespmem:s14], [sflag:$0x2] =	stream.linear.gather [hbm4b:s7+s2], $0x2000, $0x38;
	[tilespmem:$0xA100] =	vst v63  }
0x25: {  	_ =	swait.ge [sflag:s10], $0x2000  }
0x26: {  	[sflag:s10] =	ssyncset.done $0x0  }
0x27: {  	[sflag:s10] =	ssyncadd.s32 $0xFFFFE000  }
0x28: {  	v3 =	vld [tilespmem:$0xA000];
	_ =	sdelay $0x4  }
0x29: {  	v4 =	vshrl.u32 v3, $0x3  }
0x2a: {  	v4 =	vmul.u32 $0x18, v4  }
0x2b: {  	v3 =	vand.u32 $0x7, v3  }
0x2c: {  	v3 =	vor.u32 v3, v4  }
0x2d: {  	v4 =	vperm.xlane v3, v0;
	_ =	sdelay $0x1  }
0x2e: {  	v4 =	vadd.s32 v1, v4;
	_ =	sdelay $0x1  }
0x2f: {  	v3 =	vperm.xlane v3, v2;
	_ =	sdelay $0x1  }
0x30: {  	v3 =	vadd.s32 v1, v3  }
0x31: {  	[hbm4b:s3+s2] =	stream.indirect_vreg.scatter [tilespmem:s2], [sflag:$0x1], $0x80, v4, vm0, $0xb8;
	[tilespmem:$0xA100] =	vst v63  }
0x32: {  	_ = 	snop  }
0x33: {  	[hbm4b:s8+s2] =	stream.indirect_vreg.scatter [tilespmem:s15], [sflag:$0x1], $0x80, v4, vm1, $0xb8;
	[tilespmem:$0xA100] =	vst v63  }
0x34: {  	_ = 	snop  }
0x35: {  	[hbm4b:s3+s2] =	stream.indirect_vreg.scatter [tilespmem:s16], [sflag:$0x1], $0x80, v3, vm0, $0xb8;
	[tilespmem:$0xA100] =	vst v63  }
0x36: {  	_ = 	snop  }
0x37: {  	[hbm4b:s8+s2] =	stream.indirect_vreg.scatter [tilespmem:s17], [sflag:$0x1], $0x80, v3, vm1, $0xb8;
	[tilespmem:$0xA100] =	vst v63  }
0x38: {  	v3 =	vld [tilespmem:$0xA010];
	_ =	sdelay $0x4  }
0x39: {  	v57 =	vshrl.u32 v3, $0x3  }
0x3a: {  	v4 =	vmul.u32 $0x18, v57  }
0x3b: {  	v3 =	vand.u32 $0x7, v3  }
0x3c: {  	v3 =	vor.u32 v3, v4  }
0x3d: {  	v4 =	vperm.xlane v3, v0;
	_ =	sdelay $0x1  }
0x3e: {  	v4 =	vadd.s32 v1, v4;
	_ =	sdelay $0x1  }
0x3f: {  	v3 =	vperm.xlane v3, v2;
	_ =	sdelay $0x1  }
0x40: {  	v3 =	vadd.s32 v1, v3  }
0x41: {  	[hbm4b:s3+s2] =	stream.indirect_vreg.scatter [tilespmem:s18], [sflag:$0x1], $0x80, v4, vm0, $0xb8;
	[tilespmem:$0xA100] =	vst v63  }
0x42: {  	_ = 	snop  }
0x43: {  	[hbm4b:s8+s2] =	stream.indirect_vreg.scatter [tilespmem:s19], [sflag:$0x1], $0x80, v4, vm1, $0xb8;
	[tilespmem:$0xA100] =	vst v63  }
0x44: {  	_ = 	snop  }
0x45: {  	[hbm4b:s3+s2] =	stream.indirect_vreg.scatter [tilespmem:s20], [sflag:$0x1], $0x80, v3, vm0, $0xb8;
	[tilespmem:$0xA100] =	vst v63  }
0x46: {  	_ = 	snop  }
0x47: {  	[hbm4b:s8+s2] =	stream.indirect_vreg.scatter [tilespmem:s21], [sflag:$0x1], $0x80, v3, vm1, $0xb8;
	[tilespmem:$0xA100] =	vst v63  }
0x48: {  	v3 =	vld [tilespmem:$0xA020];
	_ =	sdelay $0x4  }
0x49: {  	v58 =	vshrl.u32 v3, $0x3  }
0x4a: {  	v4 =	vmul.u32 $0x18, v58  }
0x4b: {  	v3 =	vand.u32 $0x7, v3  }
0x4c: {  	v3 =	vor.u32 v3, v4  }
0x4d: {  	v4 =	vperm.xlane v3, v0;
	_ =	sdelay $0x1  }
0x4e: {  	v4 =	vadd.s32 v1, v4;
	_ =	sdelay $0x1  }
0x4f: {  	v3 =	vperm.xlane v3, v2;
	_ =	sdelay $0x1  }
0x50: {  	v3 =	vadd.s32 v1, v3  }
0x51: {  	[hbm4b:s3+s2] =	stream.indirect_vreg.scatter [tilespmem:s22], [sflag:$0x1], $0x80, v4, vm0, $0xb8;
	[tilespmem:$0xA100] =	vst v63  }
0x52: {  	_ = 	snop  }
0x53: {  	[hbm4b:s8+s2] =	stream.indirect_vreg.scatter [tilespmem:s23], [sflag:$0x1], $0x80, v4, vm1, $0xb8;
	[tilespmem:$0xA100] =	vst v63  }
0x54: {  	_ = 	snop  }
0x55: {  	[hbm4b:s3+s2] =	stream.indirect_vreg.scatter [tilespmem:s24], [sflag:$0x1], $0x80, v3, vm0, $0xb8;
	[tilespmem:$0xA100] =	vst v63  }
0x56: {  	_ = 	snop  }
0x57: {  	[hbm4b:s8+s2] =	stream.indirect_vreg.scatter [tilespmem:s25], [sflag:$0x1], $0x80, v3, vm1, $0xb8;
	[tilespmem:$0xA100] =	vst v63  }
0x58: {  	v3 =	vld [tilespmem:$0xA030];
	_ =	sdelay $0x4  }
0x59: {  	v59 =	vshrl.u32 v3, $0x3  }
0x5a: {  	v4 =	vmul.u32 $0x18, v59  }
0x5b: {  	v3 =	vand.u32 $0x7, v3  }
0x5c: {  	v3 =	vor.u32 v3, v4  }
0x5d: {  	v4 =	vperm.xlane v3, v0;
	_ =	sdelay $0x1  }
0x5e: {  	v4 =	vadd.s32 v1, v4;
	_ =	sdelay $0x1  }
0x5f: {  	v3 =	vperm.xlane v3, v2;
	_ =	sdelay $0x1  }
0x60: {  	v3 =	vadd.s32 v1, v3  }
0x61: {  	[hbm4b:s3+s2] =	stream.indirect_vreg.scatter [tilespmem:s26], [sflag:$0x1], $0x80, v4, vm0, $0xb8;
	[tilespmem:$0xA100] =	vst v63  }
0x62: {  	_ = 	snop  }
0x63: {  	[hbm4b:s8+s2] =	stream.indirect_vreg.scatter [tilespmem:s28], [sflag:$0x1], $0x80, v4, vm1, $0xb8;
	[tilespmem:$0xA100] =	vst v63  }
0x64: {  	_ = 	snop  }
0x65: {  	[hbm4b:s3+s2] =	stream.indirect_vreg.scatter [tilespmem:s29], [sflag:$0x1], $0x80, v3, vm0, $0xb8;
	[tilespmem:$0xA100] =	vst v63  }
0x66: {  	_ = 	snop  }
0x67: {  	[hbm4b:s8+s2] =	stream.indirect_vreg.scatter [tilespmem:s30], [sflag:$0x1], $0x80, v3, vm1, $0xb8;
	[tilespmem:$0xA100] =	vst v63  }
0x68: {  	v3 =	vld [tilespmem:$0xA080];
	_ =	sdelay $0x4  }
0x69: {  	v60 =	vshrl.u32 v3, $0x3  }
0x6a: {  	v4 =	vmul.u32 $0x18, v60  }
0x6b: {  	v3 =	vand.u32 $0x7, v3  }
0x6c: {  	v3 =	vor.u32 v3, v4  }
0x6d: {  	v4 =	vperm.xlane v3, v0;
	_ =	sdelay $0x1  }
0x6e: {  	v4 =	vadd.s32 v1, v4;
	_ =	sdelay $0x1  }
0x6f: {  	v3 =	vperm.xlane v3, v2;
	_ =	sdelay $0x1  }
0x70: {  	v3 =	vadd.s32 v1, v3  }
0x71: {  	[hbm4b:s3+s2] =	stream.indirect_vreg.scatter [tilespmem:s2], [sflag:$0x1], $0x80, v4, vm0, $0xb8;
	[tilespmem:$0xA100] =	vst v63  }
0x72: {  	_ = 	snop  }
0x73: {  	[hbm4b:s8+s2] =	stream.indirect_vreg.scatter [tilespmem:s15], [sflag:$0x1], $0x80, v4, vm1, $0xb8;
	[tilespmem:$0xA100] =	vst v63  }
0x74: {  	_ = 	snop  }
0x75: {  	[hbm4b:s3+s2] =	stream.indirect_vreg.scatter [tilespmem:s16], [sflag:$0x1], $0x80, v3, vm0, $0xb8;
	[tilespmem:$0xA100] =	vst v63  }
0x76: {  	_ = 	snop  }
0x77: {  	[hbm4b:s8+s2] =	stream.indirect_vreg.scatter [tilespmem:s17], [sflag:$0x1], $0x80, v3, vm1, $0xb8;
	[tilespmem:$0xA100] =	vst v63  }
0x78: {  	v3 =	vld [tilespmem:$0xA090];
	_ =	sdelay $0x4  }
0x79: {  	v61 =	vshrl.u32 v3, $0x3  }
0x7a: {  	v4 =	vmul.u32 $0x18, v61  }
0x7b: {  	v3 =	vand.u32 $0x7, v3  }
0x7c: {  	v3 =	vor.u32 v3, v4  }
0x7d: {  	v4 =	vperm.xlane v3, v0;
	_ =	sdelay $0x1  }
0x7e: {  	v4 =	vadd.s32 v1, v4;
	_ =	sdelay $0x1  }
0x7f: {  	v3 =	vperm.xlane v3, v2;
	_ =	sdelay $0x1  }
0x80: {  	v3 =	vadd.s32 v1, v3  }
0x81: {  	[hbm4b:s3+s2] =	stream.indirect_vreg.scatter [tilespmem:s18], [sflag:$0x1], $0x80, v4, vm0, $0xb8;
	[tilespmem:$0xA100] =	vst v63  }
0x82: {  	_ = 	snop  }
0x83: {  	[hbm4b:s8+s2] =	stream.indirect_vreg.scatter [tilespmem:s19], [sflag:$0x1], $0x80, v4, vm1, $0xb8;
	[tilespmem:$0xA100] =	vst v63  }
0x84: {  	_ = 	snop  }
0x85: {  	[hbm4b:s3+s2] =	stream.indirect_vreg.scatter [tilespmem:s20], [sflag:$0x1], $0x80, v3, vm0, $0xb8;
	[tilespmem:$0xA100] =	vst v63  }
0x86: {  	_ = 	snop  }
0x87: {  	[hbm4b:s8+s2] =	stream.indirect_vreg.scatter [tilespmem:s21], [sflag:$0x1], $0x80, v3, vm1, $0xb8;
	[tilespmem:$0xA100] =	vst v63  }
0x88: {  	v3 =	vld [tilespmem:$0xA0A0];
	_ =	sdelay $0x4  }
0x89: {  	v62 =	vshrl.u32 v3, $0x3  }
0x8a: {  	v4 =	vmul.u32 $0x18, v62  }
0x8b: {  	v3 =	vand.u32 $0x7, v3  }
0x8c: {  	v3 =	vor.u32 v3, v4  }
0x8d: {  	v4 =	vperm.xlane v3, v0;
	_ =	sdelay $0x1  }
0x8e: {  	v4 =	vadd.s32 v1, v4;
	_ =	sdelay $0x1  }
0x8f: {  	v3 =	vperm.xlane v3, v2;
	_ =	sdelay $0x1  }
0x90: {  	v3 =	vadd.s32 v1, v3  }
0x91: {  	[hbm4b:s3+s2] =	stream.indirect_vreg.scatter [tilespmem:s22], [sflag:$0x1], $0x80, v4, vm0, $0xb8;
	[tilespmem:$0xA100] =	vst v63  }
0x92: {  	_ = 	snop  }
0x93: {  	[hbm4b:s8+s2] =	stream.indirect_vreg.scatter [tilespmem:s23], [sflag:$0x1], $0x80, v4, vm1, $0xb8;
	[tilespmem:$0xA100] =	vst v63  }
0x94: {  	_ = 	snop  }
0x95: {  	[hbm4b:s3+s2] =	stream.indirect_vreg.scatter [tilespmem:s24], [sflag:$0x1], $0x80, v3, vm0, $0xb8;
	[tilespmem:$0xA100] =	vst v63  }
0x96: {  	_ = 	snop  }
0x97: {  	[hbm4b:s8+s2] =	stream.indirect_vreg.scatter [tilespmem:s25], [sflag:$0x1], $0x80, v3, vm1, $0xb8;
	[tilespmem:$0xA100] =	vst v63  }
0x98: {  	v3 =	vld [tilespmem:$0xA0B0];
	_ =	sdelay $0x4  }
0x99: {  	v63 =	vshrl.u32 v3, $0x3  }
0x9a: {  	v4 =	vmul.u32 $0x18, v63  }
0x9b: {  	v3 =	vand.u32 $0x7, v3  }
0x9c: {  	v3 =	vor.u32 v3, v4  }
0x9d: {  	v4 =	vperm.xlane v3, v0;
	_ =	sdelay $0x1  }
0x9e: {  	v4 =	vadd.s32 v1, v4;
	_ =	sdelay $0x1  }
0x9f: {  	v3 =	vperm.xlane v3, v2;
	_ =	sdelay $0x1  }
0xa0: {  	v3 =	vadd.s32 v1, v3  }
0xa1: {  	[hbm4b:s3+s2] =	stream.indirect_vreg.scatter [tilespmem:s26], [sflag:$0x1], $0x80, v4, vm0, $0xb8;
	[tilespmem:$0xA100] =	vst v63  }
0xa2: {  	_ = 	snop  }
0xa3: {  	[hbm4b:s8+s2] =	stream.indirect_vreg.scatter [tilespmem:s28], [sflag:$0x1], $0x80, v4, vm1, $0xb8;
	[tilespmem:$0xA100] =	vst v63  }
0xa4: {  	_ = 	snop  }
0xa5: {  	[hbm4b:s3+s2] =	stream.indirect_vreg.scatter [tilespmem:s29], [sflag:$0x1], $0x80, v3, vm0, $0xb8;
	[tilespmem:$0xA100] =	vst v63  }
0xa6: {  	_ = 	snop  }
0xa7: {  	[hbm4b:s8+s2] =	stream.indirect_vreg.scatter [tilespmem:s30], [sflag:$0x1], $0x80, v3, vm1, $0xb8;
	[tilespmem:$0xA100] =	vst v63  }
0xa8: {  	_ = 	snop  }
0xa9: {  	[hbm4b:s4+s31] =	stream.indirect.scatter [tilespmem:s13], [sflag:$0x1], $0x80, s11, s31, $0xb8;
	[tilespmem:$0xA100] =	vst v63  }
0xaa: {  	_ = 	snop  }
0xab: {  	[hbm4b:s4+s31] =	stream.indirect.scatter [tilespmem:s14], [sflag:$0x1], $0x80, s12, s31, $0xb8;
	[tilespmem:$0xA100] =	vst v63  }
0xac: {  	_ =	swait.ge [sflag:s1], $0x6000  }
0xad: {  	[sflag:s1] =	ssyncset.done $0x0  }
0xae: {  	[sflag:s1] =	ssyncadd.s32 $0xFFFFA000  }
0xaf: {  	_ =	swait.ge [sflag:s1], $0x6000  }
0xb0: {  	[sflag:s1] =	ssyncset.done $0x0  }
0xb1: {  	[sflag:s1] =	ssyncadd.s32 $0xFFFFA000  }
0xb2: {  	p0 =	sne.s32 s9, $0x1;
	_ =	swait.ge [sflag:s1], $0x2000  }
.Ltmp0:
0xb3: {  	[sflag:s1] =	ssyncset.done $0x0;
	(pc) =	sbr.rel @p0 .LBB2_1-.Ltmp0, $4  }
0xb4: {  	[sflag:s1] =	ssyncadd.s32 $0xFFFFE000  }
0xb5: {  	_ =	swait.ge [sflag:s1], $0x2000  }
0xb6: {  	[sflag:s1] =	ssyncset.done $0x0  }
0xb7: {  	s9 =	sadd.s32 $0xFFFFFFFF, s9;
	[sflag:s1] =	ssyncadd.s32 $0xFFFFE000  }
0xb8: {  	_ =	sfence.sel $0x180000  }
0xb9: {  	[bflag:$0x0] =	sbarrier.arrive $0xFFFF  }
0xba: {  	_ =	strace $0x90000047  }
0xbb: {  	s0 =	stileid.u32;
	[bflag:$0x2] =	sbarrier.arrive $0xFFFF  }
0xbc: {  	p0 =	sne.s32 s0, $0x0;
	s0 =	rddreg [dreg:$0x2]  }
0xbd: {  	s0 =	sadd.s32 @!p0 $0x100000, s0  }
0xbe: {  	[sflag:s0] =	ssyncadd.tile.s32 @!p0 $0x1;
	_ =	shalt  }
.Lfunc_end2:
_tile_overlayer_lowered:
.L_overlay_start_2:
0xbf: {  	(tag) =	ssettag $0x2  }
0xc0: {  	s0 =	rddreg [dreg:$0x0];
	s2 =	stileid.u32  }
0xc1: {  	s1 =	rddreg [dreg:$0x1];
	p0 =	sne.s32 s2, $0x0  }
0xc2: {  	s3 =	rddreg [dreg:$0x2];
	[bflag:$0x3] =	sbarrier.arrive $0xFFFF;
	s2 =	simm.s32 @!p0 $0x1C02  }
0xc3: {  	[timem:s3], [sflag:s2] =	dma.local @!p0 [hbm:s0], s1  }
0xc4: {  	s0 =	simm.s32 @!p0 $0x2  }
0xc5: {  	_ =	swait.ge @!p0 [sflag:s0], s1  }
0xc6: {  	s1 =	ssub.s32 @!p0 $0x0, s1;
	[sflag:s0] =	ssyncset.done @!p0 $0x0  }
0xc7: {  	[sflag:s0] =	ssyncadd.s32 @!p0 s1  }
0xc8: {  	[bflag:$0x3] =	sbarrier.arrive $0xFFFF  }
0xc9: {  	_ =	shalt  }

// kernel: kernel.9.cloned.1.call-start
scs
__scs_entry_jumppad:
0x0: {  	(pc) =	sbr.rel $0x88, $3  }
0x1: {  	(tag) =	ssettag $0x0;
	lr =	simm.s32 $0x1  }
0x2: {  	[smem:$0x3F92] =	sst lr;
	_ =	strace $0xD0000000  }
0x3: {  	_ = 	snop  }
0x4: {  	_ = 	snop  }
0x5: {  	_ = 	snop  }
0x6: {  	_ = 	snop  }
0x7: {  	_ = 	snop  }
__scs_overlays_trampoline_lowered:
0x8: {  	[smem:$0x3FA1] =	sst s0  }
0x9: {  	[smem:$0x3FA2] =	sst s1  }
0xa: {  	[smem:$0x3FA3] =	sst s2  }
0xb: {  	[smem:$0x3FA4] =	sst s3  }
0xc: {  	[smem:$0x3FA5] =	sst s4  }
0xd: {  	[smem:$0x3FA6] =	sst s5  }
0xe: {  	[smem:$0x3FA7] =	sst s6  }
0xf: {  	[smem:$0x3FA8] =	sst s7  }
0x10: {  	[smem:$0x3FA9] =	sst s8  }
0x11: {  	[smem:$0x3FAA] =	sst s9;
	s0 =	simm.s32 @!p0 $0x0  }
0x12: {  	s1 =	sld [smem:$0x3F90];
	s0 =	simm.s32 @p0 $0x1  }
0x13: {  	[smem:$0x3FAB] =	sst s0;
	s0 =	simm.s32 @!p1 $0x0  }
0x14: {  	s2 =	sld [smem:$0x3F8F];
	s0 =	simm.s32 @p1 $0x1  }
0x15: {  	[smem:$0x3FAC] =	sst s0;
	s0 =	simm.s32 @!p2 $0x0  }
0x16: {  	s3 =	sld [smem:$0x3FDB];
	s0 =	simm.s32 @p2 $0x1  }
0x17: {  	s4 =	simm.s32 $0x1BF5;
	[smem:$0x3FAE] =	sst s0  }
0x18: {  	s0 =	sld [smem:$0x3F91];
	_ =	swait.ge [sflag:s4], $0x0  }
0x19: {  	s7 =	sld [smem:$0x3F92]  }
0x1a: {  	s8 =	sadd.s32 $0xFFFFE003, lr  }
0x1b: {  	s9 =	sadd.s32 $0xFFFFFEF7, lr;
	s5 =	simm.s32 $0xFFFFFFFF;
	p2 =	slt.u32 s8, $0xFFFFF086  }
0x1c: {  	p1 =	slt.u32 s9, $0xF7A;
	s5 =	simm.s32 @!p2 $0x0  }
0x1d: {  	s5 =	simm.s32 @p1 $0x1;
	p0 =	seq.s32 s7, s2  }
0x1e: {  	s7 =	smul.u32 @!p0 $0xF7A, s2;
	p2 =	seq.s32 @!p0 s5, $0x0  }
0x1f: {  	s9 =	smul.u32 $0xF7A, s1;
	s8 =	simm.s32 @!p0 $0x1BF5;
	p2 =	por !p2, p0  }
0x20: {  	[sflag:s8] =	ssyncset.s32 @!p0 $0xFFFFF086;
	s6 =	sadd.s32 @!p0 s3, s7;
	s7 =	simm.s32 @!p0 $0x108  }
0x21: {  	s3 =	sadd.s32 s3, s9;
	s6 =	sadd.s32 @!p0 $0x88, s6;
	s7 =	simm.s32 @p2 $0x1082  }
0x22: {  	[simem:s7], [sflag:s8] =	dma.local @!p0 [hbm:s6], $0xF7A  }
0x23: {  	s9 =	sor.u32 $0xD0000000, s2;
	s6 =	simm.s32 $0x108;
	_ =	swait.ge @!p0 [sflag:s8], $0x0  }
0x24: {  	s3 =	sadd.s32 $0x88, s3;
	s6 =	simm.s32 @!p1 $0x1082;
	[sflag:s4] =	ssyncset.s32 $0xFFFFF086  }
0x25: {  	[simem:s6], [sflag:s4] =	dma.local [hbm:s3], $0xF7A  }
0x26: {  	[smem:$0x3F92] =	sst s1;
	(tag) =	ssettag s2;
	_ =	strace s9  }
0x27: {  	s1 =	sld [smem:$0x3FA2]  }
0x28: {  	s2 =	sld [smem:$0x3FA3]  }
0x29: {  	s4 =	sld [smem:$0x3FA5]  }
0x2a: {  	p0 =	seq.s32 s5, $0x0;
	s5 =	sld [smem:$0x3FA6]  }
0x2b: {  	s6 =	sld [smem:$0x3FA7]  }
0x2c: {  	s7 =	sld [smem:$0x3FA8]  }
0x2d: {  	s3 =	simm.s32 $0x108;
	s8 =	sld [smem:$0x3FA9]  }
0x2e: {  	s3 =	simm.s32 @!p0 $0x1082;
	s9 =	sld [smem:$0x3FAA]  }
0x2f: {  	lr =	sadd.s32 s0, s3;
	s0 =	sld [smem:$0x3FA1]  }
0x30: {  	s3 =	sld [smem:$0x3FA4]  }
0x31: {  	[smem:$0x3FAD] =	sst s10  }
0x32: {  	s10 =	sld [smem:$0x3FAB];
	_ =	sdelay $0x3  }
0x33: {  	p0 =	seq.s32 s10, $0x1;
	s10 =	sld [smem:$0x3FAD];
	_ =	sdelay $0x3  }
0x34: {  	[smem:$0x3FAD] =	sst s10  }
0x35: {  	s10 =	sld [smem:$0x3FAC];
	_ =	sdelay $0x3  }
0x36: {  	p1 =	seq.s32 s10, $0x1;
	s10 =	sld [smem:$0x3FAD];
	_ =	sdelay $0x3  }
0x37: {  	[smem:$0x3FAD] =	sst s10  }
0x38: {  	s10 =	sld [smem:$0x3FAE]  }
0x39: {  	_ = 	snop;
	(pc) =	sbr.ind lr, $3  }
0x3a: {  	_ = 	snop  }
0x3b: {  	_ = 	snop  }
0x3c: {  	p2 =	seq.s32 s10, $0x1;
	s10 =	sld [smem:$0x3FAD]  }
0x3d: {  	_ =	shalt  }
0x3e: {  	_ =	shalt  }
0x3f: {  	_ =	shalt  }
0x40: {  	_ =	shalt  }
0x41: {  	_ =	shalt  }
0x42: {  	_ =	shalt  }
0x43: {  	_ =	shalt  }
0x44: {  	_ =	shalt  }
0x45: {  	_ =	shalt  }
0x46: {  	_ =	shalt  }
0x47: {  	_ =	shalt  }
0x48: {  	_ =	shalt  }
0x49: {  	_ =	shalt  }
0x4a: {  	_ =	shalt  }
0x4b: {  	_ =	shalt  }
0x4c: {  	_ =	shalt  }
0x4d: {  	_ =	shalt  }
0x4e: {  	_ =	shalt  }
0x4f: {  	_ =	shalt  }
0x50: {  	_ =	shalt  }
0x51: {  	_ =	shalt  }
0x52: {  	_ =	shalt  }
0x53: {  	_ =	shalt  }
0x54: {  	_ =	shalt  }
0x55: {  	_ =	shalt  }
0x56: {  	_ =	shalt  }
0x57: {  	_ =	shalt  }
0x58: {  	_ =	shalt  }
0x59: {  	_ =	shalt  }
0x5a: {  	_ =	shalt  }
0x5b: {  	_ =	shalt  }
0x5c: {  	_ =	shalt  }
0x5d: {  	_ =	shalt  }
0x5e: {  	_ =	shalt  }
0x5f: {  	_ =	shalt  }
0x60: {  	_ =	shalt  }
0x61: {  	_ =	shalt  }
0x62: {  	_ =	shalt  }
0x63: {  	_ =	shalt  }
0x64: {  	_ =	shalt  }
0x65: {  	_ =	shalt  }
0x66: {  	_ =	shalt  }
0x67: {  	_ =	shalt  }
0x68: {  	_ =	shalt  }
0x69: {  	_ =	shalt  }
0x6a: {  	_ =	shalt  }
0x6b: {  	_ =	shalt  }
0x6c: {  	_ =	shalt  }
0x6d: {  	_ =	shalt  }
0x6e: {  	_ =	shalt  }
0x6f: {  	_ =	shalt  }
0x70: {  	_ =	shalt  }
0x71: {  	_ =	shalt  }
0x72: {  	_ =	shalt  }
0x73: {  	_ =	shalt  }
0x74: {  	_ =	shalt  }
0x75: {  	_ =	shalt  }
0x76: {  	_ =	shalt  }
0x77: {  	_ =	shalt  }
0x78: {  	_ =	shalt  }
0x79: {  	_ =	shalt  }
0x7a: {  	_ =	shalt  }
0x7b: {  	_ =	shalt  }
0x7c: {  	_ =	shalt  }
0x7d: {  	_ =	shalt  }
0x7e: {  	_ =	shalt  }
0x7f: {  	_ =	shalt  }
0x80: {  	_ =	shalt  }
0x81: {  	_ =	shalt  }
0x82: {  	_ =	shalt  }
0x83: {  	_ =	shalt  }
0x84: {  	_ =	shalt  }
0x85: {  	_ =	shalt  }
0x86: {  	_ =	shalt  }
0x87: {  	_ =	shalt  }
.Lfunc_end0:
.L_simem_size_0:
called_computation.1_lowered:
.L_overlay_start_0:
0x88: {  	s2 =	sld [smem:$0x3FD9]  }
0x89: {  	s3 =	sld [smem:$0x3FFE];
	_ =	sdelay $0x1  }
0x8a: {  	s1 =	srdreg.scid  }
0x8b: {  	s0 =	sand.u32 $0x1, s1  }
0x8c: {  	s14 =	sshll.u32 s0, $0xA;
	s2 =	sadd.s32 s3, s2  }
0x8d: {  	s2 =	sadd.s32 s2, s14  }
0x8e: {  	[smem:$0x3FB9] =	sst s2  }
0x8f: {  	_ = 	snop  }
0x90: {  	s2 =	sld [smem:$0x3FD0];
	_ =	sdelay $0x2  }
0x91: {  	s15 =	simm.s32 $0xA;
	s4 =	simm.s32 $0x10  }
0x92: {  	[smem:s4], [sflag:s15] =	dma.local [hbm:s2], $0x1  }
0x93: {  	_ =	swait.eq [sflag:s15], $0x1  }
0x94: {  	[sflag:s15] =	ssyncset.done $0x0  }
0x95: {  	[sflag:s15] =	ssyncadd.s32 $0xFFFFFFFF  }
0x96: {  	s16 =	sld [smem:$0x10];
	(tm) =	ssettm $0x1  }
0x97: {  	s17 =	sld [smem:$0x3FFB];
	_ =	sdelay $0x3  }
0x98: {  	_ =	strace s17  }
0x99: {  	s3 =	sld [smem:$0x3FFC];
	_ =	sdelay $0x3  }
0x9a: {  	_ =	strace s3  }
0x9b: {  	s3 =	sld [smem:$0x3FFD];
	_ =	sdelay $0x3  }
0x9c: {  	_ =	strace s3  }
0x9d: {  	_ =	strace $0x8FFFFFFF  }
0x9e: {  	s18 =	sld [smem:$0x3FDB];
	_ =	sdelay $0x1  }
0x9f: {  	s19 =	simm.s32 $_scs_section_size  }
0xa0: {  	s5 =	simm.s32 $_size__tile_overlayer_lowered;
	s6 =	simm.s32 $_tile_overlayer_lowered  }
0xa1: {  	s22 =	simm.s32 $0x1BFF;
	s21 =	sshll.u32 s6, $0x1;
	s3 =	sadd.s32 s19, s18  }
0xa2: {  	s7 =	simm.s32 $0x0;
	s20 =	sshll.u32 s5, $0x1;
	s5 =	sadd.s32 s21, s3  }
0xa3: {  	[timem:s7], [sflag:s22] =	dma.local [hbm:s5], s20  }
0xa4: {  	_ =	swait.ge [sflag:s22], s20  }
0xa5: {  	s4 =	ssub.s32 $0x0, s20;
	[sflag:s22] =	ssyncset.done $0x0  }
0xa6: {  	[sflag:s22] =	ssyncadd.s32 s4;
	_ =	sdelay $0x1  }
0xa7: {  	s23 =	simm.s32 $0x1B8B  }
0xa8: {  	_ =	swait.ge [sflag:s23], $0x1  }
0xa9: {  	[sflag:s23] =	ssyncset.done $0x0  }
0xaa: {  	s25 =	simm.s32 $0x1B8E;
	s24 =	sld [smem:$0x3FFE];
	[sflag:s23] =	ssyncadd.s32 $0xFFFFFFFF  }
0xab: {  	s26 =	simm.s32 $execute0_lowered;
	[smem:$0x3FD2] =	sst s25  }
0xac: {  	s5 =	sshll.u32 s26, $0x1;
	_ =	strace $0x80000049;
	[dreg:$0x1] =	wrdreg $0xFFFFFFFF  }
0xad: {  	s28 =	simm.s32 $_size_execute0_lowered;
	s3 =	sadd.s32 s3, s5;
	[dreg:$0x0] =	wrdreg $0x0  }
0xae: {  	s5 =	sshll.u32 s28, $0x1;
	[dreg:$0x2] =	wrdreg s3  }
0xaf: {  	[dreg:$0x3] =	wrdreg s5  }
0xb0: {  	[dreg:$0x4] =	wrdreg $0xC0  }
0xb1: {  	_ =	task [dreg:s7], $0x5FFFF  }
0xb2: {  	[dreg:$0x1] =	wrdreg $0xFFFFFFFF  }
0xb3: {  	[dreg:$0x0] =	wrdreg $0x60  }
0xb4: {  	[dreg:$0x2] =	wrdreg s24  }
0xb5: {  	[dreg:$0x3] =	wrdreg s16  }
0xb6: {  	[dreg:$0x4] =	wrdreg $0x9  }
0xb7: {  	_ =	task.clear_ibuf [dreg:s7], $0x5FFFF;
	_ =	strace $0x90000049  }
0xb8: {  	s29 =	simm.s32 $0x9;
	_ =	strace $0x8000004B  }
0xb9: {  	_ =	swait.ge [sflag:s29], $0x1  }
0xba: {  	[sflag:s29] =	ssyncadd.s32 $0xFFFFFFFF  }
0xbb: {  	_ =	strace $0x9000004B  }
0xbc: {  	_ =	sfence  }
0xbd: {  	s30 =	sld [smem:$0x0];
	_ =	sdelay $0x2  }
0xbe: {  	s31 =	sshll.u32 s1, $0xD;
	s1 =	sshrl.u32 s1, $0x2  }
0xbf: {  	s3 =	sand.u32 $0x4000, s31;
	s1 =	sadd.s32 s1, s30  }
0xc0: {  	s0 =	sor.u32 s3, s0;
	s1 =	sshll.u32 s1, $0x11  }
0xc1: {  	s0 =	sor.u32 s1, s0  }
0xc2: {  	s0 =	sadd.s32 $0x8F2B, s0  }
0xc3: {  	[sflag:s0] =	ssyncadd.remote.s32 $0x1  }
0xc4: {  	_ =	sfence.sel $0xFFFF  }
0xc5: {  	[dreg:$0x0] =	wrdreg $0xFFFFFFFF;
	(pc) =	sbr.abs _section_cstart, $3  }
0xc6: {  	[dreg:$0x1] =	wrdreg $0xFFFFFFFF  }
0xc7: {  	_ =	task.clear_ibuf [dreg:s7], $0x2FFFF;
	_ =	strace $0x9FFFFFFF  }
0xc8: {  	(tm) =	ssettm $0x7FFFFFFF  }
0xc9: {  	_ =	shalt  }
tec
execute0_lowered:
.L_overlay_start_1:
0x0: {  	(tag) =	ssettag $0x1  }
0x1: {  	s0 =	rddreg [dreg:$0x0]  }
0x2: {  	s1 =	rddreg [dreg:$0x1]  }
0x3: {  	s3 =	srdreg.scid;
	s2 =	simm.s32 $0x0;
	s4 =	stileid.u32  }
0x4: {  	s11 =	simm.s32 $0x2;
	s23 =	simm.s32 $0x10800;
	s24 =	simm.s32 $0x11000  }
0x5: {  	s25 =	simm.s32 $0x11800;
	s28 =	simm.s32 $0x12800;
	s29 =	simm.s32 $0x13000  }
0x6: {  	s30 =	simm.s32 $0x13800;
	s31 =	simm.s32 $0x14000;
	s10 =	simm.s32 $0x15800  }
0x7: {  	s12 =	simm.s32 $0x16000;
	s13 =	simm.s32 $0x16800;
	s14 =	simm.s32 $0x17000  }
0x8: {  	s15 =	simm.s32 $0x17800;
	s16 =	simm.s32 $0x1;
	s17 =	simm.s32 $0x0  }
0x9: {  	s3 =	sand.u32 $0x1, s3;
	[smem:$0x7FF] =	sst s2;
	s4 =	sshll.u32 s4, $0x4  }
0xa: {  	s5 =	sshll.u32 s3, $0x3;
	_ =	strace $0x8000004A;
	s26 =	ssub.s32 $0x2, s3  }
0xb: {  	s3 =	sadd.s32 $0x12600, s0;
	s5 =	sor.u32 s5, s4;
	s7 =	sshrl.u32 s26, $0x1  }
0xc: {  	s6 =	sadd.s32 s5, s0;
	s9 =	ssub.s32 s26, s7;
	s8 =	smul.u32 $0x300, s5  }
0xd: {  	v2 =	vlaneseq.u32;
	s7 =	sadd.s32 $0x12800, s0;
	s26 =	simm.s32 $0x12000;
	s4 =	sadd.s32 $0x12200, s6  }
0xe: {  	vm0 =	vmmov $0xffff;
	v1 =	vshrl.u32 v2, $0x3;
	s5 =	sadd.s32 $0x12400, s6;
	s6 =	sadd.s32 $0x12700, s0;
	s9 =	smax.u32 s9, $0x1  }
0xf: {  	v0 =	vand.u32 $0x7, v2;
	v2 =	vor.u32 $0x8, v2;
	v1 =	vmul.u32 $0x8, v1;
	s0 =	simm.s32 $0x14800;
	s8 =	sadd.s32 s1, s8;
	s1 =	simm.s32 $0x15000  }
.LBB2_1:
0x10: {  	s18 =	simm.s32 $0x18000  }
0x11: {  	[tilespmem:s18], [sflag:$0x2] =	stream.linear.gather [hbm4b:s4+s2], $0x40, $0x38;
	[tilespmem:$0x18100] =	vst v63  }
0x12: {  	_ =	swait.ge [sflag:s11], $0x40  }
0x13: {  	[sflag:s11] =	ssyncset.done $0x0  }
0x14: {  	s21 =	simm.s32 $0x18080;
	[sflag:s11] =	ssyncadd.s32 $0xFFFFFFC0  }
0x15: {  	[tilespmem:s21], [sflag:$0x2] =	stream.linear.gather [hbm4b:s5+s2], $0x40, $0x38;
	[tilespmem:$0x18100] =	vst v63  }
0x16: {  	_ =	swait.ge [sflag:s11], $0x40  }
0x17: {  	[sflag:s11] =	ssyncset.done $0x0  }
0x18: {  	[sflag:s11] =	ssyncadd.s32 $0xFFFFFFC0  }
0x19: {  	v3 =	vld [tilespmem:$0x18000];
	_ =	sdelay $0x4  }
0x1a: {  	v4 =	vshrl.u32 v3, $0x3  }
0x1b: {  	v4 =	vmul.u32 $0x30, v4  }
0x1c: {  	v3 =	vand.u32 $0x7, v3  }
0x1d: {  	v3 =	vor.u32 v3, v4  }
0x1e: {  	v4 =	vperm.xlane v3, v0;
	_ =	sdelay $0x1  }
0x1f: {  	v4 =	vadd.s32 v1, v4;
	_ =	sdelay $0x3  }
0x20: {  	v3 =	vperm.xlane v3, v2  }
0x21: {  	[tilespmem:s2], [sflag:$0x1] =	stream.indirect_vreg.gather [hbm4b:s3+s2], $0x80, v4, vm0, $0xb8;
	[tilespmem:$0x18100] =	vst v63  }
0x22: {  	s22 =	simm.s32 $0x800;
	v3 =	vadd.s32 v1, v3  }
0x23: {  	[tilespmem:s22], [sflag:$0x1] =	stream.indirect_vreg.gather [hbm4b:s6+s2], $0x80, v4, vm0, $0xb8;
	[tilespmem:$0x18100] =	vst v63  }
0x24: {  	s19 =	simm.s32 $0x1000  }
0x25: {  	[tilespmem:s19], [sflag:$0x1] =	stream.indirect_vreg.gather [hbm4b:s7+s2], $0x80, v4, vm0, $0xb8;
	[tilespmem:$0x18100] =	vst v63  }
0x26: {  	s20 =	simm.s32 $0x1800  }
0x27: {  	[tilespmem:s20], [sflag:$0x1] =	stream.indirect_vreg.gather [hbm4b:s3+s2], $0x80, v3, vm0, $0xb8;
	[tilespmem:$0x18100] =	vst v63  }
0x28: {  	s21 =	simm.s32 $0x2000  }
0x29: {  	[tilespmem:s21], [sflag:$0x1] =	stream.indirect_vreg.gather [hbm4b:s6+s2], $0x80, v3, vm0, $0xb8;
	[tilespmem:$0x18100] =	vst v63  }
0x2a: {  	s22 =	simm.s32 $0x2800  }
0x2b: {  	[tilespmem:s22], [sflag:$0x1] =	stream.indirect_vreg.gather [hbm4b:s7+s2], $0x80, v3, vm0, $0xb8;
	[tilespmem:$0x18100] =	vst v63  }
0x2c: {  	v3 =	vld [tilespmem:$0x18010];
	_ =	sdelay $0x4  }
0x2d: {  	v4 =	vshrl.u32 v3, $0x3  }
0x2e: {  	v4 =	vmul.u32 $0x30, v4  }
0x2f: {  	v3 =	vand.u32 $0x7, v3  }
0x30: {  	v3 =	vor.u32 v3, v4  }
0x31: {  	v4 =	vperm.xlane v3, v0;
	_ =	sdelay $0x1  }
0x32: {  	v4 =	vadd.s32 v1, v4;
	_ =	sdelay $0x3  }
0x33: {  	s19 =	simm.s32 $0x3000;
	v3 =	vperm.xlane v3, v2  }
0x34: {  	[tilespmem:s19], [sflag:$0x1] =	stream.indirect_vreg.gather [hbm4b:s3+s2], $0x80, v4, vm0, $0xb8;
	[tilespmem:$0x18100] =	vst v63  }
0x35: {  	s20 =	simm.s32 $0x3800;
	v3 =	vadd.s32 v1, v3  }
0x36: {  	[tilespmem:s20], [sflag:$0x1] =	stream.indirect_vreg.gather [hbm4b:s6+s2], $0x80, v4, vm0, $0xb8;
	[tilespmem:$0x18100] =	vst v63  }
0x37: {  	s21 =	simm.s32 $0x4000  }
0x38: {  	[tilespmem:s21], [sflag:$0x1] =	stream.indirect_vreg.gather [hbm4b:s7+s2], $0x80, v4, vm0, $0xb8;
	[tilespmem:$0x18100] =	vst v63  }
0x39: {  	s22 =	simm.s32 $0x4800  }
0x3a: {  	[tilespmem:s22], [sflag:$0x1] =	stream.indirect_vreg.gather [hbm4b:s3+s2], $0x80, v3, vm0, $0xb8;
	[tilespmem:$0x18100] =	vst v63  }
0x3b: {  	s19 =	simm.s32 $0x5000  }
0x3c: {  	[tilespmem:s19], [sflag:$0x1] =	stream.indirect_vreg.gather [hbm4b:s6+s2], $0x80, v3, vm0, $0xb8;
	[tilespmem:$0x18100] =	vst v63  }
0x3d: {  	s20 =	simm.s32 $0x5800  }
0x3e: {  	[tilespmem:s20], [sflag:$0x1] =	stream.indirect_vreg.gather [hbm4b:s7+s2], $0x80, v3, vm0, $0xb8;
	[tilespmem:$0x18100] =	vst v63  }
0x3f: {  	v3 =	vld [tilespmem:$0x18020];
	_ =	sdelay $0x4  }
0x40: {  	v4 =	vshrl.u32 v3, $0x3  }
0x41: {  	v4 =	vmul.u32 $0x30, v4  }
0x42: {  	v3 =	vand.u32 $0x7, v3  }
0x43: {  	v3 =	vor.u32 v3, v4  }
0x44: {  	v4 =	vperm.xlane v3, v0;
	_ =	sdelay $0x1  }
0x45: {  	v4 =	vadd.s32 v1, v4;
	_ =	sdelay $0x3  }
0x46: {  	s21 =	simm.s32 $0x6000;
	v3 =	vperm.xlane v3, v2  }
0x47: {  	[tilespmem:s21], [sflag:$0x1] =	stream.indirect_vreg.gather [hbm4b:s3+s2], $0x80, v4, vm0, $0xb8;
	[tilespmem:$0x18100] =	vst v63  }
0x48: {  	s22 =	simm.s32 $0x6800;
	v3 =	vadd.s32 v1, v3  }
0x49: {  	[tilespmem:s22], [sflag:$0x1] =	stream.indirect_vreg.gather [hbm4b:s6+s2], $0x80, v4, vm0, $0xb8;
	[tilespmem:$0x18100] =	vst v63  }
0x4a: {  	s19 =	simm.s32 $0x7000  }
0x4b: {  	[tilespmem:s19], [sflag:$0x1] =	stream.indirect_vreg.gather [hbm4b:s7+s2], $0x80, v4, vm0, $0xb8;
	[tilespmem:$0x18100] =	vst v63  }
0x4c: {  	s20 =	simm.s32 $0x7800  }
0x4d: {  	[tilespmem:s20], [sflag:$0x1] =	stream.indirect_vreg.gather [hbm4b:s3+s2], $0x80, v3, vm0, $0xb8;
	[tilespmem:$0x18100] =	vst v63  }
0x4e: {  	s21 =	simm.s32 $0x8000  }
0x4f: {  	[tilespmem:s21], [sflag:$0x1] =	stream.indirect_vreg.gather [hbm4b:s6+s2], $0x80, v3, vm0, $0xb8;
	[tilespmem:$0x18100] =	vst v63  }
0x50: {  	s22 =	simm.s32 $0x8800  }
0x51: {  	[tilespmem:s22], [sflag:$0x1] =	stream.indirect_vreg.gather [hbm4b:s7+s2], $0x80, v3, vm0, $0xb8;
	[tilespmem:$0x18100] =	vst v63  }
0x52: {  	v3 =	vld [tilespmem:$0x18030];
	_ =	sdelay $0x4  }
0x53: {  	v4 =	vshrl.u32 v3, $0x3  }
0x54: {  	v4 =	vmul.u32 $0x30, v4  }
0x55: {  	v3 =	vand.u32 $0x7, v3  }
0x56: {  	v3 =	vor.u32 v3, v4  }
0x57: {  	v4 =	vperm.xlane v3, v0;
	_ =	sdelay $0x1  }
0x58: {  	v4 =	vadd.s32 v1, v4;
	_ =	sdelay $0x3  }
0x59: {  	s19 =	simm.s32 $0x9000;
	v3 =	vperm.xlane v3, v2  }
0x5a: {  	[tilespmem:s19], [sflag:$0x1] =	stream.indirect_vreg.gather [hbm4b:s3+s2], $0x80, v4, vm0, $0xb8;
	[tilespmem:$0x18100] =	vst v63  }
0x5b: {  	s20 =	simm.s32 $0x9800;
	v3 =	vadd.s32 v1, v3  }
0x5c: {  	[tilespmem:s20], [sflag:$0x1] =	stream.indirect_vreg.gather [hbm4b:s6+s2], $0x80, v4, vm0, $0xb8;
	[tilespmem:$0x18100] =	vst v63  }
0x5d: {  	s21 =	simm.s32 $0xA000  }
0x5e: {  	[tilespmem:s21], [sflag:$0x1] =	stream.indirect_vreg.gather [hbm4b:s7+s2], $0x80, v4, vm0, $0xb8;
	[tilespmem:$0x18100] =	vst v63  }
0x5f: {  	s22 =	simm.s32 $0xA800  }
0x60: {  	[tilespmem:s22], [sflag:$0x1] =	stream.indirect_vreg.gather [hbm4b:s3+s2], $0x80, v3, vm0, $0xb8;
	[tilespmem:$0x18100] =	vst v63  }
0x61: {  	s19 =	simm.s32 $0xB000  }
0x62: {  	[tilespmem:s19], [sflag:$0x1] =	stream.indirect_vreg.gather [hbm4b:s6+s2], $0x80, v3, vm0, $0xb8;
	[tilespmem:$0x18100] =	vst v63  }
0x63: {  	s20 =	simm.s32 $0xB800  }
0x64: {  	[tilespmem:s20], [sflag:$0x1] =	stream.indirect_vreg.gather [hbm4b:s7+s2], $0x80, v3, vm0, $0xb8;
	[tilespmem:$0x18100] =	vst v63  }
0x65: {  	v3 =	vld [tilespmem:$0x18080];
	_ =	sdelay $0x4  }
0x66: {  	v4 =	vshrl.u32 v3, $0x3  }
0x67: {  	v4 =	vmul.u32 $0x30, v4  }
0x68: {  	v3 =	vand.u32 $0x7, v3  }
0x69: {  	v3 =	vor.u32 v3, v4  }
0x6a: {  	v4 =	vperm.xlane v3, v0;
	_ =	sdelay $0x1  }
0x6b: {  	v4 =	vadd.s32 v1, v4;
	_ =	sdelay $0x3  }
0x6c: {  	s21 =	simm.s32 $0xC000;
	v3 =	vperm.xlane v3, v2  }
0x6d: {  	[tilespmem:s21], [sflag:$0x1] =	stream.indirect_vreg.gather [hbm4b:s3+s2], $0x80, v4, vm0, $0xb8;
	[tilespmem:$0x18100] =	vst v63  }
0x6e: {  	s22 =	simm.s32 $0xC800;
	v3 =	vadd.s32 v1, v3  }
0x6f: {  	[tilespmem:s22], [sflag:$0x1] =	stream.indirect_vreg.gather [hbm4b:s6+s2], $0x80, v4, vm0, $0xb8;
	[tilespmem:$0x18100] =	vst v63  }
0x70: {  	s19 =	simm.s32 $0xD000  }
0x71: {  	[tilespmem:s19], [sflag:$0x1] =	stream.indirect_vreg.gather [hbm4b:s7+s2], $0x80, v4, vm0, $0xb8;
	[tilespmem:$0x18100] =	vst v63  }
0x72: {  	s20 =	simm.s32 $0xD800  }
0x73: {  	[tilespmem:s20], [sflag:$0x1] =	stream.indirect_vreg.gather [hbm4b:s3+s2], $0x80, v3, vm0, $0xb8;
	[tilespmem:$0x18100] =	vst v63  }
0x74: {  	s21 =	simm.s32 $0xE000  }
0x75: {  	[tilespmem:s21], [sflag:$0x1] =	stream.indirect_vreg.gather [hbm4b:s6+s2], $0x80, v3, vm0, $0xb8;
	[tilespmem:$0x18100] =	vst v63  }
0x76: {  	s22 =	simm.s32 $0xE800  }
0x77: {  	[tilespmem:s22], [sflag:$0x1] =	stream.indirect_vreg.gather [hbm4b:s7+s2], $0x80, v3, vm0, $0xb8;
	[tilespmem:$0x18100] =	vst v63  }
0x78: {  	v3 =	vld [tilespmem:$0x18090];
	_ =	sdelay $0x4  }
0x79: {  	v4 =	vshrl.u32 v3, $0x3  }
0x7a: {  	v4 =	vmul.u32 $0x30, v4  }
0x7b: {  	v3 =	vand.u32 $0x7, v3  }
0x7c: {  	v3 =	vor.u32 v3, v4  }
0x7d: {  	v4 =	vperm.xlane v3, v0;
	_ =	sdelay $0x1  }
0x7e: {  	v4 =	vadd.s32 v1, v4;
	_ =	sdelay $0x3  }
0x7f: {  	s19 =	simm.s32 $0xF000;
	v3 =	vperm.xlane v3, v2  }
0x80: {  	[tilespmem:s19], [sflag:$0x1] =	stream.indirect_vreg.gather [hbm4b:s3+s2], $0x80, v4, vm0, $0xb8;
	[tilespmem:$0x18100] =	vst v63  }
0x81: {  	s20 =	simm.s32 $0xF800;
	v3 =	vadd.s32 v1, v3  }
0x82: {  	[tilespmem:s20], [sflag:$0x1] =	stream.indirect_vreg.gather [hbm4b:s6+s2], $0x80, v4, vm0, $0xb8;
	[tilespmem:$0x18100] =	vst v63  }
0x83: {  	s21 =	simm.s32 $0x10000  }
0x84: {  	[tilespmem:s21], [sflag:$0x1] =	stream.indirect_vreg.gather [hbm4b:s7+s2], $0x80, v4, vm0, $0xb8;
	[tilespmem:$0x18100] =	vst v63  }
0x85: {  	_ = 	snop  }
0x86: {  	[tilespmem:s23], [sflag:$0x1] =	stream.indirect_vreg.gather [hbm4b:s3+s2], $0x80, v3, vm0, $0xb8;
	[tilespmem:$0x18100] =	vst v63  }
0x87: {  	_ = 	snop  }
0x88: {  	[tilespmem:s24], [sflag:$0x1] =	stream.indirect_vreg.gather [hbm4b:s6+s2], $0x80, v3, vm0, $0xb8;
	[tilespmem:$0x18100] =	vst v63  }
0x89: {  	_ = 	snop  }
0x8a: {  	[tilespmem:s25], [sflag:$0x1] =	stream.indirect_vreg.gather [hbm4b:s7+s2], $0x80, v3, vm0, $0xb8;
	[tilespmem:$0x18100] =	vst v63  }
0x8b: {  	v3 =	vld [tilespmem:$0x180A0];
	_ =	sdelay $0x4  }
0x8c: {  	v4 =	vshrl.u32 v3, $0x3  }
0x8d: {  	v4 =	vmul.u32 $0x30, v4  }
0x8e: {  	v3 =	vand.u32 $0x7, v3  }
0x8f: {  	v3 =	vor.u32 v3, v4  }
0x90: {  	v4 =	vperm.xlane v3, v0;
	_ =	sdelay $0x1  }
0x91: {  	v4 =	vadd.s32 v1, v4;
	_ =	sdelay $0x3  }
0x92: {  	v3 =	vperm.xlane v3, v2  }
0x93: {  	[tilespmem:s26], [sflag:$0x1] =	stream.indirect_vreg.gather [hbm4b:s3+s2], $0x80, v4, vm0, $0xb8;
	[tilespmem:$0x18100] =	vst v63  }
0x94: {  	v3 =	vadd.s32 v1, v3  }
0x95: {  	[tilespmem:s28], [sflag:$0x1] =	stream.indirect_vreg.gather [hbm4b:s6+s2], $0x80, v4, vm0, $0xb8;
	[tilespmem:$0x18100] =	vst v63  }
0x96: {  	_ = 	snop  }
0x97: {  	[tilespmem:s29], [sflag:$0x1] =	stream.indirect_vreg.gather [hbm4b:s7+s2], $0x80, v4, vm0, $0xb8;
	[tilespmem:$0x18100] =	vst v63  }
0x98: {  	_ = 	snop  }
0x99: {  	[tilespmem:s30], [sflag:$0x1] =	stream.indirect_vreg.gather [hbm4b:s3+s2], $0x80, v3, vm0, $0xb8;
	[tilespmem:$0x18100] =	vst v63  }
0x9a: {  	_ = 	snop  }
0x9b: {  	[tilespmem:s31], [sflag:$0x1] =	stream.indirect_vreg.gather [hbm4b:s6+s2], $0x80, v3, vm0, $0xb8;
	[tilespmem:$0x18100] =	vst v63  }
0x9c: {  	_ = 	snop  }
0x9d: {  	[tilespmem:s0], [sflag:$0x1] =	stream.indirect_vreg.gather [hbm4b:s7+s2], $0x80, v3, vm0, $0xb8;
	[tilespmem:$0x18100] =	vst v63  }
0x9e: {  	v3 =	vld [tilespmem:$0x180B0];
	_ =	sdelay $0x4  }
0x9f: {  	v4 =	vshrl.u32 v3, $0x3  }
0xa0: {  	v4 =	vmul.u32 $0x30, v4  }
0xa1: {  	v3 =	vand.u32 $0x7, v3  }
0xa2: {  	v3 =	vor.u32 v3, v4  }
0xa3: {  	v4 =	vperm.xlane v3, v0;
	_ =	sdelay $0x1  }
0xa4: {  	v4 =	vadd.s32 v1, v4;
	_ =	sdelay $0x3  }
0xa5: {  	v3 =	vperm.xlane v3, v2  }
0xa6: {  	[tilespmem:s1], [sflag:$0x1] =	stream.indirect_vreg.gather [hbm4b:s3+s2], $0x80, v4, vm0, $0xb8;
	[tilespmem:$0x18100] =	vst v63  }
0xa7: {  	v3 =	vadd.s32 v1, v3  }
0xa8: {  	[tilespmem:s10], [sflag:$0x1] =	stream.indirect_vreg.gather [hbm4b:s6+s2], $0x80, v4, vm0, $0xb8;
	[tilespmem:$0x18100] =	vst v63  }
0xa9: {  	_ = 	snop  }
0xaa: {  	[tilespmem:s12], [sflag:$0x1] =	stream.indirect_vreg.gather [hbm4b:s7+s2], $0x80, v4, vm0, $0xb8;
	[tilespmem:$0x18100] =	vst v63  }
0xab: {  	_ = 	snop  }
0xac: {  	[tilespmem:s13], [sflag:$0x1] =	stream.indirect_vreg.gather [hbm4b:s3+s2], $0x80, v3, vm0, $0xb8;
	[tilespmem:$0x18100] =	vst v63  }
0xad: {  	_ = 	snop  }
0xae: {  	[tilespmem:s14], [sflag:$0x1] =	stream.indirect_vreg.gather [hbm4b:s6+s2], $0x80, v3, vm0, $0xb8;
	[tilespmem:$0x18100] =	vst v63  }
0xaf: {  	_ = 	snop  }
0xb0: {  	[tilespmem:s15], [sflag:$0x1] =	stream.indirect_vreg.gather [hbm4b:s7+s2], $0x80, v3, vm0, $0xb8;
	[tilespmem:$0x18100] =	vst v63  }
0xb1: {  	_ =	swait.ge [sflag:s16], $0xC000  }
0xb2: {  	[sflag:s16] =	ssyncset.done $0x0  }
0xb3: {  	s22 =	simm.s32 $0x0;
	[sflag:s16] =	ssyncadd.s32 $0xFFFF4000  }
0xb4: {  	s18 =	smul.u32 $0x1800, s22;
	_ =	swait.ge [sflag:s16], $0xC000  }
0xb5: {  	s19 =	sand.u32 $0x380, s2;
	[sflag:s16] =	ssyncset.done $0x0  }
0xb6: {  	s18 =	sor.u32 s19, s18;
	[sflag:s16] =	ssyncadd.s32 $0xFFFF4000  }
0xb7: {  	v12 =	vld [tilespmem:s18+$0xC000]  }
0xb8: {  	v13 =	vld [tilespmem:s18+$0xC010]  }
0xb9: {  	v14 =	vld [tilespmem:s18+$0xC020]  }
0xba: {  	v15 =	vld [tilespmem:s18+$0xC030]  }
0xbb: {  	v16 =	vld [tilespmem:s18+$0xC040]  }
0xbc: {  	v17 =	vld [tilespmem:s18+$0xC050]  }
0xbd: {  	v18 =	vld [tilespmem:s18+$0xC060]  }
0xbe: {  	v19 =	vld [tilespmem:s18+$0xC070]  }
0xbf: {  	v20 =	vld [tilespmem:s18+$0xC400]  }
0xc0: {  	v21 =	vld [tilespmem:s18+$0xC410]  }
0xc1: {  	v22 =	vld [tilespmem:s18+$0xC420]  }
0xc2: {  	v23 =	vld [tilespmem:s18+$0xC430]  }
0xc3: {  	v24 =	vld [tilespmem:s18+$0xC440]  }
0xc4: {  	v25 =	vld [tilespmem:s18+$0xC450]  }
0xc5: {  	v26 =	vld [tilespmem:s18+$0xC460]  }
0xc6: {  	v27 =	vld [tilespmem:s18+$0xC470]  }
0xc7: {  	v28 =	vld [tilespmem:s18+$0xC800]  }
0xc8: {  	v29 =	vld [tilespmem:s18+$0xC810]  }
0xc9: {  	v30 =	vld [tilespmem:s18+$0xC820]  }
0xca: {  	v31 =	vld [tilespmem:s18+$0xC830]  }
0xcb: {  	v32 =	vld [tilespmem:s18+$0xC840]  }
0xcc: {  	v33 =	vld [tilespmem:s18+$0xC850]  }
0xcd: {  	v34 =	vld [tilespmem:s18+$0xC860]  }
0xce: {  	v35 =	vld [tilespmem:s18+$0xC870]  }
0xcf: {  	v36 =	vld [tilespmem:s18+$0xCC00]  }
0xd0: {  	v37 =	vld [tilespmem:s18+$0xCC10]  }
0xd1: {  	v38 =	vld [tilespmem:s18+$0xCC20]  }
0xd2: {  	v39 =	vld [tilespmem:s18+$0xCC30]  }
0xd3: {  	v40 =	vld [tilespmem:s18+$0xCC40]  }
0xd4: {  	v41 =	vld [tilespmem:s18+$0xCC50]  }
0xd5: {  	v42 =	vld [tilespmem:s18+$0xCC60]  }
0xd6: {  	v43 =	vld [tilespmem:s18+$0xCC70]  }
0xd7: {  	v44 =	vld [tilespmem:s18+$0xD000]  }
0xd8: {  	v45 =	vld [tilespmem:s18+$0xD010]  }
0xd9: {  	v46 =	vld [tilespmem:s18+$0xD020]  }
0xda: {  	v47 =	vld [tilespmem:s18+$0xD030]  }
0xdb: {  	v48 =	vld [tilespmem:s18+$0xD040]  }
0xdc: {  	v49 =	vld [tilespmem:s18+$0xD050]  }
0xdd: {  	v50 =	vld [tilespmem:s18+$0xD060]  }
0xde: {  	v11 =	vld [tilespmem:s18+$0xD070]  }
0xdf: {  	v10 =	vld [tilespmem:s18+$0xD400]  }
0xe0: {  	v9 =	vld [tilespmem:s18+$0xD410]  }
0xe1: {  	v8 =	vld [tilespmem:s18+$0xD420]  }
0xe2: {  	v7 =	vld [tilespmem:s18+$0xD430]  }
0xe3: {  	v6 =	vld [tilespmem:s18+$0xD440]  }
0xe4: {  	v51 =	vld [tilespmem:s18+$0x0]  }
0xe5: {  	v52 =	vld [tilespmem:s18+$0x10]  }
0xe6: {  	v53 =	vld [tilespmem:s18+$0x20]  }
0xe7: {  	v54 =	vld [tilespmem:s18+$0x30]  }
0xe8: {  	v55 =	vld [tilespmem:s18+$0x40]  }
0xe9: {  	v62 =	vld [tilespmem:s18+$0x50];
	v12 =	vadd.f32 v12, v51  }
0xea: {  	v63 =	vld [tilespmem:s18+$0x60];
	v13 =	vadd.f32 v13, v52  }
0xeb: {  	[tilespmem:s18+$0x0] =	vst v12;
	v12 =	vadd.f32 v14, v53;
	v14 =	vld [tilespmem:s18+$0x70]  }
0xec: {  	[tilespmem:s18+$0x10] =	vst v13;
	v13 =	vadd.f32 v15, v54;
	v15 =	vld [tilespmem:s18+$0x400]  }
0xed: {  	[tilespmem:s18+$0x20] =	vst v12;
	v12 =	vadd.f32 v16, v55;
	v16 =	vld [tilespmem:s18+$0x410]  }
0xee: {  	[tilespmem:s18+$0x30] =	vst v13;
	v13 =	vadd.f32 v17, v62;
	v17 =	vld [tilespmem:s18+$0x420]  }
0xef: {  	v5 =	vld [tilespmem:s18+$0xD450]  }
0xf0: {  	[tilespmem:s18+$0x40] =	vst v12;
	v12 =	vadd.f32 v18, v63;
	v18 =	vld [tilespmem:s18+$0x470]  }
0xf1: {  	[tilespmem:s18+$0x50] =	vst v13;
	v13 =	vadd.f32 v19, v14;
	v14 =	vld [tilespmem:s18+$0x430]  }
0xf2: {  	[tilespmem:s18+$0x60] =	vst v12;
	v12 =	vadd.f32 v20, v15;
	v15 =	vld [tilespmem:s18+$0x440]  }
0xf3: {  	[tilespmem:s18+$0x70] =	vst v13;
	v13 =	vadd.f32 v21, v16;
	v16 =	vadd.f32 v22, v17;
	v17 =	vld [tilespmem:s18+$0x460]  }
0xf4: {  	[tilespmem:s18+$0x400] =	vst v12;
	v12 =	vld [tilespmem:s18+$0x450]  }
0xf5: {  	[tilespmem:s18+$0x410] =	vst v13;
	v13 =	vld [tilespmem:s18+$0x800];
	v18 =	vadd.f32 v27, v18  }
0xf6: {  	[tilespmem:s18+$0x420] =	vst v16;
	v16 =	vld [tilespmem:s18+$0x810];
	v14 =	vadd.f32 v23, v14  }
0xf7: {  	v4 =	vld [tilespmem:s18+$0xD460];
	v15 =	vadd.f32 v24, v15;
	[tilespmem:s18+$0x470] =	vst v18  }
0xf8: {  	[tilespmem:s18+$0x430] =	vst v14;
	v14 =	vld [tilespmem:s18+$0x820];
	v17 =	vadd.f32 v26, v17  }
0xf9: {  	v12 =	vadd.f32 v25, v12;
	[tilespmem:s18+$0x440] =	vst v15;
	v15 =	vld [tilespmem:s18+$0x830]  }
0xfa: {  	v18 =	vld [tilespmem:s18+$0x870];
	[tilespmem:s18+$0x460] =	vst v17;
	v13 =	vadd.f32 v28, v13  }
0xfb: {  	v16 =	vadd.f32 v29, v16;
	[tilespmem:s18+$0x450] =	vst v12;
	v12 =	vld [tilespmem:s18+$0x840]  }
0xfc: {  	v17 =	vld [tilespmem:s18+$0x850];
	[tilespmem:s18+$0x800] =	vst v13  }
0xfd: {  	[tilespmem:s18+$0x810] =	vst v16;
	v16 =	vld [tilespmem:s18+$0x860];
	v13 =	vadd.f32 v30, v14  }
0xfe: {  	v14 =	vld [tilespmem:s18+$0xC00];
	v15 =	vadd.f32 v31, v15  }
0xff: {  	[tilespmem:s18+$0x820] =	vst v13;
	v13 =	vld [tilespmem:s18+$0xC10]  }
0x100: {  	v12 =	vadd.f32 v32, v12;
	[tilespmem:s18+$0x830] =	vst v15;
	v15 =	vld [tilespmem:s18+$0xC20]  }
0x101: {  	v3 =	vld [tilespmem:s18+$0xD470];
	v17 =	vadd.f32 v33, v17  }
0x102: {  	v16 =	vadd.f32 v34, v16;
	[tilespmem:s18+$0x840] =	vst v12;
	v12 =	vld [tilespmem:s18+$0xC30]  }
0x103: {  	[tilespmem:s18+$0x850] =	vst v17;
	v17 =	vld [tilespmem:s18+$0xC40];
	v14 =	vadd.f32 v36, v14  }
0x104: {  	v18 =	vadd.f32 v35, v18;
	[tilespmem:s18+$0x860] =	vst v16;
	v16 =	vld [tilespmem:s18+$0xC50]  }
0x105: {  	v13 =	vadd.f32 v37, v13;
	[tilespmem:s18+$0xC00] =	vst v14;
	v14 =	vadd.f32 v38, v15;
	v15 =	vld [tilespmem:s18+$0xC60]  }
0x106: {  	[tilespmem:s18+$0x870] =	vst v18;
	v18 =	vld [tilespmem:s18+$0xC70]  }
0x107: {  	[tilespmem:s18+$0xC10] =	vst v13;
	v13 =	vld [tilespmem:s18+$0x1000];
	v12 =	vadd.f32 v39, v12  }
0x108: {  	v17 =	vadd.f32 v40, v17;
	[tilespmem:s18+$0xC20] =	vst v14;
	v14 =	vld [tilespmem:s18+$0x1010]  }
0x109: {  	v16 =	vadd.f32 v41, v16;
	[tilespmem:s18+$0xC30] =	vst v12;
	v12 =	vld [tilespmem:s18+$0x1020]  }
0x10a: {  	[tilespmem:s18+$0xC40] =	vst v17;
	v17 =	vld [tilespmem:s18+$0x1030];
	v15 =	vadd.f32 v42, v15  }
0x10b: {  	v19 =	vld [tilespmem:s18+$0x1040];
	[tilespmem:s18+$0xC50] =	vst v16;
	v16 =	vadd.f32 v43, v18  }
0x10c: {  	v18 =	vld [tilespmem:s18+$0x1050];
	v13 =	vadd.f32 v44, v13;
	[tilespmem:s18+$0xC60] =	vst v15  }
0x10d: {  	v20 =	vld [tilespmem:s18+$0x1060];
	[tilespmem:s18+$0xC70] =	vst v16;
	v14 =	vadd.f32 v45, v14  }
0x10e: {  	v16 =	vld [tilespmem:s18+$0x1070];
	[tilespmem:s18+$0x1000] =	vst v13;
	v12 =	vadd.f32 v46, v12  }
0x10f: {  	v15 =	vld [tilespmem:s18+$0x1400];
	v13 =	vadd.f32 v47, v17;
	[tilespmem:s18+$0x1010] =	vst v14  }
0x110: {  	v14 =	vld [tilespmem:s18+$0x1410];
	[tilespmem:s18+$0x1020] =	vst v12;
	v12 =	vadd.f32 v48, v19  }
0x111: {  	[tilespmem:s18+$0x1030] =	vst v13;
	v13 =	vld [tilespmem:s18+$0x1420];
	v18 =	vadd.f32 v49, v18  }
0x112: {  	s19 =	simm.s32 $0x1;
	s20 =	simm.s32 $0x0;
	v17 =	vadd.f32 v50, v20;
	[tilespmem:s18+$0x1040] =	vst v12;
	v12 =	vld [tilespmem:s18+$0x1430]  }
.LBB2_2:
0x113: {  	s21 =	sshrl.u32 s19, $0x3;
	p0 =	sne.s32 s19, $0x3F;
	[tilespmem:s18+$0x1050] =	vst v18;
	v11 =	vadd.f32 v11, v16;
	v16 =	vld [tilespmem:s18+$0x1440]  }
0x114: {  	s20 =	sadd.s32 $0x80, s20;
	s21 =	smul.u32 $0x1800, s21;
	[tilespmem:s18+$0x1060] =	vst v17;
	v10 =	vadd.f32 v10, v15;
	v15 =	vld [tilespmem:s18+$0x1450]  }
0x115: {  	s22 =	sand.u32 $0x380, s20;
	[tilespmem:s18+$0x1070] =	vst v11;
	v9 =	vadd.f32 v9, v14;
	v11 =	vld [tilespmem:s18+$0x1460]  }
0x116: {  	s21 =	sor.u32 s22, s21;
	[tilespmem:s18+$0x1400] =	vst v10;
	v8 =	vadd.f32 v8, v13;
	v10 =	vld [tilespmem:s18+$0x1470]  }
0x117: {  	v39 =	vld [tilespmem:s21+$0xC000];
	[tilespmem:s18+$0x1410] =	vst v9;
	v7 =	vadd.f32 v7, v12  }
0x118: {  	v40 =	vld [tilespmem:s21+$0xC010];
	[tilespmem:s18+$0x1420] =	vst v8;
	v6 =	vadd.f32 v6, v16  }
0x119: {  	v41 =	vld [tilespmem:s21+$0xC020];
	[tilespmem:s18+$0x1430] =	vst v7;
	v5 =	vadd.f32 v5, v15  }
0x11a: {  	v42 =	vld [tilespmem:s21+$0xC030];
	[tilespmem:s18+$0x1440] =	vst v6;
	v4 =	vadd.f32 v4, v11  }
0x11b: {  	v43 =	vld [tilespmem:s21+$0xC040];
	[tilespmem:s18+$0x1450] =	vst v5;
	v3 =	vadd.f32 v3, v10  }
0x11c: {  	v44 =	vld [tilespmem:s21+$0xC050];
	[tilespmem:s18+$0x1460] =	vst v4  }
0x11d: {  	v45 =	vld [tilespmem:s21+$0xC060];
	[tilespmem:s18+$0x1470] =	vst v3;
	s18 =	smov.u32 s21  }
0x11e: {  	v46 =	vld [tilespmem:s18+$0xC070]  }
0x11f: {  	v47 =	vld [tilespmem:s18+$0xC400]  }
0x120: {  	v48 =	vld [tilespmem:s18+$0xC410]  }
0x121: {  	v49 =	vld [tilespmem:s18+$0xC420]  }
0x122: {  	v50 =	vld [tilespmem:s18+$0xC430]  }
0x123: {  	v38 =	vld [tilespmem:s18+$0xC440]  }
0x124: {  	v37 =	vld [tilespmem:s18+$0xC450]  }
0x125: {  	v36 =	vld [tilespmem:s18+$0xC460]  }
0x126: {  	v35 =	vld [tilespmem:s18+$0xC470]  }
0x127: {  	v34 =	vld [tilespmem:s18+$0xC800]  }
0x128: {  	v33 =	vld [tilespmem:s18+$0xC810]  }
0x129: {  	v32 =	vld [tilespmem:s18+$0xC820]  }
0x12a: {  	v31 =	vld [tilespmem:s18+$0xC830]  }
0x12b: {  	v30 =	vld [tilespmem:s18+$0xC840]  }
0x12c: {  	v29 =	vld [tilespmem:s18+$0xC850]  }
0x12d: {  	v28 =	vld [tilespmem:s18+$0xC860]  }
0x12e: {  	v27 =	vld [tilespmem:s18+$0xC870]  }
0x12f: {  	v26 =	vld [tilespmem:s18+$0xCC00]  }
0x130: {  	v25 =	vld [tilespmem:s18+$0xCC10]  }
0x131: {  	v24 =	vld [tilespmem:s18+$0xCC20]  }
0x132: {  	v23 =	vld [tilespmem:s18+$0xCC30]  }
0x133: {  	v22 =	vld [tilespmem:s18+$0xCC40]  }
0x134: {  	v21 =	vld [tilespmem:s18+$0xCC50]  }
0x135: {  	v20 =	vld [tilespmem:s18+$0xCC60]  }
0x136: {  	v19 =	vld [tilespmem:s18+$0xCC70]  }
0x137: {  	v18 =	vld [tilespmem:s18+$0xD000]  }
0x138: {  	v17 =	vld [tilespmem:s18+$0xD010]  }
0x139: {  	v16 =	vld [tilespmem:s18+$0xD020]  }
0x13a: {  	v15 =	vld [tilespmem:s18+$0xD030]  }
0x13b: {  	v14 =	vld [tilespmem:s18+$0xD040]  }
0x13c: {  	v13 =	vld [tilespmem:s18+$0xD050]  }
0x13d: {  	v12 =	vld [tilespmem:s18+$0xD060]  }
0x13e: {  	v11 =	vld [tilespmem:s18+$0xD070]  }
0x13f: {  	v10 =	vld [tilespmem:s18+$0xD400]  }
0x140: {  	v9 =	vld [tilespmem:s18+$0xD410]  }
0x141: {  	v8 =	vld [tilespmem:s18+$0xD420]  }
0x142: {  	v7 =	vld [tilespmem:s18+$0xD430]  }
0x143: {  	v6 =	vld [tilespmem:s18+$0xD440]  }
0x144: {  	v5 =	vld [tilespmem:s18+$0xD450]  }
0x145: {  	v4 =	vld [tilespmem:s18+$0xD460]  }
0x146: {  	v3 =	vld [tilespmem:s18+$0xD470]  }
0x147: {  	v51 =	vld [tilespmem:s18+$0x0]  }
0x148: {  	v52 =	vld [tilespmem:s18+$0x10]  }
0x149: {  	v53 =	vld [tilespmem:s18+$0x20]  }
0x14a: {  	v54 =	vld [tilespmem:s18+$0x30]  }
0x14b: {  	v55 =	vld [tilespmem:s18+$0x40]  }
0x14c: {  	v39 =	vadd.f32 v39, v51;
	v51 =	vld [tilespmem:s18+$0x50]  }
0x14d: {  	v40 =	vadd.f32 v40, v52;
	v52 =	vld [tilespmem:s18+$0x60]  }
0x14e: {  	[tilespmem:s18+$0x0] =	vst v39;
	v39 =	vadd.f32 v41, v53;
	v41 =	vld [tilespmem:s18+$0x70]  }
0x14f: {  	[tilespmem:s18+$0x10] =	vst v40;
	v40 =	vadd.f32 v42, v54;
	v42 =	vld [tilespmem:s18+$0x400]  }
0x150: {  	[tilespmem:s18+$0x20] =	vst v39;
	v39 =	vadd.f32 v43, v55;
	v43 =	vld [tilespmem:s18+$0x410]  }
0x151: {  	[tilespmem:s18+$0x30] =	vst v40;
	v40 =	vadd.f32 v44, v51;
	v44 =	vld [tilespmem:s18+$0x420]  }
0x152: {  	[tilespmem:s18+$0x40] =	vst v39;
	v39 =	vadd.f32 v45, v52;
	v45 =	vld [tilespmem:s18+$0x430]  }
0x153: {  	[tilespmem:s18+$0x50] =	vst v40;
	v40 =	vadd.f32 v46, v41;
	v41 =	vld [tilespmem:s18+$0x440]  }
0x154: {  	[tilespmem:s18+$0x60] =	vst v39;
	v39 =	vadd.f32 v47, v42;
	v42 =	vld [tilespmem:s18+$0x450]  }
0x155: {  	[tilespmem:s18+$0x70] =	vst v40;
	v40 =	vadd.f32 v48, v43;
	v43 =	vld [tilespmem:s18+$0x460]  }
0x156: {  	[tilespmem:s18+$0x400] =	vst v39;
	v39 =	vadd.f32 v49, v44;
	v44 =	vld [tilespmem:s18+$0x470]  }
0x157: {  	[tilespmem:s18+$0x410] =	vst v40;
	v40 =	vadd.f32 v50, v45;
	v45 =	vld [tilespmem:s18+$0x800]  }
0x158: {  	[tilespmem:s18+$0x420] =	vst v39;
	v38 =	vadd.f32 v38, v41;
	v39 =	vld [tilespmem:s18+$0x810]  }
0x159: {  	[tilespmem:s18+$0x430] =	vst v40;
	v37 =	vadd.f32 v37, v42;
	v40 =	vld [tilespmem:s18+$0x820]  }
0x15a: {  	[tilespmem:s18+$0x440] =	vst v38;
	v36 =	vadd.f32 v36, v43;
	v38 =	vld [tilespmem:s18+$0x830]  }
0x15b: {  	[tilespmem:s18+$0x450] =	vst v37;
	v35 =	vadd.f32 v35, v44;
	v37 =	vld [tilespmem:s18+$0x840]  }
0x15c: {  	[tilespmem:s18+$0x460] =	vst v36;
	v34 =	vadd.f32 v34, v45;
	v36 =	vld [tilespmem:s18+$0x850]  }
0x15d: {  	[tilespmem:s18+$0x470] =	vst v35;
	v33 =	vadd.f32 v33, v39;
	v35 =	vld [tilespmem:s18+$0x860]  }
0x15e: {  	[tilespmem:s18+$0x800] =	vst v34;
	v32 =	vadd.f32 v32, v40;
	v34 =	vld [tilespmem:s18+$0x870]  }
0x15f: {  	[tilespmem:s18+$0x810] =	vst v33;
	v31 =	vadd.f32 v31, v38;
	v33 =	vld [tilespmem:s18+$0xC00]  }
0x160: {  	[tilespmem:s18+$0x820] =	vst v32;
	v30 =	vadd.f32 v30, v37;
	v32 =	vld [tilespmem:s18+$0xC10]  }
0x161: {  	[tilespmem:s18+$0x830] =	vst v31;
	v29 =	vadd.f32 v29, v36;
	v31 =	vld [tilespmem:s18+$0xC20]  }
0x162: {  	[tilespmem:s18+$0x840] =	vst v30;
	v28 =	vadd.f32 v28, v35;
	v30 =	vld [tilespmem:s18+$0xC30]  }
0x163: {  	[tilespmem:s18+$0x850] =	vst v29;
	v27 =	vadd.f32 v27, v34;
	v29 =	vld [tilespmem:s18+$0xC40]  }
0x164: {  	[tilespmem:s18+$0x860] =	vst v28;
	v26 =	vadd.f32 v26, v33;
	v28 =	vld [tilespmem:s18+$0xC50]  }
0x165: {  	[tilespmem:s18+$0x870] =	vst v27;
	v25 =	vadd.f32 v25, v32;
	v27 =	vld [tilespmem:s18+$0xC60]  }
0x166: {  	[tilespmem:s18+$0xC00] =	vst v26;
	v24 =	vadd.f32 v24, v31;
	v26 =	vld [tilespmem:s18+$0xC70]  }
0x167: {  	[tilespmem:s18+$0xC10] =	vst v25;
	v23 =	vadd.f32 v23, v30;
	v25 =	vld [tilespmem:s18+$0x1000]  }
0x168: {  	[tilespmem:s18+$0xC20] =	vst v24;
	v22 =	vadd.f32 v22, v29;
	v24 =	vld [tilespmem:s18+$0x1010]  }
0x169: {  	[tilespmem:s18+$0xC30] =	vst v23;
	v21 =	vadd.f32 v21, v28;
	v23 =	vld [tilespmem:s18+$0x1020]  }
0x16a: {  	[tilespmem:s18+$0xC40] =	vst v22;
	v20 =	vadd.f32 v20, v27;
	v22 =	vld [tilespmem:s18+$0x1030]  }
0x16b: {  	[tilespmem:s18+$0xC50] =	vst v21;
	v19 =	vadd.f32 v19, v26;
	v21 =	vld [tilespmem:s18+$0x1040]  }
0x16c: {  	[tilespmem:s18+$0xC60] =	vst v20;
	v18 =	vadd.f32 v18, v25;
	v20 =	vld [tilespmem:s18+$0x1050]  }
0x16d: {  	[tilespmem:s18+$0xC70] =	vst v19;
	v17 =	vadd.f32 v17, v24;
	v19 =	vld [tilespmem:s18+$0x1060]  }
.Ltmp0:
0x16e: {  	[tilespmem:s18+$0x1000] =	vst v18;
	v18 =	vadd.f32 v16, v23;
	v16 =	vld [tilespmem:s18+$0x1070];
	(pc) =	sbr.rel @p0 .LBB2_2-.Ltmp0, $4  }
0x16f: {  	[tilespmem:s18+$0x1010] =	vst v17;
	v17 =	vadd.f32 v15, v22;
	v15 =	vld [tilespmem:s18+$0x1400]  }
0x170: {  	[tilespmem:s18+$0x1020] =	vst v18;
	v21 =	vadd.f32 v14, v21;
	v14 =	vld [tilespmem:s18+$0x1410]  }
0x171: {  	[tilespmem:s18+$0x1030] =	vst v17;
	v18 =	vadd.f32 v13, v20;
	v13 =	vld [tilespmem:s18+$0x1420]  }
0x172: {  	s19 =	sadd.s32 $0x1, s19;
	[tilespmem:s18+$0x1040] =	vst v21;
	v17 =	vadd.f32 v12, v19;
	v12 =	vld [tilespmem:s18+$0x1430]  }
0x173: {  	[tilespmem:s18+$0x1050] =	vst v18;
	v60 =	vld [tilespmem:s18+$0x1440];
	v11 =	vadd.f32 v11, v16  }
0x174: {  	v61 =	vld [tilespmem:s18+$0x1450];
	[tilespmem:s18+$0x1060] =	vst v17;
	v10 =	vadd.f32 v10, v15  }
0x175: {  	v62 =	vld [tilespmem:s18+$0x1460];
	[tilespmem:s18+$0x1070] =	vst v11;
	v9 =	vadd.f32 v9, v14  }
0x176: {  	v63 =	vld [tilespmem:s18+$0x1470];
	[tilespmem:s18+$0x1400] =	vst v10;
	v8 =	vadd.f32 v8, v13  }
0x177: {  	[tilespmem:s18+$0x1410] =	vst v9;
	v7 =	vadd.f32 v7, v12  }
0x178: {  	[tilespmem:s18+$0x1420] =	vst v8;
	v6 =	vadd.f32 v6, v60  }
0x179: {  	v5 =	vadd.f32 v5, v61;
	[tilespmem:s18+$0x1430] =	vst v7  }
0x17a: {  	v4 =	vadd.f32 v4, v62;
	[tilespmem:s18+$0x1440] =	vst v6  }
0x17b: {  	s17 =	sadd.s32 $0x1, s17;
	v3 =	vadd.f32 v3, v63;
	[tilespmem:s18+$0x1450] =	vst v5  }
0x17c: {  	p0 =	sne.s32 s17, s9;
	[tilespmem:s18+$0x1460] =	vst v4  }
.Ltmp1:
0x17d: {  	[tilespmem:s18+$0x1470] =	vst v3;
	(pc) =	sbr.rel @p0 .LBB2_1-.Ltmp1, $4  }
0x17e: {  	[hbm4b:s8+s2] =	stream.linear.scatter [tilespmem:s2], [sflag:$0x2], $0xC000, $0x38;
	[tilespmem:$0x18100] =	vst v63  }
0x17f: {  	_ =	swait.ge [sflag:s11], $0xC000  }
0x180: {  	[sflag:s11] =	ssyncset.done $0x0  }
0x181: {  	[sflag:s11] =	ssyncadd.s32 $0xFFFF4000  }
0x182: {  	_ =	sfence.sel $0x180000  }
0x183: {  	[bflag:$0x0] =	sbarrier.arrive $0xFFFF  }
0x184: {  	_ =	strace $0x9000004A  }
0x185: {  	s0 =	stileid.u32;
	[bflag:$0x2] =	sbarrier.arrive $0xFFFF  }
0x186: {  	p0 =	sne.s32 s0, $0x0;
	s0 =	rddreg [dreg:$0x2]  }
0x187: {  	s0 =	sadd.s32 @!p0 $0x100000, s0  }
0x188: {  	[sflag:s0] =	ssyncadd.tile.s32 @!p0 $0x1;
	_ =	shalt  }
.Lfunc_end2:
_tile_overlayer_lowered:
.L_overlay_start_2:
0x189: {  	(tag) =	ssettag $0x2  }
0x18a: {  	s0 =	rddreg [dreg:$0x0];
	s2 =	stileid.u32  }
0x18b: {  	s1 =	rddreg [dreg:$0x1];
	p0 =	sne.s32 s2, $0x0  }
0x18c: {  	s3 =	rddreg [dreg:$0x2];
	[bflag:$0x3] =	sbarrier.arrive $0xFFFF;
	s2 =	simm.s32 @!p0 $0x1C02  }
0x18d: {  	[timem:s3], [sflag:s2] =	dma.local @!p0 [hbm:s0], s1  }
0x18e: {  	s0 =	simm.s32 @!p0 $0x2  }
0x18f: {  	_ =	swait.ge @!p0 [sflag:s0], s1  }
0x190: {  	s1 =	ssub.s32 @!p0 $0x0, s1;
	[sflag:s0] =	ssyncset.done @!p0 $0x0  }
0x191: {  	[sflag:s0] =	ssyncadd.s32 @!p0 s1  }
0x192: {  	[bflag:$0x3] =	sbarrier.arrive $0xFFFF  }
0x193: {  	_ =	shalt  }

</sc_bundles>
